<compile_context>
chip_gen: v7x
topology: tpu7x:2x2x1
jax: 0.10.2.dev20260603
libtpu: 0.0.44.dev20260713+nightly
codegen_flags: <defaults>
</compile_context>

<pallas_src>
import functools

import jax
import jax.numpy as jnp
import numpy as np
from jax import lax
from jax.experimental import pallas as pl
from jax.experimental.pallas import tpu as pltpu
from jax.experimental.pallas import tpu_sc as plsc

_BN = 1.0 / np.sqrt(1.0 + 1e-5)
_SUB = 8
_NW = 32



def _gather_rows_sc_body(table_hbm, gidx_hbm, out_hbm, idx_v, rows_v, sem,
                         *, R, W, CH):
    wid = lax.axis_index("s") * 2 + lax.axis_index("c")
    rpw = R // _NW
    base = wid * rpw

    def blk(i, _):
        off = base + i * CH
        pltpu.sync_copy(gidx_hbm.at[pl.ds(off, CH)], idx_v)
        pltpu.async_copy(table_hbm.at[idx_v], rows_v, sem).wait()
        pltpu.sync_copy(rows_v, out_hbm.at[pl.ds(off, CH)])
        return 0

    lax.fori_loop(0, rpw // CH, blk, 0)


def _gather_rows_sc(table, gidx):
    T, W = table.shape
    R = gidx.shape[0]
    CH = R // _NW
    while CH > 512 or (CH * W * 4 > 128 * 1024):
        CH //= 2
    while (R // _NW) % CH != 0:
        CH //= 2
    mesh = plsc.VectorSubcoreMesh(core_axis_name="c", subcore_axis_name="s")
    kfn = pl.kernel(
        functools.partial(_gather_rows_sc_body, R=R, W=W, CH=CH),
        out_type=jax.ShapeDtypeStruct((R, W), jnp.float32),
        mesh=mesh,
        compiler_params=pltpu.CompilerParams(use_tc_tiling_on_sc=False),
        scratch_types=[
            pltpu.VMEM((CH,), jnp.int32),
            pltpu.VMEM((CH, W), jnp.float32),
            pltpu.SemaphoreType.DMA,
        ],
    )
    return kfn(table, gidx)



def _fps2_kbody(x_ref, y_ref, z_ref, xyzr_ref, inds_ref, cen_ref, *, npoint, N, B):
    LN = N // _SUB
    iota = (lax.broadcasted_iota(jnp.int32, (_SUB, LN), 0) * LN
            + lax.broadcasted_iota(jnp.int32, (_SUB, LN), 1))
    xs = [x_ref[b] for b in range(B)]
    ys = [y_ref[b] for b in range(B)]
    zs = [z_ref[b] for b in range(B)]

    def body(i, carry):
        dists, far = carry
        dists2, far2 = [], []
        for b in range(B):
            inds_ref[b, pl.ds(i, 1), :] = far[b][None, None]
            crow = xyzr_ref[b, pl.ds(far[b], 1), :]
            cen_ref[b, pl.ds(i, 1), :] = crow
            cx = crow[0, 0]
            cy = crow[0, 1]
            cz = crow[0, 2]
            dx = xs[b] - cx
            dy = ys[b] - cy
            dz = zs[b] - cz
            d = dx * dx + dy * dy
            d = d + dz * dz
            db = jnp.minimum(dists[b], d)
            m = jnp.max(db)
            fb = jnp.min(jnp.where(db == m, iota, N)).astype(jnp.int32)
            dists2.append(db)
            far2.append(fb)
        return tuple(dists2), tuple(far2)

    d0 = tuple(jnp.full((_SUB, LN), 1e10, jnp.float32) for _ in range(B))
    f0 = tuple(jnp.int32(0) for _ in range(B))
    lax.fori_loop(0, npoint, body, (d0, f0))


def fps2_pallas(xyz, npoint):
    B, N, _ = xyz.shape
    LN = N // _SUB
    xt = jnp.moveaxis(xyz, -1, 1).reshape(B, 3, _SUB, LN)
    x, y, z = xt[:, 0], xt[:, 1], xt[:, 2]
    inds, cen = pl.pallas_call(
        functools.partial(_fps2_kbody, npoint=npoint, N=N, B=B),
        grid=(),
        in_specs=[
            pl.BlockSpec((B, _SUB, LN), lambda: (0, 0, 0)),
            pl.BlockSpec((B, _SUB, LN), lambda: (0, 0, 0)),
            pl.BlockSpec((B, _SUB, LN), lambda: (0, 0, 0)),
            pl.BlockSpec((B, N, 3), lambda: (0, 0, 0)),
        ],
        out_specs=[
            pl.BlockSpec((B, npoint, 1), lambda: (0, 0, 0)),
            pl.BlockSpec((B, npoint, 3), lambda: (0, 0, 0)),
        ],
        out_shape=[
            jax.ShapeDtypeStruct((B, npoint, 1), jnp.int32),
            jax.ShapeDtypeStruct((B, npoint, 3), jnp.float32),
        ],
    )(x, y, z, xyz)
    return inds[..., 0], cen




def _mlp_max_kbody(rows_ref, cen_ref, w1_ref, b1_ref, w2_ref, b2_ref,
                   w3_ref, b3_ref, out_ref, *, K, radius):
    rows = rows_ref[...]
    TR = rows.shape[0]
    G = TR // K
    c3 = cen_ref[...][:, 0:3]
    cb = jnp.broadcast_to(c3[:, None, :], (G, K, 3)).reshape(TR, 3)
    gxn = (rows[:, 0:3] - cb) / radius
    x_in = jnp.concatenate([gxn, rows[:, 3:]], axis=1)
    h = jnp.dot(x_in, w1_ref[...], preferred_element_type=jnp.float32)
    h = jnp.maximum((h + b1_ref[...]) * _BN, 0.0)
    h = jnp.dot(h, w2_ref[...], preferred_element_type=jnp.float32)
    h = jnp.maximum((h + b2_ref[...]) * _BN, 0.0)
    h = jnp.dot(h, w3_ref[...], preferred_element_type=jnp.float32)
    h = jnp.maximum((h + b3_ref[...]) * _BN, 0.0)
    out_ref[...] = jnp.max(h.reshape(G, K, h.shape[1]), axis=1)


def _mlp_max_pallas(rows, cen, layers, K, radius):
    R, Wpad = rows.shape
    (W1, b1), (W2, b2), (W3, b3) = layers
    W1p = jnp.concatenate(
        [W1, jnp.zeros((Wpad - W1.shape[0], W1.shape[1]), jnp.float32)], axis=0)
    TR = 2048
    while R % TR != 0:
        TR //= 2
    grid = (R // TR,)
    Cout = W3.shape[1]
    zer = lambda i: (0, 0)
    out = pl.pallas_call(
        functools.partial(_mlp_max_kbody, K=K, radius=radius),
        grid=grid,
        in_specs=[
            pl.BlockSpec((TR, Wpad), lambda i: (i, 0)),
            pl.BlockSpec((TR // K, 8), lambda i: (i, 0)),
            pl.BlockSpec(W1p.shape, zer), pl.BlockSpec((1, b1.shape[0]), zer),
            pl.BlockSpec(W2.shape, zer), pl.BlockSpec((1, b2.shape[0]), zer),
            pl.BlockSpec(W3.shape, zer), pl.BlockSpec((1, b3.shape[0]), zer),
        ],
        out_specs=pl.BlockSpec((TR // K, Cout), lambda i: (i, 0)),
        out_shape=jax.ShapeDtypeStruct((R // K, Cout), jnp.float32),
    )(rows, cen, W1p, b1[None], W2, b2[None], W3, b3[None])
    return out


def _bqidx_kbody(pts_ref, cen_ref, idx_ref, *, N, K, CH, r2):
    TS = cen_ref.shape[0]
    xn = pts_ref[0:1, :]
    yn = pts_ref[1:2, :]
    zn = pts_ref[2:3, :]
    cx = cen_ref[:, 0:1]
    cy = cen_ref[:, 1:2]
    cz = cen_ref[:, 2:3]
    dx = cx - xn
    dy = cy - yn
    dz = cz - zn
    d2 = dx * dx + dy * dy
    d2 = d2 + dz * dz
    mf = jnp.where(d2 <= r2, 1.0, 0.0).astype(jnp.float32)
    l128a = lax.broadcasted_iota(jnp.int32, (128, 128), 0)
    l128b = lax.broadcasted_iota(jnp.int32, (128, 128), 1)
    T128 = jnp.where(l128a <= l128b, 1.0, 0.0).astype(jnp.float32)
    m3 = mf.reshape(TS, CH, 128)
    ic3 = lax.dot_general(m3, T128, (((2,), (0,)), ((), ())),
                          preferred_element_type=jnp.float32)
    cnt = ic3[:, :, 127]
    lca = lax.broadcasted_iota(jnp.int32, (CH, CH), 0)
    lcb = lax.broadcasted_iota(jnp.int32, (CH, CH), 1)
    TCH = jnp.where(lca <= lcb, 1.0, 0.0).astype(jnp.float32)
    Cin = jnp.dot(cnt, TCH, preferred_element_type=jnp.float32)
    Cex = Cin - cnt
    kio = lax.broadcasted_iota(jnp.int32, (1, 1, K), 2).astype(jnp.float32)
    below_in = jnp.where(Cin[:, :, None] <= kio, 1.0, 0.0)
    below_ex = jnp.where(Cex[:, :, None] <= kio, 1.0, 0.0)
    F = jnp.sum(below_in, axis=1)
    P = below_ex - below_in
    Cex_sel = jnp.sum(P * Cex[:, :, None], axis=1)
    hasP = jnp.sum(P, axis=1)
    sel = lax.dot_general(P, ic3, (((1,), (1,)), ((0,), (0,))),
                          preferred_element_type=jnp.float32)
    kio2 = lax.broadcasted_iota(jnp.int32, (TS, K), 1).astype(jnp.float32)
    t = kio2 - Cex_sel
    partial = jnp.sum(jnp.where(sel <= t[:, :, None], 1.0, 0.0), axis=2) * hasP
    idxi = (128.0 * F + partial).astype(jnp.int32)
    first = idxi[:, 0:1]
    idx_ref[...] = jnp.where(idxi >= N, jnp.broadcast_to(first, (TS, K)), idxi)


def bq_idx_pallas(xyz, cen, radius, K, interpret=False):
    B, N, _ = xyz.shape
    S = cen.shape[1]
    CH = N // 128
    r2 = np.float32(radius * radius)
    TS = min(128, S)
    cen_p = jnp.concatenate(
        [cen, jnp.zeros((B, S, 5), jnp.float32)], axis=-1)
    pts = xyz.transpose(0, 2, 1)
    idx = pl.pallas_call(
        functools.partial(_bqidx_kbody, N=N, K=K, CH=CH, r2=r2),
        grid=(B, S // TS),
        in_specs=[
            pl.BlockSpec((None, 3, N), lambda b, s: (b, 0, 0)),
            pl.BlockSpec((None, TS, 8), lambda b, s: (b, s, 0)),
        ],
        out_specs=pl.BlockSpec((None, TS, K), lambda b, s: (b, s, 0)),
        out_shape=jax.ShapeDtypeStruct((B, S, K), jnp.int32),
        interpret=interpret,
    )(pts, cen_p)
    return idx




def _sa_x(xyz, feats, npoint, radius, nsample, layers):
    B, N, _ = xyz.shape
    C = feats.shape[-1]
    K = nsample
    inds, new_xyz = fps2_pallas(xyz, npoint)
    idx = bq_idx_pallas(xyz, new_xyz, radius, K)
    Wpad = ((3 + C + 7) // 8) * 8
    table = jnp.concatenate(
        [xyz, feats, jnp.zeros((B, N, Wpad - 3 - C), jnp.float32)],
        axis=-1).reshape(B * N, Wpad)
    gidx = (idx + (jnp.arange(B, dtype=jnp.int32) * N)[:, None, None]).reshape(-1)
    rows = _gather_rows_sc(table, gidx)
    cen = jnp.concatenate(
        [new_xyz, jnp.zeros((B, npoint, 5), jnp.float32)], axis=-1
    ).reshape(B * npoint, 8)
    pooled = _mlp_max_pallas(rows, cen, layers, K, radius)
    return new_xyz, pooled.reshape(B, npoint, -1), inds



def _fp_kbody(u_ref, kT_ref, uf_ref, kf_ref, w1_ref, b1_ref, w2_ref, b2_ref,
              out_ref, *, NU, NK):
    ux = u_ref[...][:, 0:1]
    uy = u_ref[...][:, 1:2]
    uz = u_ref[...][:, 2:3]
    kx = kT_ref[0:1, :]
    ky = kT_ref[1:2, :]
    kz = kT_ref[2:3, :]
    dx = ux - kx
    dy = uy - ky
    dz = uz - kz
    d2 = dx * dx + dy * dy
    d2 = d2 + dz * dz
    iota_k = lax.broadcasted_iota(jnp.int32, (NU, NK), 1)
    A = jnp.zeros((NU, NK), jnp.float32)
    rsum = jnp.zeros((NU, 1), jnp.float32)
    for _ in range(3):
        mj = jnp.min(d2, axis=1, keepdims=True)
        idxj = jnp.min(jnp.where(d2 == mj, iota_k, NK), axis=1, keepdims=True)
        onehot = jnp.where(iota_k == idxj, 1.0, 0.0)
        recip = 1.0 / (mj + 1e-8)
        A = A + recip * onehot
        rsum = rsum + recip
        d2 = jnp.where(iota_k == idxj, jnp.inf, d2)
    A = A / rsum
    interp = jnp.dot(A, kf_ref[...], preferred_element_type=jnp.float32)
    x = jnp.concatenate([interp, uf_ref[...]], axis=1)
    h = jnp.dot(x, w1_ref[...], preferred_element_type=jnp.float32)
    h = jnp.maximum((h + b1_ref[...]) * _BN, 0.0)
    h = jnp.dot(h, w2_ref[...], preferred_element_type=jnp.float32)
    h = jnp.maximum((h + b2_ref[...]) * _BN, 0.0)
    out_ref[...] = h


def fp_pallas(unknown, known, unknown_feats, known_feats, layers, interpret=False):
    B, NU, _ = unknown.shape
    NK = known.shape[1]
    CU = unknown_feats.shape[-1]
    CK = known_feats.shape[-1]
    (W1, b1), (W2, b2) = layers
    Cout = W2.shape[1]
    kT = known.transpose(0, 2, 1)
    zer2 = lambda b: (0, 0)
    out = pl.pallas_call(
        functools.partial(_fp_kbody, NU=NU, NK=NK),
        grid=(B,),
        in_specs=[
            pl.BlockSpec((None, NU, 3), lambda b: (b, 0, 0)),
            pl.BlockSpec((None, 3, NK), lambda b: (b, 0, 0)),
            pl.BlockSpec((None, NU, CU), lambda b: (b, 0, 0)),
            pl.BlockSpec((None, NK, CK), lambda b: (b, 0, 0)),
            pl.BlockSpec(W1.shape, zer2), pl.BlockSpec((1, b1.shape[0]), zer2),
            pl.BlockSpec(W2.shape, zer2), pl.BlockSpec((1, b2.shape[0]), zer2),
        ],
        out_specs=pl.BlockSpec((None, NU, Cout), lambda b: (b, 0, 0)),
        out_shape=jax.ShapeDtypeStruct((B, NU, Cout), jnp.float32),
        interpret=interpret,
    )(unknown, kT, unknown_feats, known_feats, W1, b1[None], W2, b2[None])
    return out




def _fp_x(unknown, known, unknown_feats, known_feats, layers):
    return fp_pallas(unknown, known, unknown_feats, known_feats, layers)


def kernel(pointcloud, params):
    xyz = pointcloud[..., 0:3]
    feats = pointcloud[..., 3:]
    sa1_xyz, sa1_f, sa1_inds = _sa_x(xyz, feats, 2048, 0.2, 64, params['sa1'])
    sa2_xyz, sa2_f, sa2_inds = _sa_x(sa1_xyz, sa1_f, 1024, 0.4, 32, params['sa2'])
    sa3_xyz, sa3_f, sa3_inds = _sa_x(sa2_xyz, sa2_f, 512, 0.8, 16, params['sa3'])
    sa4_xyz, sa4_f, sa4_inds = _sa_x(sa3_xyz, sa3_f, 256, 1.2, 16, params['sa4'])
    f = _fp_x(sa3_xyz, sa4_xyz, sa3_f, sa4_f, params['fp1'])
    fp2_f = _fp_x(sa2_xyz, sa3_xyz, sa2_f, f, params['fp2'])
    fp2_inds = sa1_inds[:, :fp2_f.shape[1]]
    return (sa1_xyz, sa1_f, sa1_inds, sa2_xyz, sa2_f, sa2_inds, sa3_xyz, sa3_f,
            sa4_xyz, sa4_f, fp2_f, sa2_xyz, fp2_inds)

# --- scband reference (transcript-rebuilt; emitter-appended) ---
"""Pipeline reference for scband-pointnet2-backbone-85950885527740 (READ-ONLY COPY).

The authoritative reference and input builder live on the scoring server;
editing this copy changes nothing except your own understanding.
"""

import jax, jax.numpy as jnp
import numpy as np

BN_SCALE = 1.0 / np.sqrt(1.0 + 1e-5)  # BatchNorm in eval mode with default running stats (mean=0, var=1, gamma=1, beta=0)


def _mlp_params(key, dims):
    layers = []
    for i in range(len(dims) - 1):
        key, k = jax.random.split(key)
        W = jax.random.normal(k, (dims[i], dims[i + 1]), jnp.float32) * 0.02
        b = jnp.zeros((dims[i + 1],), jnp.float32)
        layers.append((W, b))
    return layers


def _mlp_apply(x, layers):
    for (W, b) in layers:
        x = x @ W + b
        x = x * BN_SCALE
        x = jax.nn.relu(x)
    return x


def _gather(x, idx):
    # x: [B, N, C]; idx: [B, S] or [B, S, K]
    if idx.ndim == 2:
        return jnp.take_along_axis(x, idx[..., None], axis=1)
    B, S, K = idx.shape
    g = jnp.take_along_axis(x, idx.reshape(B, S * K)[..., None], axis=1)
    return g.reshape(B, S, K, x.shape[-1])


def _fps(xyz, npoint):
    # furthest point sampling, seeded at index 0 (matches pointnet2 CUDA op)
    B, N, _ = xyz.shape

    def body(i, state):
        dists, inds, far = state
        inds = inds.at[:, i].set(far)
        cen = jnp.take_along_axis(xyz, far[:, None, None], axis=1)
        d = jnp.sum((xyz - cen) ** 2, -1)
        dists = jnp.minimum(dists, d)
        far = jnp.argmax(dists, -1).astype(jnp.int32)
        return dists, inds, far

    st = (jnp.full((B, N), 1e10, jnp.float32), jnp.zeros((B, npoint), jnp.int32), jnp.zeros((B,), jnp.int32))
    _, inds, _ = jax.lax.fori_loop(0, npoint, body, st)
    return inds


def _ball_query(radius, nsample, xyz, new_xyz):
    # first `nsample` points (in original index order) within radius; pad with first hit
    d2 = jnp.sum((new_xyz[:, :, None, :] - xyz[:, None, :, :]) ** 2, -1)  # [B, S, N]
    N = xyz.shape[1]
    order = jnp.where(d2 <= radius * radius, jnp.arange(N, dtype=jnp.float32)[None, None, :], jnp.inf)
    _, idx = jax.lax.top_k(-order, nsample)
    valid = jnp.take_along_axis(order, idx, axis=-1) < jnp.inf
    idx = jnp.where(valid, idx, idx[:, :, :1])
    return idx


def _sa(xyz, feats, npoint, radius, nsample, layers):
    inds = _fps(jax.lax.stop_gradient(xyz), npoint)
    new_xyz = _gather(xyz, inds)
    idx = _ball_query(radius, nsample, xyz, new_xyz)
    gx = (_gather(xyz, idx) - new_xyz[:, :, None, :]) / radius  # normalize_xyz=True
    g = jnp.concatenate([gx, _gather(feats, idx)], axis=-1)  # use_xyz=True (xyz first)
    h = _mlp_apply(g, layers)
    return new_xyz, jnp.max(h, axis=2), inds


def _fp(unknown, known, unknown_feats, known_feats, layers):
    d2 = jnp.sum((unknown[:, :, None, :] - known[:, None, :, :]) ** 2, -1)
    negd, idx = jax.lax.top_k(-d2, 3)
    recip = 1.0 / (-negd + 1e-8)  # pointnet2 three_nn returns squared distances
    w = recip / jnp.sum(recip, -1, keepdims=True)
    interp = jnp.sum(_gather(known_feats, idx) * w[..., None], axis=2)
    return _mlp_apply(jnp.concatenate([interp, unknown_feats], axis=-1), layers)


def setup_inputs(seed: int = 0):
    key = jax.random.key(seed)
    k_pc, k1, k2, k3, k4, k5, k6 = jax.random.split(key, 7)
    B, N, C_in = 2, 8192, 3
    pointcloud = jax.random.normal(k_pc, (B, N, 3 + C_in), jnp.float32)
    params = {
        'sa1': _mlp_params(k1, [C_in + 3, 64, 64, 128]),
        'sa2': _mlp_params(k2, [128 + 3, 128, 128, 256]),
        'sa3': _mlp_params(k3, [256 + 3, 128, 128, 256]),
        'sa4': _mlp_params(k4, [256 + 3, 128, 128, 256]),
        'fp1': _mlp_params(k5, [256 + 256, 256, 256]),
        'fp2': _mlp_params(k6, [256 + 256, 256, 288]),
    }
    return {'pointcloud': pointcloud, 'params': params}


def reference(pointcloud, params):
    xyz = pointcloud[..., 0:3]
    feats = pointcloud[..., 3:]
    sa1_xyz, sa1_f, sa1_inds = _sa(xyz, feats, 2048, 0.2, 64, params['sa1'])
    sa2_xyz, sa2_f, sa2_inds = _sa(sa1_xyz, sa1_f, 1024, 0.4, 32, params['sa2'])
    sa3_xyz, sa3_f, sa3_inds = _sa(sa2_xyz, sa2_f, 512, 0.8, 16, params['sa3'])
    sa4_xyz, sa4_f, sa4_inds = _sa(sa3_xyz, sa3_f, 256, 1.2, 16, params['sa4'])
    f = _fp(sa3_xyz, sa4_xyz, sa3_f, sa4_f, params['fp1'])
    fp2_f = _fp(sa2_xyz, sa3_xyz, sa2_f, f, params['fp2'])
    fp2_inds = sa1_inds[:, :fp2_f.shape[1]]
    return (sa1_xyz, sa1_f, sa1_inds, sa2_xyz, sa2_f, sa2_inds, sa3_xyz, sa3_f, sa4_xyz, sa4_f, fp2_f, sa2_xyz, fp2_inds)

if __name__ == "__main__":
    import jax
    _d = setup_inputs()
    print(jax.jit(kernel)(*tuple(_d.values())))

</pallas_src>

<mosaic_0001>
#map = affine_map<(d0, d1) -> (0, 0)>
#map1 = affine_map<(d0, d1) -> (0)>
module attributes {stable_mosaic.version = 14 : i64} {
  func.func @_gather_rows_sc_body(%arg0: i32, %arg1: i32, %arg2: memref<1024x264xf32, #tpu.memory_space<hbm>>, %arg3: memref<8192xi32, #tpu.memory_space<hbm>>, %arg4: memref<8192x264xf32, #tpu.memory_space<hbm>>, %arg5: memref<64xi32, #tpu.memory_space<vmem>>, %arg6: memref<64x264xf32, #tpu.memory_space<vmem>>, %arg7: memref<!tpu.dma_semaphore, #tpu.memory_space<semaphore_mem>>) attributes {dimension_semantics = [#tpu.dimension_semantics<core_parallel>, #tpu.dimension_semantics<subcore_parallel>], iteration_bounds = array<i64: 2, 16>, scalar_prefetch = 0 : i64, scratch_operands = 3 : i64, tpu.core_type = #tpu.core_type<sc_vector_subcore>, window_params = [{transform_indices = #map}, {transform_indices = #map1}, {transform_indices = #map}]} {
    %mul3A = arith.constant 2 : i32
    %mul3A_0 = arith.muli %arg1, %mul3A : i32
    %add3A = arith.addi %mul3A_0, %arg0 : i32
    %mul3A_1 = arith.constant 256 : i32
    %mul3A_2 = arith.muli %add3A, %mul3A_1 : i32
    %scan3A = arith.constant 0 : i32
    %scan3A_3 = arith.constant 0 : i32
    %scan3A_4 = arith.constant 4 : i32
    %scan3A_5 = arith.addi %scan3A_3, %scan3A_4 : i32
    %scan3A_6 = arith.constant 1 : i32
    %scan3A_7 = scf.for %scan3A_9 = %scan3A_3 to %scan3A_5 step %scan3A_6 iter_args(%scan3A_10 = %scan3A) -> (i32)  : i32 {
      %mul3A_11 = arith.constant 64 : i32
      %mul3A_12 = arith.muli %scan3A_9, %mul3A_11 : i32
      %add3A_13 = arith.addi %mul3A_2, %mul3A_12 : i32
      "tpu.region"() ({
        %run_scoped3A = tpu.sem_alloc : memref<!tpu.dma_semaphore, #tpu.memory_space<semaphore_mem>>
        %dma_start3A_19 = tpu.memref_slice %arg3[%add3A_13] : memref<8192xi32, #tpu.memory_space<hbm>> -> memref<64xi32, #tpu.memory_space<hbm>>
        %dma_start3A_20 = tpu.memref_slice %arg3[%add3A_13] : memref<8192xi32, #tpu.memory_space<hbm>> -> memref<64xi32, #tpu.memory_space<hbm>>
        tpu.enqueue_dma source(%dma_start3A_20 : memref<64xi32, #tpu.memory_space<hbm>>) target(%arg5 : memref<64xi32, #tpu.memory_space<vmem>>) target_semaphore(%run_scoped3A : memref<!tpu.dma_semaphore, #tpu.memory_space<semaphore_mem>>)
        %dma_wait3A_21 = tpu.memref_slice %arg3[%add3A_13] : memref<8192xi32, #tpu.memory_space<hbm>> -> memref<64xi32, #tpu.memory_space<hbm>>
        %dma_wait3A_22 = tpu.memref_slice %arg3[%add3A_13] : memref<8192xi32, #tpu.memory_space<hbm>> -> memref<64xi32, #tpu.memory_space<hbm>>
        tpu.wait_dma2 semaphore(%run_scoped3A : memref<!tpu.dma_semaphore, #tpu.memory_space<semaphore_mem>>) src(%dma_wait3A_22 : memref<64xi32, #tpu.memory_space<hbm>>) dst(%arg5 : memref<64xi32, #tpu.memory_space<vmem>>)
        tpu.yield
      }) : () -> ()
      %dma_start3A = arith.constant 0 : i32
      %dma_start3A_14 = arith.constant 0 : i32
      %dma_start3A_15 = tpu.memref_slice %arg2[%dma_start3A, %dma_start3A_14] : memref<1024x264xf32, #tpu.memory_space<hbm>> -> memref<1024x264xf32, #tpu.memory_space<hbm>>
      tpu.enqueue_indirect_dma source(%dma_start3A_15 : memref<1024x264xf32, #tpu.memory_space<hbm>>) target(%arg6 : memref<64x264xf32, #tpu.memory_space<vmem>>) offsets(%arg5 : memref<64xi32, #tpu.memory_space<vmem>>) semaphore(%arg7 : memref<!tpu.dma_semaphore, #tpu.memory_space<semaphore_mem>>)
      %dma_wait3A = arith.constant 0 : i32
      %dma_wait3A_16 = arith.constant 0 : i32
      %dma_wait3A_17 = tpu.memref_slice %arg2[%dma_wait3A, %dma_wait3A_16] : memref<1024x264xf32, #tpu.memory_space<hbm>> -> memref<1024x264xf32, #tpu.memory_space<hbm>>
      tpu.wait_indirect_dma semaphore(%arg7 : memref<!tpu.dma_semaphore, #tpu.memory_space<semaphore_mem>>) src(%dma_wait3A_17 : memref<1024x264xf32, #tpu.memory_space<hbm>>) dst(%arg6 : memref<64x264xf32, #tpu.memory_space<vmem>>)
      "tpu.region"() ({
        %run_scoped3A = tpu.sem_alloc : memref<!tpu.dma_semaphore, #tpu.memory_space<semaphore_mem>>
        %dma_start3A_19 = arith.constant 0 : i32
        %dma_start3A_20 = tpu.memref_slice %arg4[%add3A_13, %dma_start3A_19] : memref<8192x264xf32, #tpu.memory_space<hbm>> -> memref<64x264xf32, #tpu.memory_space<hbm>>
        %dma_start3A_21 = arith.constant 0 : i32
        %dma_start3A_22 = tpu.memref_slice %arg4[%add3A_13, %dma_start3A_21] : memref<8192x264xf32, #tpu.memory_space<hbm>> -> memref<64x264xf32, #tpu.memory_space<hbm>>
        tpu.enqueue_dma source(%arg6 : memref<64x264xf32, #tpu.memory_space<vmem>>) target(%dma_start3A_22 : memref<64x264xf32, #tpu.memory_space<hbm>>) target_semaphore(%run_scoped3A : memref<!tpu.dma_semaphore, #tpu.memory_space<semaphore_mem>>)
        %dma_wait3A_23 = arith.constant 0 : i32
        %dma_wait3A_24 = tpu.memref_slice %arg4[%add3A_13, %dma_wait3A_23] : memref<8192x264xf32, #tpu.memory_space<hbm>> -> memref<64x264xf32, #tpu.memory_space<hbm>>
        %dma_wait3A_25 = arith.constant 0 : i32
        %dma_wait3A_26 = tpu.memref_slice %arg4[%add3A_13, %dma_wait3A_25] : memref<8192x264xf32, #tpu.memory_space<hbm>> -> memref<64x264xf32, #tpu.memory_space<hbm>>
        tpu.wait_dma2 semaphore(%run_scoped3A : memref<!tpu.dma_semaphore, #tpu.memory_space<semaphore_mem>>) src(%arg6 : memref<64x264xf32, #tpu.memory_space<vmem>>) dst(%dma_wait3A_26 : memref<64x264xf32, #tpu.memory_space<hbm>>)
        tpu.yield
      }) : () -> ()
      %scan3A_18 = arith.constant 0 : i32
      scf.yield %scan3A_18 : i32
    }
    %scan3A_8 = arith.constant 4 : i32
    return
  }
}

#map = affine_map<(d0, d1) -> (0, 0)>
#map1 = affine_map<(d0, d1) -> (0)>
module attributes {stable_mosaic.version = 14 : i64} {
  func.func @_gather_rows_sc_body(%arg0: i32, %arg1: i32, %arg2: memref<16384x8xf32, #tpu.memory_space<hbm>>, %arg3: memref<262144xi32, #tpu.memory_space<hbm>>, %arg4: memref<262144x8xf32, #tpu.memory_space<hbm>>, %arg5: memref<512xi32, #tpu.memory_space<vmem>>, %arg6: memref<512x8xf32, #tpu.memory_space<vmem>>, %arg7: memref<!tpu.dma_semaphore, #tpu.memory_space<semaphore_mem>>) attributes {dimension_semantics = [#tpu.dimension_semantics<core_parallel>, #tpu.dimension_semantics<subcore_parallel>], iteration_bounds = array<i64: 2, 16>, scalar_prefetch = 0 : i64, scratch_operands = 3 : i64, tpu.core_type = #tpu.core_type<sc_vector_subcore>, window_params = [{transform_indices = #map}, {transform_indices = #map1}, {transform_indices = #map}]} {
    %mul3A = arith.constant 2 : i32
    %mul3A_0 = arith.muli %arg1, %mul3A : i32
    %add3A = arith.addi %mul3A_0, %arg0 : i32
    %mul3A_1 = arith.constant 8192 : i32
    %mul3A_2 = arith.muli %add3A, %mul3A_1 : i32
    %scan3A = arith.constant 0 : i32
    %scan3A_3 = arith.constant 0 : i32
    %scan3A_4 = arith.constant 16 : i32
    %scan3A_5 = arith.addi %scan3A_3, %scan3A_4 : i32
    %scan3A_6 = arith.constant 1 : i32
    %scan3A_7 = scf.for %scan3A_9 = %scan3A_3 to %scan3A_5 step %scan3A_6 iter_args(%scan3A_10 = %scan3A) -> (i32)  : i32 {
      %mul3A_11 = arith.constant 512 : i32
      %mul3A_12 = arith.muli %scan3A_9, %mul3A_11 : i32
      %add3A_13 = arith.addi %mul3A_2, %mul3A_12 : i32
      "tpu.region"() ({
        %run_scoped3A = tpu.sem_alloc : memref<!tpu.dma_semaphore, #tpu.memory_space<semaphore_mem>>
        %dma_start3A_19 = tpu.memref_slice %arg3[%add3A_13] : memref<262144xi32, #tpu.memory_space<hbm>> -> memref<512xi32, #tpu.memory_space<hbm>>
        %dma_start3A_20 = tpu.memref_slice %arg3[%add3A_13] : memref<262144xi32, #tpu.memory_space<hbm>> -> memref<512xi32, #tpu.memory_space<hbm>>
        tpu.enqueue_dma source(%dma_start3A_20 : memref<512xi32, #tpu.memory_space<hbm>>) target(%arg5 : memref<512xi32, #tpu.memory_space<vmem>>) target_semaphore(%run_scoped3A : memref<!tpu.dma_semaphore, #tpu.memory_space<semaphore_mem>>)
        %dma_wait3A_21 = tpu.memref_slice %arg3[%add3A_13] : memref<262144xi32, #tpu.memory_space<hbm>> -> memref<512xi32, #tpu.memory_space<hbm>>
        %dma_wait3A_22 = tpu.memref_slice %arg3[%add3A_13] : memref<262144xi32, #tpu.memory_space<hbm>> -> memref<512xi32, #tpu.memory_space<hbm>>
        tpu.wait_dma2 semaphore(%run_scoped3A : memref<!tpu.dma_semaphore, #tpu.memory_space<semaphore_mem>>) src(%dma_wait3A_22 : memref<512xi32, #tpu.memory_space<hbm>>) dst(%arg5 : memref<512xi32, #tpu.memory_space<vmem>>)
        tpu.yield
      }) : () -> ()
      %dma_start3A = arith.constant 0 : i32
      %dma_start3A_14 = arith.constant 0 : i32
      %dma_start3A_15 = tpu.memref_slice %arg2[%dma_start3A, %dma_start3A_14] : memref<16384x8xf32, #tpu.memory_space<hbm>> -> memref<16384x8xf32, #tpu.memory_space<hbm>>
      tpu.enqueue_indirect_dma source(%dma_start3A_15 : memref<16384x8xf32, #tpu.memory_space<hbm>>) target(%arg6 : memref<512x8xf32, #tpu.memory_space<vmem>>) offsets(%arg5 : memref<512xi32, #tpu.memory_space<vmem>>) semaphore(%arg7 : memref<!tpu.dma_semaphore, #tpu.memory_space<semaphore_mem>>)
      %dma_wait3A = arith.constant 0 : i32
      %dma_wait3A_16 = arith.constant 0 : i32
      %dma_wait3A_17 = tpu.memref_slice %arg2[%dma_wait3A, %dma_wait3A_16] : memref<16384x8xf32, #tpu.memory_space<hbm>> -> memref<16384x8xf32, #tpu.memory_space<hbm>>
      tpu.wait_indirect_dma semaphore(%arg7 : memref<!tpu.dma_semaphore, #tpu.memory_space<semaphore_mem>>) src(%dma_wait3A_17 : memref<16384x8xf32, #tpu.memory_space<hbm>>) dst(%arg6 : memref<512x8xf32, #tpu.memory_space<vmem>>)
      "tpu.region"() ({
        %run_scoped3A = tpu.sem_alloc : memref<!tpu.dma_semaphore, #tpu.memory_space<semaphore_mem>>
        %dma_start3A_19 = arith.constant 0 : i32
        %dma_start3A_20 = tpu.memref_slice %arg4[%add3A_13, %dma_start3A_19] : memref<262144x8xf32, #tpu.memory_space<hbm>> -> memref<512x8xf32, #tpu.memory_space<hbm>>
        %dma_start3A_21 = arith.constant 0 : i32
        %dma_start3A_22 = tpu.memref_slice %arg4[%add3A_13, %dma_start3A_21] : memref<262144x8xf32, #tpu.memory_space<hbm>> -> memref<512x8xf32, #tpu.memory_space<hbm>>
        tpu.enqueue_dma source(%arg6 : memref<512x8xf32, #tpu.memory_space<vmem>>) target(%dma_start3A_22 : memref<512x8xf32, #tpu.memory_space<hbm>>) target_semaphore(%run_scoped3A : memref<!tpu.dma_semaphore, #tpu.memory_space<semaphore_mem>>)
        %dma_wait3A_23 = arith.constant 0 : i32
        %dma_wait3A_24 = tpu.memref_slice %arg4[%add3A_13, %dma_wait3A_23] : memref<262144x8xf32, #tpu.memory_space<hbm>> -> memref<512x8xf32, #tpu.memory_space<hbm>>
        %dma_wait3A_25 = arith.constant 0 : i32
        %dma_wait3A_26 = tpu.memref_slice %arg4[%add3A_13, %dma_wait3A_25] : memref<262144x8xf32, #tpu.memory_space<hbm>> -> memref<512x8xf32, #tpu.memory_space<hbm>>
        tpu.wait_dma2 semaphore(%run_scoped3A : memref<!tpu.dma_semaphore, #tpu.memory_space<semaphore_mem>>) src(%arg6 : memref<512x8xf32, #tpu.memory_space<vmem>>) dst(%dma_wait3A_26 : memref<512x8xf32, #tpu.memory_space<hbm>>)
        tpu.yield
      }) : () -> ()
      %scan3A_18 = arith.constant 0 : i32
      scf.yield %scan3A_18 : i32
    }
    %scan3A_8 = arith.constant 16 : i32
    return
  }
}

#map = affine_map<(d0, d1) -> (0, 0)>
#map1 = affine_map<(d0, d1) -> (0)>
module attributes {stable_mosaic.version = 14 : i64} {
  func.func @_gather_rows_sc_body(%arg0: i32, %arg1: i32, %arg2: memref<4096x136xf32, #tpu.memory_space<hbm>>, %arg3: memref<65536xi32, #tpu.memory_space<hbm>>, %arg4: memref<65536x136xf32, #tpu.memory_space<hbm>>, %arg5: memref<128xi32, #tpu.memory_space<vmem>>, %arg6: memref<128x136xf32, #tpu.memory_space<vmem>>, %arg7: memref<!tpu.dma_semaphore, #tpu.memory_space<semaphore_mem>>) attributes {dimension_semantics = [#tpu.dimension_semantics<core_parallel>, #tpu.dimension_semantics<subcore_parallel>], iteration_bounds = array<i64: 2, 16>, scalar_prefetch = 0 : i64, scratch_operands = 3 : i64, tpu.core_type = #tpu.core_type<sc_vector_subcore>, window_params = [{transform_indices = #map}, {transform_indices = #map1}, {transform_indices = #map}]} {
    %mul3A = arith.constant 2 : i32
    %mul3A_0 = arith.muli %arg1, %mul3A : i32
    %add3A = arith.addi %mul3A_0, %arg0 : i32
    %mul3A_1 = arith.constant 2048 : i32
    %mul3A_2 = arith.muli %add3A, %mul3A_1 : i32
    %scan3A = arith.constant 0 : i32
    %scan3A_3 = arith.constant 0 : i32
    %scan3A_4 = arith.constant 16 : i32
    %scan3A_5 = arith.addi %scan3A_3, %scan3A_4 : i32
    %scan3A_6 = arith.constant 1 : i32
    %scan3A_7 = scf.for %scan3A_9 = %scan3A_3 to %scan3A_5 step %scan3A_6 iter_args(%scan3A_10 = %scan3A) -> (i32)  : i32 {
      %mul3A_11 = arith.constant 128 : i32
      %mul3A_12 = arith.muli %scan3A_9, %mul3A_11 : i32
      %add3A_13 = arith.addi %mul3A_2, %mul3A_12 : i32
      "tpu.region"() ({
        %run_scoped3A = tpu.sem_alloc : memref<!tpu.dma_semaphore, #tpu.memory_space<semaphore_mem>>
        %dma_start3A_19 = tpu.memref_slice %arg3[%add3A_13] : memref<65536xi32, #tpu.memory_space<hbm>> -> memref<128xi32, #tpu.memory_space<hbm>>
        %dma_start3A_20 = tpu.memref_slice %arg3[%add3A_13] : memref<65536xi32, #tpu.memory_space<hbm>> -> memref<128xi32, #tpu.memory_space<hbm>>
        tpu.enqueue_dma source(%dma_start3A_20 : memref<128xi32, #tpu.memory_space<hbm>>) target(%arg5 : memref<128xi32, #tpu.memory_space<vmem>>) target_semaphore(%run_scoped3A : memref<!tpu.dma_semaphore, #tpu.memory_space<semaphore_mem>>)
        %dma_wait3A_21 = tpu.memref_slice %arg3[%add3A_13] : memref<65536xi32, #tpu.memory_space<hbm>> -> memref<128xi32, #tpu.memory_space<hbm>>
        %dma_wait3A_22 = tpu.memref_slice %arg3[%add3A_13] : memref<65536xi32, #tpu.memory_space<hbm>> -> memref<128xi32, #tpu.memory_space<hbm>>
        tpu.wait_dma2 semaphore(%run_scoped3A : memref<!tpu.dma_semaphore, #tpu.memory_space<semaphore_mem>>) src(%dma_wait3A_22 : memref<128xi32, #tpu.memory_space<hbm>>) dst(%arg5 : memref<128xi32, #tpu.memory_space<vmem>>)
        tpu.yield
      }) : () -> ()
      %dma_start3A = arith.constant 0 : i32
      %dma_start3A_14 = arith.constant 0 : i32
      %dma_start3A_15 = tpu.memref_slice %arg2[%dma_start3A, %dma_start3A_14] : memref<4096x136xf32, #tpu.memory_space<hbm>> -> memref<4096x136xf32, #tpu.memory_space<hbm>>
      tpu.enqueue_indirect_dma source(%dma_start3A_15 : memref<4096x136xf32, #tpu.memory_space<hbm>>) target(%arg6 : memref<128x136xf32, #tpu.memory_space<vmem>>) offsets(%arg5 : memref<128xi32, #tpu.memory_space<vmem>>) semaphore(%arg7 : memref<!tpu.dma_semaphore, #tpu.memory_space<semaphore_mem>>)
      %dma_wait3A = arith.constant 0 : i32
      %dma_wait3A_16 = arith.constant 0 : i32
      %dma_wait3A_17 = tpu.memref_slice %arg2[%dma_wait3A, %dma_wait3A_16] : memref<4096x136xf32, #tpu.memory_space<hbm>> -> memref<4096x136xf32, #tpu.memory_space<hbm>>
      tpu.wait_indirect_dma semaphore(%arg7 : memref<!tpu.dma_semaphore, #tpu.memory_space<semaphore_mem>>) src(%dma_wait3A_17 : memref<4096x136xf32, #tpu.memory_space<hbm>>) dst(%arg6 : memref<128x136xf32, #tpu.memory_space<vmem>>)
      "tpu.region"() ({
        %run_scoped3A = tpu.sem_alloc : memref<!tpu.dma_semaphore, #tpu.memory_space<semaphore_mem>>
        %dma_start3A_19 = arith.constant 0 : i32
        %dma_start3A_20 = tpu.memref_slice %arg4[%add3A_13, %dma_start3A_19] : memref<65536x136xf32, #tpu.memory_space<hbm>> -> memref<128x136xf32, #tpu.memory_space<hbm>>
        %dma_start3A_21 = arith.constant 0 : i32
        %dma_start3A_22 = tpu.memref_slice %arg4[%add3A_13, %dma_start3A_21] : memref<65536x136xf32, #tpu.memory_space<hbm>> -> memref<128x136xf32, #tpu.memory_space<hbm>>
        tpu.enqueue_dma source(%arg6 : memref<128x136xf32, #tpu.memory_space<vmem>>) target(%dma_start3A_22 : memref<128x136xf32, #tpu.memory_space<hbm>>) target_semaphore(%run_scoped3A : memref<!tpu.dma_semaphore, #tpu.memory_space<semaphore_mem>>)
        %dma_wait3A_23 = arith.constant 0 : i32
        %dma_wait3A_24 = tpu.memref_slice %arg4[%add3A_13, %dma_wait3A_23] : memref<65536x136xf32, #tpu.memory_space<hbm>> -> memref<128x136xf32, #tpu.memory_space<hbm>>
        %dma_wait3A_25 = arith.constant 0 : i32
        %dma_wait3A_26 = tpu.memref_slice %arg4[%add3A_13, %dma_wait3A_25] : memref<65536x136xf32, #tpu.memory_space<hbm>> -> memref<128x136xf32, #tpu.memory_space<hbm>>
        tpu.wait_dma2 semaphore(%run_scoped3A : memref<!tpu.dma_semaphore, #tpu.memory_space<semaphore_mem>>) src(%arg6 : memref<128x136xf32, #tpu.memory_space<vmem>>) dst(%dma_wait3A_26 : memref<128x136xf32, #tpu.memory_space<hbm>>)
        tpu.yield
      }) : () -> ()
      %scan3A_18 = arith.constant 0 : i32
      scf.yield %scan3A_18 : i32
    }
    %scan3A_8 = arith.constant 16 : i32
    return
  }
}

#map = affine_map<(d0, d1) -> (0, 0)>
#map1 = affine_map<(d0, d1) -> (0)>
module attributes {stable_mosaic.version = 14 : i64} {
  func.func @_gather_rows_sc_body(%arg0: i32, %arg1: i32, %arg2: memref<2048x264xf32, #tpu.memory_space<hbm>>, %arg3: memref<16384xi32, #tpu.memory_space<hbm>>, %arg4: memref<16384x264xf32, #tpu.memory_space<hbm>>, %arg5: memref<64xi32, #tpu.memory_space<vmem>>, %arg6: memref<64x264xf32, #tpu.memory_space<vmem>>, %arg7: memref<!tpu.dma_semaphore, #tpu.memory_space<semaphore_mem>>) attributes {dimension_semantics = [#tpu.dimension_semantics<core_parallel>, #tpu.dimension_semantics<subcore_parallel>], iteration_bounds = array<i64: 2, 16>, scalar_prefetch = 0 : i64, scratch_operands = 3 : i64, tpu.core_type = #tpu.core_type<sc_vector_subcore>, window_params = [{transform_indices = #map}, {transform_indices = #map1}, {transform_indices = #map}]} {
    %mul3A = arith.constant 2 : i32
    %mul3A_0 = arith.muli %arg1, %mul3A : i32
    %add3A = arith.addi %mul3A_0, %arg0 : i32
    %mul3A_1 = arith.constant 512 : i32
    %mul3A_2 = arith.muli %add3A, %mul3A_1 : i32
    %scan3A = arith.constant 0 : i32
    %scan3A_3 = arith.constant 0 : i32
    %scan3A_4 = arith.constant 8 : i32
    %scan3A_5 = arith.addi %scan3A_3, %scan3A_4 : i32
    %scan3A_6 = arith.constant 1 : i32
    %scan3A_7 = scf.for %scan3A_9 = %scan3A_3 to %scan3A_5 step %scan3A_6 iter_args(%scan3A_10 = %scan3A) -> (i32)  : i32 {
      %mul3A_11 = arith.constant 64 : i32
      %mul3A_12 = arith.muli %scan3A_9, %mul3A_11 : i32
      %add3A_13 = arith.addi %mul3A_2, %mul3A_12 : i32
      "tpu.region"() ({
        %run_scoped3A = tpu.sem_alloc : memref<!tpu.dma_semaphore, #tpu.memory_space<semaphore_mem>>
        %dma_start3A_19 = tpu.memref_slice %arg3[%add3A_13] : memref<16384xi32, #tpu.memory_space<hbm>> -> memref<64xi32, #tpu.memory_space<hbm>>
        %dma_start3A_20 = tpu.memref_slice %arg3[%add3A_13] : memref<16384xi32, #tpu.memory_space<hbm>> -> memref<64xi32, #tpu.memory_space<hbm>>
        tpu.enqueue_dma source(%dma_start3A_20 : memref<64xi32, #tpu.memory_space<hbm>>) target(%arg5 : memref<64xi32, #tpu.memory_space<vmem>>) target_semaphore(%run_scoped3A : memref<!tpu.dma_semaphore, #tpu.memory_space<semaphore_mem>>)
        %dma_wait3A_21 = tpu.memref_slice %arg3[%add3A_13] : memref<16384xi32, #tpu.memory_space<hbm>> -> memref<64xi32, #tpu.memory_space<hbm>>
        %dma_wait3A_22 = tpu.memref_slice %arg3[%add3A_13] : memref<16384xi32, #tpu.memory_space<hbm>> -> memref<64xi32, #tpu.memory_space<hbm>>
        tpu.wait_dma2 semaphore(%run_scoped3A : memref<!tpu.dma_semaphore, #tpu.memory_space<semaphore_mem>>) src(%dma_wait3A_22 : memref<64xi32, #tpu.memory_space<hbm>>) dst(%arg5 : memref<64xi32, #tpu.memory_space<vmem>>)
        tpu.yield
      }) : () -> ()
      %dma_start3A = arith.constant 0 : i32
      %dma_start3A_14 = arith.constant 0 : i32
      %dma_start3A_15 = tpu.memref_slice %arg2[%dma_start3A, %dma_start3A_14] : memref<2048x264xf32, #tpu.memory_space<hbm>> -> memref<2048x264xf32, #tpu.memory_space<hbm>>
      tpu.enqueue_indirect_dma source(%dma_start3A_15 : memref<2048x264xf32, #tpu.memory_space<hbm>>) target(%arg6 : memref<64x264xf32, #tpu.memory_space<vmem>>) offsets(%arg5 : memref<64xi32, #tpu.memory_space<vmem>>) semaphore(%arg7 : memref<!tpu.dma_semaphore, #tpu.memory_space<semaphore_mem>>)
      %dma_wait3A = arith.constant 0 : i32
      %dma_wait3A_16 = arith.constant 0 : i32
      %dma_wait3A_17 = tpu.memref_slice %arg2[%dma_wait3A, %dma_wait3A_16] : memref<2048x264xf32, #tpu.memory_space<hbm>> -> memref<2048x264xf32, #tpu.memory_space<hbm>>
      tpu.wait_indirect_dma semaphore(%arg7 : memref<!tpu.dma_semaphore, #tpu.memory_space<semaphore_mem>>) src(%dma_wait3A_17 : memref<2048x264xf32, #tpu.memory_space<hbm>>) dst(%arg6 : memref<64x264xf32, #tpu.memory_space<vmem>>)
      "tpu.region"() ({
        %run_scoped3A = tpu.sem_alloc : memref<!tpu.dma_semaphore, #tpu.memory_space<semaphore_mem>>
        %dma_start3A_19 = arith.constant 0 : i32
        %dma_start3A_20 = tpu.memref_slice %arg4[%add3A_13, %dma_start3A_19] : memref<16384x264xf32, #tpu.memory_space<hbm>> -> memref<64x264xf32, #tpu.memory_space<hbm>>
        %dma_start3A_21 = arith.constant 0 : i32
        %dma_start3A_22 = tpu.memref_slice %arg4[%add3A_13, %dma_start3A_21] : memref<16384x264xf32, #tpu.memory_space<hbm>> -> memref<64x264xf32, #tpu.memory_space<hbm>>
        tpu.enqueue_dma source(%arg6 : memref<64x264xf32, #tpu.memory_space<vmem>>) target(%dma_start3A_22 : memref<64x264xf32, #tpu.memory_space<hbm>>) target_semaphore(%run_scoped3A : memref<!tpu.dma_semaphore, #tpu.memory_space<semaphore_mem>>)
        %dma_wait3A_23 = arith.constant 0 : i32
        %dma_wait3A_24 = tpu.memref_slice %arg4[%add3A_13, %dma_wait3A_23] : memref<16384x264xf32, #tpu.memory_space<hbm>> -> memref<64x264xf32, #tpu.memory_space<hbm>>
        %dma_wait3A_25 = arith.constant 0 : i32
        %dma_wait3A_26 = tpu.memref_slice %arg4[%add3A_13, %dma_wait3A_25] : memref<16384x264xf32, #tpu.memory_space<hbm>> -> memref<64x264xf32, #tpu.memory_space<hbm>>
        tpu.wait_dma2 semaphore(%run_scoped3A : memref<!tpu.dma_semaphore, #tpu.memory_space<semaphore_mem>>) src(%arg6 : memref<64x264xf32, #tpu.memory_space<vmem>>) dst(%dma_wait3A_26 : memref<64x264xf32, #tpu.memory_space<hbm>>)
        tpu.yield
      }) : () -> ()
      %scan3A_18 = arith.constant 0 : i32
      scf.yield %scan3A_18 : i32
    }
    %scan3A_8 = arith.constant 8 : i32
    return
  }
}

module attributes {stable_mosaic.version = 14 : i64} {
  func.func @_fps2_kbody(%arg0: memref<2x8x1024xf32, #tpu.memory_space<vmem>>, %arg1: memref<2x8x1024xf32, #tpu.memory_space<vmem>>, %arg2: memref<2x8x1024xf32, #tpu.memory_space<vmem>>, %arg3: memref<2x8192x3xf32, #tpu.memory_space<vmem>>, %arg4: memref<2x2048x1xi32, #tpu.memory_space<vmem>>, %arg5: memref<2x2048x3xf32, #tpu.memory_space<vmem>>) attributes {dimension_semantics = [], scalar_prefetch = 0 : i64, scratch_operands = 0 : i64, tpu.core_type = #tpu.core_type<tc>} {
    %iota3A = tpu.iota {dimensions = array<i32: 0>} : vector<8x1024xi32>
    %mul3A = arith.constant 1024 : i32
    %mul3A_0 = vector.broadcast %mul3A : i32 to vector<8x1024xi32>
    %mul3A_1 = arith.muli %iota3A, %mul3A_0 : vector<8x1024xi32>
    %iota3A_2 = tpu.iota {dimensions = array<i32: 1>} : vector<8x1024xi32>
    %add3A = arith.addi %mul3A_1, %iota3A_2 : vector<8x1024xi32>
    %get3A = arith.constant 0 : index
    %get3A_3 = arith.constant 0 : index
    %get3A_4 = arith.constant 0 : index
    %get3A_5 = vector.load %arg0[%get3A, %get3A_3, %get3A_4] : memref<2x8x1024xf32, #tpu.memory_space<vmem>>, vector<1x8x1024xf32>
    %get3A_6 = vector.shape_cast %get3A_5 : vector<1x8x1024xf32> to vector<8x1024xf32>
    %get3A_7 = arith.constant 1 : index
    %get3A_8 = arith.constant 0 : index
    %get3A_9 = arith.constant 0 : index
    %get3A_10 = vector.load %arg0[%get3A_7, %get3A_8, %get3A_9] : memref<2x8x1024xf32, #tpu.memory_space<vmem>>, vector<1x8x1024xf32>
    %get3A_11 = vector.shape_cast %get3A_10 : vector<1x8x1024xf32> to vector<8x1024xf32>
    %get3A_12 = arith.constant 0 : index
    %get3A_13 = arith.constant 0 : index
    %get3A_14 = arith.constant 0 : index
    %get3A_15 = vector.load %arg1[%get3A_12, %get3A_13, %get3A_14] : memref<2x8x1024xf32, #tpu.memory_space<vmem>>, vector<1x8x1024xf32>
    %get3A_16 = vector.shape_cast %get3A_15 : vector<1x8x1024xf32> to vector<8x1024xf32>
    %get3A_17 = arith.constant 1 : index
    %get3A_18 = arith.constant 0 : index
    %get3A_19 = arith.constant 0 : index
    %get3A_20 = vector.load %arg1[%get3A_17, %get3A_18, %get3A_19] : memref<2x8x1024xf32, #tpu.memory_space<vmem>>, vector<1x8x1024xf32>
    %get3A_21 = vector.shape_cast %get3A_20 : vector<1x8x1024xf32> to vector<8x1024xf32>
    %get3A_22 = arith.constant 0 : index
    %get3A_23 = arith.constant 0 : index
    %get3A_24 = arith.constant 0 : index
    %get3A_25 = vector.load %arg2[%get3A_22, %get3A_23, %get3A_24] : memref<2x8x1024xf32, #tpu.memory_space<vmem>>, vector<1x8x1024xf32>
    %get3A_26 = vector.shape_cast %get3A_25 : vector<1x8x1024xf32> to vector<8x1024xf32>
    %get3A_27 = arith.constant 1 : index
    %get3A_28 = arith.constant 0 : index
    %get3A_29 = arith.constant 0 : index
    %get3A_30 = vector.load %arg2[%get3A_27, %get3A_28, %get3A_29] : memref<2x8x1024xf32, #tpu.memory_space<vmem>>, vector<1x8x1024xf32>
    %get3A_31 = vector.shape_cast %get3A_30 : vector<1x8x1024xf32> to vector<8x1024xf32>
    %broadcast_in_dim3A = arith.constant 1.000000e+10 : f32
    %broadcast_in_dim3A_32 = vector.broadcast %broadcast_in_dim3A : f32 to vector<8x1024xf32>
    %broadcast_in_dim3A_33 = arith.constant 1.000000e+10 : f32
    %broadcast_in_dim3A_34 = vector.broadcast %broadcast_in_dim3A_33 : f32 to vector<8x1024xf32>
    %scan3A = arith.constant 0 : i32
    %scan3A_35 = arith.constant 0 : i32
    %scan3A_36 = arith.constant 0 : i32
    %scan3A_37 = arith.constant 2048 : i32
    %scan3A_38 = arith.addi %scan3A_36, %scan3A_37 : i32
    %scan3A_39 = arith.constant 1 : i32
    %scan3A_40:4 = scf.for %scan3A_42 = %scan3A_36 to %scan3A_38 step %scan3A_39 iter_args(%scan3A_43 = %broadcast_in_dim3A_32, %scan3A_44 = %broadcast_in_dim3A_34, %scan3A_45 = %scan3A, %scan3A_46 = %scan3A_35) -> (vector<8x1024xf32>, vector<8x1024xf32>, i32, i32)  : i32 {
      %broadcast_in_dim3A_47 = vector.broadcast %scan3A_45 : i32 to vector<1x1xi32>
      %swap3A = arith.constant 0 : index
      %swap3A_48 = arith.index_cast %scan3A_42 : i32 to index
      %swap3A_49 = arith.constant 0 : index
      %swap3A_50 = vector.load %arg4[%swap3A, %swap3A_48, %swap3A_49] : memref<2x2048x1xi32, #tpu.memory_space<vmem>>, vector<1x1x1xi32>
      %swap3A_51 = vector.shape_cast %swap3A_50 : vector<1x1x1xi32> to vector<1x1xi32>
      %swap3A_52 = vector.shape_cast %broadcast_in_dim3A_47 : vector<1x1xi32> to vector<1x1x1xi32>
      tpu.vector_store %arg4[%swap3A, %swap3A_48, %swap3A_49], %swap3A_52 {strides = array<i32>} : memref<2x2048x1xi32, #tpu.memory_space<vmem>>, vector<1x1x1xi32>,
      %get3A_53 = arith.constant 0 : index
      %get3A_54 = arith.index_cast %scan3A_45 : i32 to index
      %get3A_55 = arith.constant 0 : index
      %get3A_56 = vector.load %arg3[%get3A_53, %get3A_54, %get3A_55] : memref<2x8192x3xf32, #tpu.memory_space<vmem>>, vector<1x1x3xf32>
      %get3A_57 = vector.shape_cast %get3A_56 : vector<1x1x3xf32> to vector<1x3xf32>
      %swap3A_58 = arith.constant 0 : index
      %swap3A_59 = arith.index_cast %scan3A_42 : i32 to index
      %swap3A_60 = arith.constant 0 : index
      %swap3A_61 = vector.load %arg5[%swap3A_58, %swap3A_59, %swap3A_60] : memref<2x2048x3xf32, #tpu.memory_space<vmem>>, vector<1x1x3xf32>
      %swap3A_62 = vector.shape_cast %swap3A_61 : vector<1x1x3xf32> to vector<1x3xf32>
      %swap3A_63 = vector.shape_cast %get3A_57 : vector<1x3xf32> to vector<1x1x3xf32>
      tpu.vector_store %arg5[%swap3A_58, %swap3A_59, %swap3A_60], %swap3A_63 {strides = array<i32>} : memref<2x2048x3xf32, #tpu.memory_space<vmem>>, vector<1x1x3xf32>,
      %slice3A = vector.extract_strided_slice %get3A_57 {offsets = [0, 0], sizes = [1, 1], strides = [1, 1]} : vector<1x3xf32> to vector<1x1xf32>
      %squeeze3A = vector.extract %slice3A[0, 0] : f32 from vector<1x1xf32>
      %slice3A_64 = vector.extract_strided_slice %get3A_57 {offsets = [0, 1], sizes = [1, 1], strides = [1, 1]} : vector<1x3xf32> to vector<1x1xf32>
      %squeeze3A_65 = vector.extract %slice3A_64[0, 0] : f32 from vector<1x1xf32>
      %slice3A_66 = vector.extract_strided_slice %get3A_57 {offsets = [0, 2], sizes = [1, 1], strides = [1, 1]} : vector<1x3xf32> to vector<1x1xf32>
      %squeeze3A_67 = vector.extract %slice3A_66[0, 0] : f32 from vector<1x1xf32>
      %sub3A = vector.broadcast %squeeze3A : f32 to vector<8x1024xf32>
      %sub3A_68 = arith.subf %get3A_6, %sub3A : vector<8x1024xf32>
      %sub3A_69 = vector.broadcast %squeeze3A_65 : f32 to vector<8x1024xf32>
      %sub3A_70 = arith.subf %get3A_16, %sub3A_69 : vector<8x1024xf32>
      %sub3A_71 = vector.broadcast %squeeze3A_67 : f32 to vector<8x1024xf32>
      %sub3A_72 = arith.subf %get3A_26, %sub3A_71 : vector<8x1024xf32>
      %mul3A_73 = arith.mulf %sub3A_68, %sub3A_68 : vector<8x1024xf32>
      %mul3A_74 = arith.mulf %sub3A_70, %sub3A_70 : vector<8x1024xf32>
      %add3A_75 = arith.addf %mul3A_73, %mul3A_74 : vector<8x1024xf32>
      %mul3A_76 = arith.mulf %sub3A_72, %sub3A_72 : vector<8x1024xf32>
      %add3A_77 = arith.addf %add3A_75, %mul3A_76 : vector<8x1024xf32>
      %min3A = arith.minimumf %scan3A_43, %add3A_77 : vector<8x1024xf32>
      %reduce_max3A = vector.shape_cast %min3A : vector<8x1024xf32> to vector<1x8x1024xf32>
      %reduce_max3A_78 = arith.constant dense<0xFF800000> : vector<1xf32>
      %reduce_max3A_79 = vector.multi_reduction <maximumf>, %reduce_max3A, %reduce_max3A_78 [1, 2] : vector<1x8x1024xf32> to vector<1xf32>
      %reduce_max3A_80 = vector.shape_cast %reduce_max3A_79 : vector<1xf32> to vector<1x1x1xf32>
      %reduce_max3A_81 = vector.extract %reduce_max3A_80[0, 0, 0] : f32 from vector<1x1x1xf32>
      %eq3A = vector.broadcast %reduce_max3A_81 : f32 to vector<8x1024xf32>
      %eq3A_82 = arith.cmpf oeq, %min3A, %eq3A : vector<8x1024xf32>
      %jit3A = arith.constant 8192 : i32
      %broadcast_in_dim3A_83 = vector.broadcast %jit3A : i32 to vector<8x1024xi32>
      %select_n3A = arith.select %eq3A_82, %add3A, %broadcast_in_dim3A_83 : vector<8x1024xi1>, vector<8x1024xi32>
      %reduce_min3A = vector.shape_cast %select_n3A : vector<8x1024xi32> to vector<1x8x1024xi32>
      %reduce_min3A_84 = arith.constant dense<2147483647> : vector<1xi32>
      %reduce_min3A_85 = vector.multi_reduction <minsi>, %reduce_min3A, %reduce_min3A_84 [1, 2] : vector<1x8x1024xi32> to vector<1xi32>
      %reduce_min3A_86 = vector.shape_cast %reduce_min3A_85 : vector<1xi32> to vector<1x1x1xi32>
      %reduce_min3A_87 = vector.extract %reduce_min3A_86[0, 0, 0] : i32 from vector<1x1x1xi32>
      %broadcast_in_dim3A_88 = vector.broadcast %scan3A_46 : i32 to vector<1x1xi32>
      %swap3A_89 = arith.constant 1 : index
      %swap3A_90 = arith.index_cast %scan3A_42 : i32 to index
      %swap3A_91 = arith.constant 0 : index
      %swap3A_92 = vector.load %arg4[%swap3A_89, %swap3A_90, %swap3A_91] : memref<2x2048x1xi32, #tpu.memory_space<vmem>>, vector<1x1x1xi32>
      %swap3A_93 = vector.shape_cast %swap3A_92 : vector<1x1x1xi32> to vector<1x1xi32>
      %swap3A_94 = vector.shape_cast %broadcast_in_dim3A_88 : vector<1x1xi32> to vector<1x1x1xi32>
      tpu.vector_store %arg4[%swap3A_89, %swap3A_90, %swap3A_91], %swap3A_94 {strides = array<i32>} : memref<2x2048x1xi32, #tpu.memory_space<vmem>>, vector<1x1x1xi32>,
      %get3A_95 = arith.constant 1 : index
      %get3A_96 = arith.index_cast %scan3A_46 : i32 to index
      %get3A_97 = arith.constant 0 : index
      %get3A_98 = vector.load %arg3[%get3A_95, %get3A_96, %get3A_97] : memref<2x8192x3xf32, #tpu.memory_space<vmem>>, vector<1x1x3xf32>
      %get3A_99 = vector.shape_cast %get3A_98 : vector<1x1x3xf32> to vector<1x3xf32>
      %swap3A_100 = arith.constant 1 : index
      %swap3A_101 = arith.index_cast %scan3A_42 : i32 to index
      %swap3A_102 = arith.constant 0 : index
      %swap3A_103 = vector.load %arg5[%swap3A_100, %swap3A_101, %swap3A_102] : memref<2x2048x3xf32, #tpu.memory_space<vmem>>, vector<1x1x3xf32>
      %swap3A_104 = vector.shape_cast %swap3A_103 : vector<1x1x3xf32> to vector<1x3xf32>
      %swap3A_105 = vector.shape_cast %get3A_99 : vector<1x3xf32> to vector<1x1x3xf32>
      tpu.vector_store %arg5[%swap3A_100, %swap3A_101, %swap3A_102], %swap3A_105 {strides = array<i32>} : memref<2x2048x3xf32, #tpu.memory_space<vmem>>, vector<1x1x3xf32>,
      %slice3A_106 = vector.extract_strided_slice %get3A_99 {offsets = [0, 0], sizes = [1, 1], strides = [1, 1]} : vector<1x3xf32> to vector<1x1xf32>
      %squeeze3A_107 = vector.extract %slice3A_106[0, 0] : f32 from vector<1x1xf32>
      %slice3A_108 = vector.extract_strided_slice %get3A_99 {offsets = [0, 1], sizes = [1, 1], strides = [1, 1]} : vector<1x3xf32> to vector<1x1xf32>
      %squeeze3A_109 = vector.extract %slice3A_108[0, 0] : f32 from vector<1x1xf32>
      %slice3A_110 = vector.extract_strided_slice %get3A_99 {offsets = [0, 2], sizes = [1, 1], strides = [1, 1]} : vector<1x3xf32> to vector<1x1xf32>
      %squeeze3A_111 = vector.extract %slice3A_110[0, 0] : f32 from vector<1x1xf32>
      %sub3A_112 = vector.broadcast %squeeze3A_107 : f32 to vector<8x1024xf32>
      %sub3A_113 = arith.subf %get3A_11, %sub3A_112 : vector<8x1024xf32>
      %sub3A_114 = vector.broadcast %squeeze3A_109 : f32 to vector<8x1024xf32>
      %sub3A_115 = arith.subf %get3A_21, %sub3A_114 : vector<8x1024xf32>
      %sub3A_116 = vector.broadcast %squeeze3A_111 : f32 to vector<8x1024xf32>
      %sub3A_117 = arith.subf %get3A_31, %sub3A_116 : vector<8x1024xf32>
      %mul3A_118 = arith.mulf %sub3A_113, %sub3A_113 : vector<8x1024xf32>
      %mul3A_119 = arith.mulf %sub3A_115, %sub3A_115 : vector<8x1024xf32>
      %add3A_120 = arith.addf %mul3A_118, %mul3A_119 : vector<8x1024xf32>
      %mul3A_121 = arith.mulf %sub3A_117, %sub3A_117 : vector<8x1024xf32>
      %add3A_122 = arith.addf %add3A_120, %mul3A_121 : vector<8x1024xf32>
      %min3A_123 = arith.minimumf %scan3A_44, %add3A_122 : vector<8x1024xf32>
      %reduce_max3A_124 = vector.shape_cast %min3A_123 : vector<8x1024xf32> to vector<1x8x1024xf32>
      %reduce_max3A_125 = arith.constant dense<0xFF800000> : vector<1xf32>
      %reduce_max3A_126 = vector.multi_reduction <maximumf>, %reduce_max3A_124, %reduce_max3A_125 [1, 2] : vector<1x8x1024xf32> to vector<1xf32>
      %reduce_max3A_127 = vector.shape_cast %reduce_max3A_126 : vector<1xf32> to vector<1x1x1xf32>
      %reduce_max3A_128 = vector.extract %reduce_max3A_127[0, 0, 0] : f32 from vector<1x1x1xf32>
      %eq3A_129 = vector.broadcast %reduce_max3A_128 : f32 to vector<8x1024xf32>
      %eq3A_130 = arith.cmpf oeq, %min3A_123, %eq3A_129 : vector<8x1024xf32>
      %jit3A_131 = arith.constant 8192 : i32
      %broadcast_in_dim3A_132 = vector.broadcast %jit3A_131 : i32 to vector<8x1024xi32>
      %select_n3A_133 = arith.select %eq3A_130, %add3A, %broadcast_in_dim3A_132 : vector<8x1024xi1>, vector<8x1024xi32>
      %reduce_min3A_134 = vector.shape_cast %select_n3A_133 : vector<8x1024xi32> to vector<1x8x1024xi32>
      %reduce_min3A_135 = arith.constant dense<2147483647> : vector<1xi32>
      %reduce_min3A_136 = vector.multi_reduction <minsi>, %reduce_min3A_134, %reduce_min3A_135 [1, 2] : vector<1x8x1024xi32> to vector<1xi32>
      %reduce_min3A_137 = vector.shape_cast %reduce_min3A_136 : vector<1xi32> to vector<1x1x1xi32>
      %reduce_min3A_138 = vector.extract %reduce_min3A_137[0, 0, 0] : i32 from vector<1x1x1xi32>
      scf.yield %min3A, %min3A_123, %reduce_min3A_87, %reduce_min3A_138 : vector<8x1024xf32>, vector<8x1024xf32>, i32, i32
    }
    %scan3A_41 = arith.constant 2048 : i32
    return
  }
}

module attributes {stable_mosaic.version = 14 : i64} {
  func.func @_bqidx_kbody(%arg0: i32, %arg1: i32, %arg2: memref<1x3x8192xf32, #tpu.memory_space<vmem>>, %arg3: memref<1x128x8xf32, #tpu.memory_space<vmem>>, %arg4: memref<1x128x64xi32, #tpu.memory_space<vmem>>) attributes {dimension_semantics = [#tpu.dimension_semantics<arbitrary>, #tpu.dimension_semantics<arbitrary>], iteration_bounds = array<i64: 2, 16>, scalar_prefetch = 0 : i64, scratch_operands = 0 : i64, tpu.core_type = #tpu.core_type<tc>, window_params = [{transform_indices = @transform_0, window_bounds = array<i64: 1, 3, 8192>}, {transform_indices = @transform_1, window_bounds = array<i64: 1, 128, 8>}, {transform_indices = @transform_2, window_bounds = array<i64: 1, 128, 64>}]} {
    %get3A = arith.constant 0 : index
    %get3A_0 = arith.constant 0 : index
    %get3A_1 = arith.constant 0 : index
    %get3A_2 = vector.load %arg2[%get3A, %get3A_0, %get3A_1] : memref<1x3x8192xf32, #tpu.memory_space<vmem>>, vector<1x1x8192xf32>
    %get3A_3 = vector.shape_cast %get3A_2 : vector<1x1x8192xf32> to vector<1x8192xf32>
    %get3A_4 = arith.constant 0 : index
    %get3A_5 = arith.constant 1 : index
    %get3A_6 = arith.constant 0 : index
    %get3A_7 = vector.load %arg2[%get3A_4, %get3A_5, %get3A_6] : memref<1x3x8192xf32, #tpu.memory_space<vmem>>, vector<1x1x8192xf32>
    %get3A_8 = vector.shape_cast %get3A_7 : vector<1x1x8192xf32> to vector<1x8192xf32>
    %get3A_9 = arith.constant 0 : index
    %get3A_10 = arith.constant 2 : index
    %get3A_11 = arith.constant 0 : index
    %get3A_12 = vector.load %arg2[%get3A_9, %get3A_10, %get3A_11] : memref<1x3x8192xf32, #tpu.memory_space<vmem>>, vector<1x1x8192xf32>
    %get3A_13 = vector.shape_cast %get3A_12 : vector<1x1x8192xf32> to vector<1x8192xf32>
    %get3A_14 = arith.constant 0 : index
    %get3A_15 = arith.constant 0 : index
    %get3A_16 = arith.constant 0 : index
    %get3A_17 = vector.load %arg3[%get3A_14, %get3A_15, %get3A_16] : memref<1x128x8xf32, #tpu.memory_space<vmem>>, vector<1x128x1xf32>
    %get3A_18 = vector.shape_cast %get3A_17 : vector<1x128x1xf32> to vector<128x1xf32>
    %get3A_19 = arith.constant 0 : index
    %get3A_20 = arith.constant 0 : index
    %get3A_21 = arith.constant 1 : index
    %get3A_22 = vector.load %arg3[%get3A_19, %get3A_20, %get3A_21] : memref<1x128x8xf32, #tpu.memory_space<vmem>>, vector<1x128x1xf32>
    %get3A_23 = vector.shape_cast %get3A_22 : vector<1x128x1xf32> to vector<128x1xf32>
    %get3A_24 = arith.constant 0 : index
    %get3A_25 = arith.constant 0 : index
    %get3A_26 = arith.constant 2 : index
    %get3A_27 = vector.load %arg3[%get3A_24, %get3A_25, %get3A_26] : memref<1x128x8xf32, #tpu.memory_space<vmem>>, vector<1x128x1xf32>
    %get3A_28 = vector.shape_cast %get3A_27 : vector<1x128x1xf32> to vector<128x1xf32>
    %sub3A = vector.broadcast %get3A_18 : vector<128x1xf32> to vector<128x8192xf32>
    %sub3A_29 = vector.broadcast %get3A_3 : vector<1x8192xf32> to vector<128x8192xf32>
    %sub3A_30 = arith.subf %sub3A, %sub3A_29 : vector<128x8192xf32>
    %sub3A_31 = vector.broadcast %get3A_23 : vector<128x1xf32> to vector<128x8192xf32>
    %sub3A_32 = vector.broadcast %get3A_8 : vector<1x8192xf32> to vector<128x8192xf32>
    %sub3A_33 = arith.subf %sub3A_31, %sub3A_32 : vector<128x8192xf32>
    %sub3A_34 = vector.broadcast %get3A_28 : vector<128x1xf32> to vector<128x8192xf32>
    %sub3A_35 = vector.broadcast %get3A_13 : vector<1x8192xf32> to vector<128x8192xf32>
    %sub3A_36 = arith.subf %sub3A_34, %sub3A_35 : vector<128x8192xf32>
    %mul3A = arith.mulf %sub3A_30, %sub3A_30 : vector<128x8192xf32>
    %mul3A_37 = arith.mulf %sub3A_33, %sub3A_33 : vector<128x8192xf32>
    %add3A = arith.addf %mul3A, %mul3A_37 : vector<128x8192xf32>
    %mul3A_38 = arith.mulf %sub3A_36, %sub3A_36 : vector<128x8192xf32>
    %add3A_39 = arith.addf %add3A, %mul3A_38 : vector<128x8192xf32>
    %le3A = arith.constant 4.000000e-02 : f32
    %le3A_40 = vector.broadcast %le3A : f32 to vector<128x8192xf32>
    %le3A_41 = arith.cmpf ole, %add3A_39, %le3A_40 : vector<128x8192xf32>
    %jit3A = arith.constant 1.000000e+00 : f32
    %jit3A_42 = arith.constant 0.000000e+00 : f32
    %broadcast_in_dim3A = vector.broadcast %jit3A : f32 to vector<128x8192xf32>
    %broadcast_in_dim3A_43 = vector.broadcast %jit3A_42 : f32 to vector<128x8192xf32>
    %select_n3A = arith.select %le3A_41, %broadcast_in_dim3A, %broadcast_in_dim3A_43 : vector<128x8192xi1>, vector<128x8192xf32>
    %iota3A = tpu.iota {dimensions = array<i32: 0>} : vector<128x128xi32>
    %iota3A_44 = tpu.iota {dimensions = array<i32: 1>} : vector<128x128xi32>
    %le3A_45 = arith.cmpi sle, %iota3A, %iota3A_44 : vector<128x128xi32>
    %jit3A_46 = arith.constant 1.000000e+00 : f32
    %jit3A_47 = arith.constant 0.000000e+00 : f32
    %broadcast_in_dim3A_48 = vector.broadcast %jit3A_46 : f32 to vector<128x128xf32>
    %broadcast_in_dim3A_49 = vector.broadcast %jit3A_47 : f32 to vector<128x128xf32>
    %select_n3A_50 = arith.select %le3A_45, %broadcast_in_dim3A_48, %broadcast_in_dim3A_49 : vector<128x128xi1>, vector<128x128xf32>
    %reshape3A = vector.shape_cast %select_n3A : vector<128x8192xf32> to vector<128x64x128xf32>
    %dot_general3A = arith.constant dense<0.000000e+00> : vector<128x64x128xf32>
    %dot_general3A_51 = tpu.matmul %reshape3A, %select_n3A_50, %dot_general3A {dimension_numbers = #tpu.dot_dimension_numbers<[2], [0], [0, 1], [1], [0, 0, 0, 1, 1, 1], [], []>, transpose_lhs_hint = false} : vector<128x64x128xf32>, vector<128x128xf32>, vector<128x64x128xf32> -> vector<128x64x128xf32>
    %slice3A = vector.extract_strided_slice %dot_general3A_51 {offsets = [0, 0, 127], sizes = [128, 64, 1], strides = [1, 1, 1]} : vector<128x64x128xf32> to vector<128x64x1xf32>
    %squeeze3A = vector.shape_cast %slice3A : vector<128x64x1xf32> to vector<128x64xf32>
    %iota3A_52 = tpu.iota {dimensions = array<i32: 0>} : vector<64x64xi32>
    %iota3A_53 = tpu.iota {dimensions = array<i32: 1>} : vector<64x64xi32>
    %le3A_54 = arith.cmpi sle, %iota3A_52, %iota3A_53 : vector<64x64xi32>
    %jit3A_55 = arith.constant 1.000000e+00 : f32
    %jit3A_56 = arith.constant 0.000000e+00 : f32
    %broadcast_in_dim3A_57 = vector.broadcast %jit3A_55 : f32 to vector<64x64xf32>
    %broadcast_in_dim3A_58 = vector.broadcast %jit3A_56 : f32 to vector<64x64xf32>
    %select_n3A_59 = arith.select %le3A_54, %broadcast_in_dim3A_57, %broadcast_in_dim3A_58 : vector<64x64xi1>, vector<64x64xf32>
    %dot_general3A_60 = arith.constant dense<0.000000e+00> : vector<128x64xf32>
    %dot_general3A_61 = tpu.matmul %squeeze3A, %select_n3A_59, %dot_general3A_60 {dimension_numbers = #tpu.dot_dimension_numbers<[1], [0], [0], [1], [0, 0, 1, 1], [], []>, transpose_lhs_hint = false} : vector<128x64xf32>, vector<64x64xf32>, vector<128x64xf32> -> vector<128x64xf32>
    %sub3A_62 = arith.subf %dot_general3A_61, %squeeze3A : vector<128x64xf32>
    %iota3A_63 = tpu.iota {dimensions = array<i32: 2>} : vector<1x1x64xi32>
    %convert_element_type3A = arith.sitofp %iota3A_63 : vector<1x1x64xi32> to vector<1x1x64xf32>
    %broadcast_in_dim3A_64 = vector.shape_cast %dot_general3A_61 : vector<128x64xf32> to vector<128x64x1xf32>
    %le3A_65 = vector.broadcast %broadcast_in_dim3A_64 : vector<128x64x1xf32> to vector<128x64x64xf32>
    %le3A_66 = vector.broadcast %convert_element_type3A : vector<1x1x64xf32> to vector<128x64x64xf32>
    %le3A_67 = arith.cmpf ole, %le3A_65, %le3A_66 : vector<128x64x64xf32>
    %jit3A_68 = arith.constant 1.000000e+00 : f32
    %jit3A_69 = arith.constant 0.000000e+00 : f32
    %broadcast_in_dim3A_70 = vector.broadcast %jit3A_68 : f32 to vector<128x64x64xf32>
    %broadcast_in_dim3A_71 = vector.broadcast %jit3A_69 : f32 to vector<128x64x64xf32>
    %select_n3A_72 = arith.select %le3A_67, %broadcast_in_dim3A_70, %broadcast_in_dim3A_71 : vector<128x64x64xi1>, vector<128x64x64xf32>
    %broadcast_in_dim3A_73 = vector.shape_cast %sub3A_62 : vector<128x64xf32> to vector<128x64x1xf32>
    %le3A_74 = vector.broadcast %broadcast_in_dim3A_73 : vector<128x64x1xf32> to vector<128x64x64xf32>
    %le3A_75 = vector.broadcast %convert_element_type3A : vector<1x1x64xf32> to vector<128x64x64xf32>
    %le3A_76 = arith.cmpf ole, %le3A_74, %le3A_75 : vector<128x64x64xf32>
    %jit3A_77 = arith.constant 1.000000e+00 : f32
    %jit3A_78 = arith.constant 0.000000e+00 : f32
    %broadcast_in_dim3A_79 = vector.broadcast %jit3A_77 : f32 to vector<128x64x64xf32>
    %broadcast_in_dim3A_80 = vector.broadcast %jit3A_78 : f32 to vector<128x64x64xf32>
    %select_n3A_81 = arith.select %le3A_76, %broadcast_in_dim3A_79, %broadcast_in_dim3A_80 : vector<128x64x64xi1>, vector<128x64x64xf32>
    %reduce_sum3A = arith.constant dense<0.000000e+00> : vector<128x64xf32>
    %reduce_sum3A_82 = vector.multi_reduction <add>, %select_n3A_72, %reduce_sum3A [1] : vector<128x64x64xf32> to vector<128x64xf32>
    %sub3A_83 = arith.subf %select_n3A_81, %select_n3A_72 : vector<128x64x64xf32>
    %broadcast_in_dim3A_84 = vector.shape_cast %sub3A_62 : vector<128x64xf32> to vector<128x64x1xf32>
    %mul3A_85 = vector.broadcast %broadcast_in_dim3A_84 : vector<128x64x1xf32> to vector<128x64x64xf32>
    %mul3A_86 = arith.mulf %sub3A_83, %mul3A_85 : vector<128x64x64xf32>
    %reduce_sum3A_87 = arith.constant dense<0.000000e+00> : vector<128x64xf32>
    %reduce_sum3A_88 = vector.multi_reduction <add>, %mul3A_86, %reduce_sum3A_87 [1] : vector<128x64x64xf32> to vector<128x64xf32>
    %reduce_sum3A_89 = arith.constant dense<0.000000e+00> : vector<128x64xf32>
    %reduce_sum3A_90 = vector.multi_reduction <add>, %sub3A_83, %reduce_sum3A_89 [1] : vector<128x64x64xf32> to vector<128x64xf32>
    %dot_general3A_91 = arith.constant dense<0.000000e+00> : vector<128x64x128xf32>
    %dot_general3A_92 = tpu.matmul %sub3A_83, %dot_general3A_51, %dot_general3A_91 {dimension_numbers = #tpu.dot_dimension_numbers<[1], [1], [2], [2], [0, 0, 0, 2, 1, 2], [0], [0]>, transpose_lhs_hint = false} : vector<128x64x64xf32>, vector<128x64x128xf32>, vector<128x64x128xf32> -> vector<128x64x128xf32>
    %iota3A_93 = tpu.iota {dimensions = array<i32: 1>} : vector<128x64xi32>
    %convert_element_type3A_94 = arith.sitofp %iota3A_93 : vector<128x64xi32> to vector<128x64xf32>
    %sub3A_95 = arith.subf %convert_element_type3A_94, %reduce_sum3A_88 : vector<128x64xf32>
    %broadcast_in_dim3A_96 = vector.shape_cast %sub3A_95 : vector<128x64xf32> to vector<128x64x1xf32>
    %le3A_97 = vector.broadcast %broadcast_in_dim3A_96 : vector<128x64x1xf32> to vector<128x64x128xf32>
    %le3A_98 = arith.cmpf ole, %dot_general3A_92, %le3A_97 : vector<128x64x128xf32>
    %jit3A_99 = arith.constant 1.000000e+00 : f32
    %jit3A_100 = arith.constant 0.000000e+00 : f32
    %broadcast_in_dim3A_101 = vector.broadcast %jit3A_99 : f32 to vector<128x64x128xf32>
    %broadcast_in_dim3A_102 = vector.broadcast %jit3A_100 : f32 to vector<128x64x128xf32>
    %select_n3A_103 = arith.select %le3A_98, %broadcast_in_dim3A_101, %broadcast_in_dim3A_102 : vector<128x64x128xi1>, vector<128x64x128xf32>
    %reduce_sum3A_104 = arith.constant dense<0.000000e+00> : vector<128x64xf32>
    %reduce_sum3A_105 = vector.multi_reduction <add>, %select_n3A_103, %reduce_sum3A_104 [2] : vector<128x64x128xf32> to vector<128x64xf32>
    %mul3A_106 = arith.mulf %reduce_sum3A_105, %reduce_sum3A_90 : vector<128x64xf32>
    %mul3A_107 = arith.constant 1.280000e+02 : f32
    %mul3A_108 = vector.broadcast %mul3A_107 : f32 to vector<128x64xf32>
    %mul3A_109 = arith.mulf %mul3A_108, %reduce_sum3A_82 : vector<128x64xf32>
    %add3A_110 = arith.addf %mul3A_109, %mul3A_106 : vector<128x64xf32>
    %convert_element_type3A_111 = arith.fptosi %add3A_110 : vector<128x64xf32> to vector<128x64xi32>
    %slice3A_112 = vector.extract_strided_slice %convert_element_type3A_111 {offsets = [0, 0], sizes = [128, 1], strides = [1, 1]} : vector<128x64xi32> to vector<128x1xi32>
    %ge3A = arith.constant 8192 : i32
    %ge3A_113 = vector.broadcast %ge3A : i32 to vector<128x64xi32>
    %ge3A_114 = arith.cmpi sge, %convert_element_type3A_111, %ge3A_113 : vector<128x64xi32>
    %broadcast_in_dim3A_115 = vector.shape_cast %slice3A_112 : vector<128x1xi32> to vector<128x1xi32>
    %broadcast_in_dim3A_116 = vector.broadcast %broadcast_in_dim3A_115 : vector<128x1xi32> to vector<128x64xi32>
    %select_n3A_117 = arith.select %ge3A_114, %broadcast_in_dim3A_116, %convert_element_type3A_111 : vector<128x64xi1>, vector<128x64xi32>
    %swap3A = arith.constant 0 : index
    %swap3A_118 = arith.constant 0 : index
    %swap3A_119 = arith.constant 0 : index
    %swap3A_120 = vector.load %arg4[%swap3A, %swap3A_118, %swap3A_119] : memref<1x128x64xi32, #tpu.memory_space<vmem>>, vector<1x128x64xi32>
    %swap3A_121 = vector.shape_cast %swap3A_120 : vector<1x128x64xi32> to vector<128x64xi32>
    %swap3A_122 = vector.shape_cast %select_n3A_117 : vector<128x64xi32> to vector<1x128x64xi32>
    tpu.vector_store %arg4[%swap3A, %swap3A_118, %swap3A_119], %swap3A_122 {strides = array<i32>} : memref<1x128x64xi32, #tpu.memory_space<vmem>>, vector<1x128x64xi32>,
    return
  }
  func.func @transform_0(%arg0: i32, %arg1: i32) -> (i32, i32, i32) {
    %c0_i32 = arith.constant 0 : i32
    %c0_i32_0 = arith.constant 0 : i32
    %c0_i32_1 = arith.constant 0 : i32
    return %arg0, %c0_i32, %c0_i32_0 : i32, i32, i32
  }
  func.func @transform_1(%arg0: i32, %arg1: i32) -> (i32, i32, i32) {
    %c0_i32 = arith.constant 0 : i32
    %c0_i32_0 = arith.constant 0 : i32
    return %arg0, %arg1, %c0_i32 : i32, i32, i32
  }
  func.func @transform_2(%arg0: i32, %arg1: i32) -> (i32, i32, i32) {
    %c0_i32 = arith.constant 0 : i32
    %c0_i32_0 = arith.constant 0 : i32
    return %arg0, %arg1, %c0_i32 : i32, i32, i32
  }
}

module attributes {stable_mosaic.version = 14 : i64} {
  func.func @_fps2_kbody(%arg0: memref<2x8x256xf32, #tpu.memory_space<vmem>>, %arg1: memref<2x8x256xf32, #tpu.memory_space<vmem>>, %arg2: memref<2x8x256xf32, #tpu.memory_space<vmem>>, %arg3: memref<2x2048x3xf32, #tpu.memory_space<vmem>>, %arg4: memref<2x1024x1xi32, #tpu.memory_space<vmem>>, %arg5: memref<2x1024x3xf32, #tpu.memory_space<vmem>>) attributes {dimension_semantics = [], scalar_prefetch = 0 : i64, scratch_operands = 0 : i64, tpu.core_type = #tpu.core_type<tc>} {
    %iota3A = tpu.iota {dimensions = array<i32: 0>} : vector<8x256xi32>
    %mul3A = arith.constant 256 : i32
    %mul3A_0 = vector.broadcast %mul3A : i32 to vector<8x256xi32>
    %mul3A_1 = arith.muli %iota3A, %mul3A_0 : vector<8x256xi32>
    %iota3A_2 = tpu.iota {dimensions = array<i32: 1>} : vector<8x256xi32>
    %add3A = arith.addi %mul3A_1, %iota3A_2 : vector<8x256xi32>
    %get3A = arith.constant 0 : index
    %get3A_3 = arith.constant 0 : index
    %get3A_4 = arith.constant 0 : index
    %get3A_5 = vector.load %arg0[%get3A, %get3A_3, %get3A_4] : memref<2x8x256xf32, #tpu.memory_space<vmem>>, vector<1x8x256xf32>
    %get3A_6 = vector.shape_cast %get3A_5 : vector<1x8x256xf32> to vector<8x256xf32>
    %get3A_7 = arith.constant 1 : index
    %get3A_8 = arith.constant 0 : index
    %get3A_9 = arith.constant 0 : index
    %get3A_10 = vector.load %arg0[%get3A_7, %get3A_8, %get3A_9] : memref<2x8x256xf32, #tpu.memory_space<vmem>>, vector<1x8x256xf32>
    %get3A_11 = vector.shape_cast %get3A_10 : vector<1x8x256xf32> to vector<8x256xf32>
    %get3A_12 = arith.constant 0 : index
    %get3A_13 = arith.constant 0 : index
    %get3A_14 = arith.constant 0 : index
    %get3A_15 = vector.load %arg1[%get3A_12, %get3A_13, %get3A_14] : memref<2x8x256xf32, #tpu.memory_space<vmem>>, vector<1x8x256xf32>
    %get3A_16 = vector.shape_cast %get3A_15 : vector<1x8x256xf32> to vector<8x256xf32>
    %get3A_17 = arith.constant 1 : index
    %get3A_18 = arith.constant 0 : index
    %get3A_19 = arith.constant 0 : index
    %get3A_20 = vector.load %arg1[%get3A_17, %get3A_18, %get3A_19] : memref<2x8x256xf32, #tpu.memory_space<vmem>>, vector<1x8x256xf32>
    %get3A_21 = vector.shape_cast %get3A_20 : vector<1x8x256xf32> to vector<8x256xf32>
    %get3A_22 = arith.constant 0 : index
    %get3A_23 = arith.constant 0 : index
    %get3A_24 = arith.constant 0 : index
    %get3A_25 = vector.load %arg2[%get3A_22, %get3A_23, %get3A_24] : memref<2x8x256xf32, #tpu.memory_space<vmem>>, vector<1x8x256xf32>
    %get3A_26 = vector.shape_cast %get3A_25 : vector<1x8x256xf32> to vector<8x256xf32>
    %get3A_27 = arith.constant 1 : index
    %get3A_28 = arith.constant 0 : index
    %get3A_29 = arith.constant 0 : index
    %get3A_30 = vector.load %arg2[%get3A_27, %get3A_28, %get3A_29] : memref<2x8x256xf32, #tpu.memory_space<vmem>>, vector<1x8x256xf32>
    %get3A_31 = vector.shape_cast %get3A_30 : vector<1x8x256xf32> to vector<8x256xf32>
    %broadcast_in_dim3A = arith.constant 1.000000e+10 : f32
    %broadcast_in_dim3A_32 = vector.broadcast %broadcast_in_dim3A : f32 to vector<8x256xf32>
    %broadcast_in_dim3A_33 = arith.constant 1.000000e+10 : f32
    %broadcast_in_dim3A_34 = vector.broadcast %broadcast_in_dim3A_33 : f32 to vector<8x256xf32>
    %scan3A = arith.constant 0 : i32
    %scan3A_35 = arith.constant 0 : i32
    %scan3A_36 = arith.constant 0 : i32
    %scan3A_37 = arith.constant 1024 : i32
    %scan3A_38 = arith.addi %scan3A_36, %scan3A_37 : i32
    %scan3A_39 = arith.constant 1 : i32
    %scan3A_40:4 = scf.for %scan3A_42 = %scan3A_36 to %scan3A_38 step %scan3A_39 iter_args(%scan3A_43 = %broadcast_in_dim3A_32, %scan3A_44 = %broadcast_in_dim3A_34, %scan3A_45 = %scan3A, %scan3A_46 = %scan3A_35) -> (vector<8x256xf32>, vector<8x256xf32>, i32, i32)  : i32 {
      %broadcast_in_dim3A_47 = vector.broadcast %scan3A_45 : i32 to vector<1x1xi32>
      %swap3A = arith.constant 0 : index
      %swap3A_48 = arith.index_cast %scan3A_42 : i32 to index
      %swap3A_49 = arith.constant 0 : index
      %swap3A_50 = vector.load %arg4[%swap3A, %swap3A_48, %swap3A_49] : memref<2x1024x1xi32, #tpu.memory_space<vmem>>, vector<1x1x1xi32>
      %swap3A_51 = vector.shape_cast %swap3A_50 : vector<1x1x1xi32> to vector<1x1xi32>
      %swap3A_52 = vector.shape_cast %broadcast_in_dim3A_47 : vector<1x1xi32> to vector<1x1x1xi32>
      tpu.vector_store %arg4[%swap3A, %swap3A_48, %swap3A_49], %swap3A_52 {strides = array<i32>} : memref<2x1024x1xi32, #tpu.memory_space<vmem>>, vector<1x1x1xi32>,
      %get3A_53 = arith.constant 0 : index
      %get3A_54 = arith.index_cast %scan3A_45 : i32 to index
      %get3A_55 = arith.constant 0 : index
      %get3A_56 = vector.load %arg3[%get3A_53, %get3A_54, %get3A_55] : memref<2x2048x3xf32, #tpu.memory_space<vmem>>, vector<1x1x3xf32>
      %get3A_57 = vector.shape_cast %get3A_56 : vector<1x1x3xf32> to vector<1x3xf32>
      %swap3A_58 = arith.constant 0 : index
      %swap3A_59 = arith.index_cast %scan3A_42 : i32 to index
      %swap3A_60 = arith.constant 0 : index
      %swap3A_61 = vector.load %arg5[%swap3A_58, %swap3A_59, %swap3A_60] : memref<2x1024x3xf32, #tpu.memory_space<vmem>>, vector<1x1x3xf32>
      %swap3A_62 = vector.shape_cast %swap3A_61 : vector<1x1x3xf32> to vector<1x3xf32>
      %swap3A_63 = vector.shape_cast %get3A_57 : vector<1x3xf32> to vector<1x1x3xf32>
      tpu.vector_store %arg5[%swap3A_58, %swap3A_59, %swap3A_60], %swap3A_63 {strides = array<i32>} : memref<2x1024x3xf32, #tpu.memory_space<vmem>>, vector<1x1x3xf32>,
      %slice3A = vector.extract_strided_slice %get3A_57 {offsets = [0, 0], sizes = [1, 1], strides = [1, 1]} : vector<1x3xf32> to vector<1x1xf32>
      %squeeze3A = vector.extract %slice3A[0, 0] : f32 from vector<1x1xf32>
      %slice3A_64 = vector.extract_strided_slice %get3A_57 {offsets = [0, 1], sizes = [1, 1], strides = [1, 1]} : vector<1x3xf32> to vector<1x1xf32>
      %squeeze3A_65 = vector.extract %slice3A_64[0, 0] : f32 from vector<1x1xf32>
      %slice3A_66 = vector.extract_strided_slice %get3A_57 {offsets = [0, 2], sizes = [1, 1], strides = [1, 1]} : vector<1x3xf32> to vector<1x1xf32>
      %squeeze3A_67 = vector.extract %slice3A_66[0, 0] : f32 from vector<1x1xf32>
      %sub3A = vector.broadcast %squeeze3A : f32 to vector<8x256xf32>
      %sub3A_68 = arith.subf %get3A_6, %sub3A : vector<8x256xf32>
      %sub3A_69 = vector.broadcast %squeeze3A_65 : f32 to vector<8x256xf32>
      %sub3A_70 = arith.subf %get3A_16, %sub3A_69 : vector<8x256xf32>
      %sub3A_71 = vector.broadcast %squeeze3A_67 : f32 to vector<8x256xf32>
      %sub3A_72 = arith.subf %get3A_26, %sub3A_71 : vector<8x256xf32>
      %mul3A_73 = arith.mulf %sub3A_68, %sub3A_68 : vector<8x256xf32>
      %mul3A_74 = arith.mulf %sub3A_70, %sub3A_70 : vector<8x256xf32>
      %add3A_75 = arith.addf %mul3A_73, %mul3A_74 : vector<8x256xf32>
      %mul3A_76 = arith.mulf %sub3A_72, %sub3A_72 : vector<8x256xf32>
      %add3A_77 = arith.addf %add3A_75, %mul3A_76 : vector<8x256xf32>
      %min3A = arith.minimumf %scan3A_43, %add3A_77 : vector<8x256xf32>
      %reduce_max3A = vector.shape_cast %min3A : vector<8x256xf32> to vector<1x8x256xf32>
      %reduce_max3A_78 = arith.constant dense<0xFF800000> : vector<1xf32>
      %reduce_max3A_79 = vector.multi_reduction <maximumf>, %reduce_max3A, %reduce_max3A_78 [1, 2] : vector<1x8x256xf32> to vector<1xf32>
      %reduce_max3A_80 = vector.shape_cast %reduce_max3A_79 : vector<1xf32> to vector<1x1x1xf32>
      %reduce_max3A_81 = vector.extract %reduce_max3A_80[0, 0, 0] : f32 from vector<1x1x1xf32>
      %eq3A = vector.broadcast %reduce_max3A_81 : f32 to vector<8x256xf32>
      %eq3A_82 = arith.cmpf oeq, %min3A, %eq3A : vector<8x256xf32>
      %jit3A = arith.constant 2048 : i32
      %broadcast_in_dim3A_83 = vector.broadcast %jit3A : i32 to vector<8x256xi32>
      %select_n3A = arith.select %eq3A_82, %add3A, %broadcast_in_dim3A_83 : vector<8x256xi1>, vector<8x256xi32>
      %reduce_min3A = vector.shape_cast %select_n3A : vector<8x256xi32> to vector<1x8x256xi32>
      %reduce_min3A_84 = arith.constant dense<2147483647> : vector<1xi32>
      %reduce_min3A_85 = vector.multi_reduction <minsi>, %reduce_min3A, %reduce_min3A_84 [1, 2] : vector<1x8x256xi32> to vector<1xi32>
      %reduce_min3A_86 = vector.shape_cast %reduce_min3A_85 : vector<1xi32> to vector<1x1x1xi32>
      %reduce_min3A_87 = vector.extract %reduce_min3A_86[0, 0, 0] : i32 from vector<1x1x1xi32>
      %broadcast_in_dim3A_88 = vector.broadcast %scan3A_46 : i32 to vector<1x1xi32>
      %swap3A_89 = arith.constant 1 : index
      %swap3A_90 = arith.index_cast %scan3A_42 : i32 to index
      %swap3A_91 = arith.constant 0 : index
      %swap3A_92 = vector.load %arg4[%swap3A_89, %swap3A_90, %swap3A_91] : memref<2x1024x1xi32, #tpu.memory_space<vmem>>, vector<1x1x1xi32>
      %swap3A_93 = vector.shape_cast %swap3A_92 : vector<1x1x1xi32> to vector<1x1xi32>
      %swap3A_94 = vector.shape_cast %broadcast_in_dim3A_88 : vector<1x1xi32> to vector<1x1x1xi32>
      tpu.vector_store %arg4[%swap3A_89, %swap3A_90, %swap3A_91], %swap3A_94 {strides = array<i32>} : memref<2x1024x1xi32, #tpu.memory_space<vmem>>, vector<1x1x1xi32>,
      %get3A_95 = arith.constant 1 : index
      %get3A_96 = arith.index_cast %scan3A_46 : i32 to index
      %get3A_97 = arith.constant 0 : index
      %get3A_98 = vector.load %arg3[%get3A_95, %get3A_96, %get3A_97] : memref<2x2048x3xf32, #tpu.memory_space<vmem>>, vector<1x1x3xf32>
      %get3A_99 = vector.shape_cast %get3A_98 : vector<1x1x3xf32> to vector<1x3xf32>
      %swap3A_100 = arith.constant 1 : index
      %swap3A_101 = arith.index_cast %scan3A_42 : i32 to index
      %swap3A_102 = arith.constant 0 : index
      %swap3A_103 = vector.load %arg5[%swap3A_100, %swap3A_101, %swap3A_102] : memref<2x1024x3xf32, #tpu.memory_space<vmem>>, vector<1x1x3xf32>
      %swap3A_104 = vector.shape_cast %swap3A_103 : vector<1x1x3xf32> to vector<1x3xf32>
      %swap3A_105 = vector.shape_cast %get3A_99 : vector<1x3xf32> to vector<1x1x3xf32>
      tpu.vector_store %arg5[%swap3A_100, %swap3A_101, %swap3A_102], %swap3A_105 {strides = array<i32>} : memref<2x1024x3xf32, #tpu.memory_space<vmem>>, vector<1x1x3xf32>,
      %slice3A_106 = vector.extract_strided_slice %get3A_99 {offsets = [0, 0], sizes = [1, 1], strides = [1, 1]} : vector<1x3xf32> to vector<1x1xf32>
      %squeeze3A_107 = vector.extract %slice3A_106[0, 0] : f32 from vector<1x1xf32>
      %slice3A_108 = vector.extract_strided_slice %get3A_99 {offsets = [0, 1], sizes = [1, 1], strides = [1, 1]} : vector<1x3xf32> to vector<1x1xf32>
      %squeeze3A_109 = vector.extract %slice3A_108[0, 0] : f32 from vector<1x1xf32>
      %slice3A_110 = vector.extract_strided_slice %get3A_99 {offsets = [0, 2], sizes = [1, 1], strides = [1, 1]} : vector<1x3xf32> to vector<1x1xf32>
      %squeeze3A_111 = vector.extract %slice3A_110[0, 0] : f32 from vector<1x1xf32>
      %sub3A_112 = vector.broadcast %squeeze3A_107 : f32 to vector<8x256xf32>
      %sub3A_113 = arith.subf %get3A_11, %sub3A_112 : vector<8x256xf32>
      %sub3A_114 = vector.broadcast %squeeze3A_109 : f32 to vector<8x256xf32>
      %sub3A_115 = arith.subf %get3A_21, %sub3A_114 : vector<8x256xf32>
      %sub3A_116 = vector.broadcast %squeeze3A_111 : f32 to vector<8x256xf32>
      %sub3A_117 = arith.subf %get3A_31, %sub3A_116 : vector<8x256xf32>
      %mul3A_118 = arith.mulf %sub3A_113, %sub3A_113 : vector<8x256xf32>
      %mul3A_119 = arith.mulf %sub3A_115, %sub3A_115 : vector<8x256xf32>
      %add3A_120 = arith.addf %mul3A_118, %mul3A_119 : vector<8x256xf32>
      %mul3A_121 = arith.mulf %sub3A_117, %sub3A_117 : vector<8x256xf32>
      %add3A_122 = arith.addf %add3A_120, %mul3A_121 : vector<8x256xf32>
      %min3A_123 = arith.minimumf %scan3A_44, %add3A_122 : vector<8x256xf32>
      %reduce_max3A_124 = vector.shape_cast %min3A_123 : vector<8x256xf32> to vector<1x8x256xf32>
      %reduce_max3A_125 = arith.constant dense<0xFF800000> : vector<1xf32>
      %reduce_max3A_126 = vector.multi_reduction <maximumf>, %reduce_max3A_124, %reduce_max3A_125 [1, 2] : vector<1x8x256xf32> to vector<1xf32>
      %reduce_max3A_127 = vector.shape_cast %reduce_max3A_126 : vector<1xf32> to vector<1x1x1xf32>
      %reduce_max3A_128 = vector.extract %reduce_max3A_127[0, 0, 0] : f32 from vector<1x1x1xf32>
      %eq3A_129 = vector.broadcast %reduce_max3A_128 : f32 to vector<8x256xf32>
      %eq3A_130 = arith.cmpf oeq, %min3A_123, %eq3A_129 : vector<8x256xf32>
      %jit3A_131 = arith.constant 2048 : i32
      %broadcast_in_dim3A_132 = vector.broadcast %jit3A_131 : i32 to vector<8x256xi32>
      %select_n3A_133 = arith.select %eq3A_130, %add3A, %broadcast_in_dim3A_132 : vector<8x256xi1>, vector<8x256xi32>
      %reduce_min3A_134 = vector.shape_cast %select_n3A_133 : vector<8x256xi32> to vector<1x8x256xi32>
      %reduce_min3A_135 = arith.constant dense<2147483647> : vector<1xi32>
      %reduce_min3A_136 = vector.multi_reduction <minsi>, %reduce_min3A_134, %reduce_min3A_135 [1, 2] : vector<1x8x256xi32> to vector<1xi32>
      %reduce_min3A_137 = vector.shape_cast %reduce_min3A_136 : vector<1xi32> to vector<1x1x1xi32>
      %reduce_min3A_138 = vector.extract %reduce_min3A_137[0, 0, 0] : i32 from vector<1x1x1xi32>
      scf.yield %min3A, %min3A_123, %reduce_min3A_87, %reduce_min3A_138 : vector<8x256xf32>, vector<8x256xf32>, i32, i32
    }
    %scan3A_41 = arith.constant 1024 : i32
    return
  }
}

module attributes {stable_mosaic.version = 14 : i64} {
  func.func @_bqidx_kbody(%arg0: i32, %arg1: i32, %arg2: memref<1x3x2048xf32, #tpu.memory_space<vmem>>, %arg3: memref<1x128x8xf32, #tpu.memory_space<vmem>>, %arg4: memref<1x128x32xi32, #tpu.memory_space<vmem>>) attributes {dimension_semantics = [#tpu.dimension_semantics<arbitrary>, #tpu.dimension_semantics<arbitrary>], iteration_bounds = array<i64: 2, 8>, scalar_prefetch = 0 : i64, scratch_operands = 0 : i64, tpu.core_type = #tpu.core_type<tc>, window_params = [{transform_indices = @transform_0, window_bounds = array<i64: 1, 3, 2048>}, {transform_indices = @transform_1, window_bounds = array<i64: 1, 128, 8>}, {transform_indices = @transform_2, window_bounds = array<i64: 1, 128, 32>}]} {
    %get3A = arith.constant 0 : index
    %get3A_0 = arith.constant 0 : index
    %get3A_1 = arith.constant 0 : index
    %get3A_2 = vector.load %arg2[%get3A, %get3A_0, %get3A_1] : memref<1x3x2048xf32, #tpu.memory_space<vmem>>, vector<1x1x2048xf32>
    %get3A_3 = vector.shape_cast %get3A_2 : vector<1x1x2048xf32> to vector<1x2048xf32>
    %get3A_4 = arith.constant 0 : index
    %get3A_5 = arith.constant 1 : index
    %get3A_6 = arith.constant 0 : index
    %get3A_7 = vector.load %arg2[%get3A_4, %get3A_5, %get3A_6] : memref<1x3x2048xf32, #tpu.memory_space<vmem>>, vector<1x1x2048xf32>
    %get3A_8 = vector.shape_cast %get3A_7 : vector<1x1x2048xf32> to vector<1x2048xf32>
    %get3A_9 = arith.constant 0 : index
    %get3A_10 = arith.constant 2 : index
    %get3A_11 = arith.constant 0 : index
    %get3A_12 = vector.load %arg2[%get3A_9, %get3A_10, %get3A_11] : memref<1x3x2048xf32, #tpu.memory_space<vmem>>, vector<1x1x2048xf32>
    %get3A_13 = vector.shape_cast %get3A_12 : vector<1x1x2048xf32> to vector<1x2048xf32>
    %get3A_14 = arith.constant 0 : index
    %get3A_15 = arith.constant 0 : index
    %get3A_16 = arith.constant 0 : index
    %get3A_17 = vector.load %arg3[%get3A_14, %get3A_15, %get3A_16] : memref<1x128x8xf32, #tpu.memory_space<vmem>>, vector<1x128x1xf32>
    %get3A_18 = vector.shape_cast %get3A_17 : vector<1x128x1xf32> to vector<128x1xf32>
    %get3A_19 = arith.constant 0 : index
    %get3A_20 = arith.constant 0 : index
    %get3A_21 = arith.constant 1 : index
    %get3A_22 = vector.load %arg3[%get3A_19, %get3A_20, %get3A_21] : memref<1x128x8xf32, #tpu.memory_space<vmem>>, vector<1x128x1xf32>
    %get3A_23 = vector.shape_cast %get3A_22 : vector<1x128x1xf32> to vector<128x1xf32>
    %get3A_24 = arith.constant 0 : index
    %get3A_25 = arith.constant 0 : index
    %get3A_26 = arith.constant 2 : index
    %get3A_27 = vector.load %arg3[%get3A_24, %get3A_25, %get3A_26] : memref<1x128x8xf32, #tpu.memory_space<vmem>>, vector<1x128x1xf32>
    %get3A_28 = vector.shape_cast %get3A_27 : vector<1x128x1xf32> to vector<128x1xf32>
    %sub3A = vector.broadcast %get3A_18 : vector<128x1xf32> to vector<128x2048xf32>
    %sub3A_29 = vector.broadcast %get3A_3 : vector<1x2048xf32> to vector<128x2048xf32>
    %sub3A_30 = arith.subf %sub3A, %sub3A_29 : vector<128x2048xf32>
    %sub3A_31 = vector.broadcast %get3A_23 : vector<128x1xf32> to vector<128x2048xf32>
    %sub3A_32 = vector.broadcast %get3A_8 : vector<1x2048xf32> to vector<128x2048xf32>
    %sub3A_33 = arith.subf %sub3A_31, %sub3A_32 : vector<128x2048xf32>
    %sub3A_34 = vector.broadcast %get3A_28 : vector<128x1xf32> to vector<128x2048xf32>
    %sub3A_35 = vector.broadcast %get3A_13 : vector<1x2048xf32> to vector<128x2048xf32>
    %sub3A_36 = arith.subf %sub3A_34, %sub3A_35 : vector<128x2048xf32>
    %mul3A = arith.mulf %sub3A_30, %sub3A_30 : vector<128x2048xf32>
    %mul3A_37 = arith.mulf %sub3A_33, %sub3A_33 : vector<128x2048xf32>
    %add3A = arith.addf %mul3A, %mul3A_37 : vector<128x2048xf32>
    %mul3A_38 = arith.mulf %sub3A_36, %sub3A_36 : vector<128x2048xf32>
    %add3A_39 = arith.addf %add3A, %mul3A_38 : vector<128x2048xf32>
    %le3A = arith.constant 1.600000e-01 : f32
    %le3A_40 = vector.broadcast %le3A : f32 to vector<128x2048xf32>
    %le3A_41 = arith.cmpf ole, %add3A_39, %le3A_40 : vector<128x2048xf32>
    %jit3A = arith.constant 1.000000e+00 : f32
    %jit3A_42 = arith.constant 0.000000e+00 : f32
    %broadcast_in_dim3A = vector.broadcast %jit3A : f32 to vector<128x2048xf32>
    %broadcast_in_dim3A_43 = vector.broadcast %jit3A_42 : f32 to vector<128x2048xf32>
    %select_n3A = arith.select %le3A_41, %broadcast_in_dim3A, %broadcast_in_dim3A_43 : vector<128x2048xi1>, vector<128x2048xf32>
    %iota3A = tpu.iota {dimensions = array<i32: 0>} : vector<128x128xi32>
    %iota3A_44 = tpu.iota {dimensions = array<i32: 1>} : vector<128x128xi32>
    %le3A_45 = arith.cmpi sle, %iota3A, %iota3A_44 : vector<128x128xi32>
    %jit3A_46 = arith.constant 1.000000e+00 : f32
    %jit3A_47 = arith.constant 0.000000e+00 : f32
    %broadcast_in_dim3A_48 = vector.broadcast %jit3A_46 : f32 to vector<128x128xf32>
    %broadcast_in_dim3A_49 = vector.broadcast %jit3A_47 : f32 to vector<128x128xf32>
    %select_n3A_50 = arith.select %le3A_45, %broadcast_in_dim3A_48, %broadcast_in_dim3A_49 : vector<128x128xi1>, vector<128x128xf32>
    %reshape3A = vector.shape_cast %select_n3A : vector<128x2048xf32> to vector<128x16x128xf32>
    %dot_general3A = arith.constant dense<0.000000e+00> : vector<128x16x128xf32>
    %dot_general3A_51 = tpu.matmul %reshape3A, %select_n3A_50, %dot_general3A {dimension_numbers = #tpu.dot_dimension_numbers<[2], [0], [0, 1], [1], [0, 0, 0, 1, 1, 1], [], []>, transpose_lhs_hint = false} : vector<128x16x128xf32>, vector<128x128xf32>, vector<128x16x128xf32> -> vector<128x16x128xf32>
    %slice3A = vector.extract_strided_slice %dot_general3A_51 {offsets = [0, 0, 127], sizes = [128, 16, 1], strides = [1, 1, 1]} : vector<128x16x128xf32> to vector<128x16x1xf32>
    %squeeze3A = vector.shape_cast %slice3A : vector<128x16x1xf32> to vector<128x16xf32>
    %iota3A_52 = tpu.iota {dimensions = array<i32: 0>} : vector<16x16xi32>
    %iota3A_53 = tpu.iota {dimensions = array<i32: 1>} : vector<16x16xi32>
    %le3A_54 = arith.cmpi sle, %iota3A_52, %iota3A_53 : vector<16x16xi32>
    %jit3A_55 = arith.constant 1.000000e+00 : f32
    %jit3A_56 = arith.constant 0.000000e+00 : f32
    %broadcast_in_dim3A_57 = vector.broadcast %jit3A_55 : f32 to vector<16x16xf32>
    %broadcast_in_dim3A_58 = vector.broadcast %jit3A_56 : f32 to vector<16x16xf32>
    %select_n3A_59 = arith.select %le3A_54, %broadcast_in_dim3A_57, %broadcast_in_dim3A_58 : vector<16x16xi1>, vector<16x16xf32>
    %dot_general3A_60 = arith.constant dense<0.000000e+00> : vector<128x16xf32>
    %dot_general3A_61 = tpu.matmul %squeeze3A, %select_n3A_59, %dot_general3A_60 {dimension_numbers = #tpu.dot_dimension_numbers<[1], [0], [0], [1], [0, 0, 1, 1], [], []>, transpose_lhs_hint = false} : vector<128x16xf32>, vector<16x16xf32>, vector<128x16xf32> -> vector<128x16xf32>
    %sub3A_62 = arith.subf %dot_general3A_61, %squeeze3A : vector<128x16xf32>
    %iota3A_63 = tpu.iota {dimensions = array<i32: 2>} : vector<1x1x32xi32>
    %convert_element_type3A = arith.sitofp %iota3A_63 : vector<1x1x32xi32> to vector<1x1x32xf32>
    %broadcast_in_dim3A_64 = vector.shape_cast %dot_general3A_61 : vector<128x16xf32> to vector<128x16x1xf32>
    %le3A_65 = vector.broadcast %broadcast_in_dim3A_64 : vector<128x16x1xf32> to vector<128x16x32xf32>
    %le3A_66 = vector.broadcast %convert_element_type3A : vector<1x1x32xf32> to vector<128x16x32xf32>
    %le3A_67 = arith.cmpf ole, %le3A_65, %le3A_66 : vector<128x16x32xf32>
    %jit3A_68 = arith.constant 1.000000e+00 : f32
    %jit3A_69 = arith.constant 0.000000e+00 : f32
    %broadcast_in_dim3A_70 = vector.broadcast %jit3A_68 : f32 to vector<128x16x32xf32>
    %broadcast_in_dim3A_71 = vector.broadcast %jit3A_69 : f32 to vector<128x16x32xf32>
    %select_n3A_72 = arith.select %le3A_67, %broadcast_in_dim3A_70, %broadcast_in_dim3A_71 : vector<128x16x32xi1>, vector<128x16x32xf32>
    %broadcast_in_dim3A_73 = vector.shape_cast %sub3A_62 : vector<128x16xf32> to vector<128x16x1xf32>
    %le3A_74 = vector.broadcast %broadcast_in_dim3A_73 : vector<128x16x1xf32> to vector<128x16x32xf32>
    %le3A_75 = vector.broadcast %convert_element_type3A : vector<1x1x32xf32> to vector<128x16x32xf32>
    %le3A_76 = arith.cmpf ole, %le3A_74, %le3A_75 : vector<128x16x32xf32>
    %jit3A_77 = arith.constant 1.000000e+00 : f32
    %jit3A_78 = arith.constant 0.000000e+00 : f32
    %broadcast_in_dim3A_79 = vector.broadcast %jit3A_77 : f32 to vector<128x16x32xf32>
    %broadcast_in_dim3A_80 = vector.broadcast %jit3A_78 : f32 to vector<128x16x32xf32>
    %select_n3A_81 = arith.select %le3A_76, %broadcast_in_dim3A_79, %broadcast_in_dim3A_80 : vector<128x16x32xi1>, vector<128x16x32xf32>
    %reduce_sum3A = arith.constant dense<0.000000e+00> : vector<128x32xf32>
    %reduce_sum3A_82 = vector.multi_reduction <add>, %select_n3A_72, %reduce_sum3A [1] : vector<128x16x32xf32> to vector<128x32xf32>
    %sub3A_83 = arith.subf %select_n3A_81, %select_n3A_72 : vector<128x16x32xf32>
    %broadcast_in_dim3A_84 = vector.shape_cast %sub3A_62 : vector<128x16xf32> to vector<128x16x1xf32>
    %mul3A_85 = vector.broadcast %broadcast_in_dim3A_84 : vector<128x16x1xf32> to vector<128x16x32xf32>
    %mul3A_86 = arith.mulf %sub3A_83, %mul3A_85 : vector<128x16x32xf32>
    %reduce_sum3A_87 = arith.constant dense<0.000000e+00> : vector<128x32xf32>
    %reduce_sum3A_88 = vector.multi_reduction <add>, %mul3A_86, %reduce_sum3A_87 [1] : vector<128x16x32xf32> to vector<128x32xf32>
    %reduce_sum3A_89 = arith.constant dense<0.000000e+00> : vector<128x32xf32>
    %reduce_sum3A_90 = vector.multi_reduction <add>, %sub3A_83, %reduce_sum3A_89 [1] : vector<128x16x32xf32> to vector<128x32xf32>
    %dot_general3A_91 = arith.constant dense<0.000000e+00> : vector<128x32x128xf32>
    %dot_general3A_92 = tpu.matmul %sub3A_83, %dot_general3A_51, %dot_general3A_91 {dimension_numbers = #tpu.dot_dimension_numbers<[1], [1], [2], [2], [0, 0, 0, 2, 1, 2], [0], [0]>, transpose_lhs_hint = false} : vector<128x16x32xf32>, vector<128x16x128xf32>, vector<128x32x128xf32> -> vector<128x32x128xf32>
    %iota3A_93 = tpu.iota {dimensions = array<i32: 1>} : vector<128x32xi32>
    %convert_element_type3A_94 = arith.sitofp %iota3A_93 : vector<128x32xi32> to vector<128x32xf32>
    %sub3A_95 = arith.subf %convert_element_type3A_94, %reduce_sum3A_88 : vector<128x32xf32>
    %broadcast_in_dim3A_96 = vector.shape_cast %sub3A_95 : vector<128x32xf32> to vector<128x32x1xf32>
    %le3A_97 = vector.broadcast %broadcast_in_dim3A_96 : vector<128x32x1xf32> to vector<128x32x128xf32>
    %le3A_98 = arith.cmpf ole, %dot_general3A_92, %le3A_97 : vector<128x32x128xf32>
    %jit3A_99 = arith.constant 1.000000e+00 : f32
    %jit3A_100 = arith.constant 0.000000e+00 : f32
    %broadcast_in_dim3A_101 = vector.broadcast %jit3A_99 : f32 to vector<128x32x128xf32>
    %broadcast_in_dim3A_102 = vector.broadcast %jit3A_100 : f32 to vector<128x32x128xf32>
    %select_n3A_103 = arith.select %le3A_98, %broadcast_in_dim3A_101, %broadcast_in_dim3A_102 : vector<128x32x128xi1>, vector<128x32x128xf32>
    %reduce_sum3A_104 = arith.constant dense<0.000000e+00> : vector<128x32xf32>
    %reduce_sum3A_105 = vector.multi_reduction <add>, %select_n3A_103, %reduce_sum3A_104 [2] : vector<128x32x128xf32> to vector<128x32xf32>
    %mul3A_106 = arith.mulf %reduce_sum3A_105, %reduce_sum3A_90 : vector<128x32xf32>
    %mul3A_107 = arith.constant 1.280000e+02 : f32
    %mul3A_108 = vector.broadcast %mul3A_107 : f32 to vector<128x32xf32>
    %mul3A_109 = arith.mulf %mul3A_108, %reduce_sum3A_82 : vector<128x32xf32>
    %add3A_110 = arith.addf %mul3A_109, %mul3A_106 : vector<128x32xf32>
    %convert_element_type3A_111 = arith.fptosi %add3A_110 : vector<128x32xf32> to vector<128x32xi32>
    %slice3A_112 = vector.extract_strided_slice %convert_element_type3A_111 {offsets = [0, 0], sizes = [128, 1], strides = [1, 1]} : vector<128x32xi32> to vector<128x1xi32>
    %ge3A = arith.constant 2048 : i32
    %ge3A_113 = vector.broadcast %ge3A : i32 to vector<128x32xi32>
    %ge3A_114 = arith.cmpi sge, %convert_element_type3A_111, %ge3A_113 : vector<128x32xi32>
    %broadcast_in_dim3A_115 = vector.shape_cast %slice3A_112 : vector<128x1xi32> to vector<128x1xi32>
    %broadcast_in_dim3A_116 = vector.broadcast %broadcast_in_dim3A_115 : vector<128x1xi32> to vector<128x32xi32>
    %select_n3A_117 = arith.select %ge3A_114, %broadcast_in_dim3A_116, %convert_element_type3A_111 : vector<128x32xi1>, vector<128x32xi32>
    %swap3A = arith.constant 0 : index
    %swap3A_118 = arith.constant 0 : index
    %swap3A_119 = arith.constant 0 : index
    %swap3A_120 = vector.load %arg4[%swap3A, %swap3A_118, %swap3A_119] : memref<1x128x32xi32, #tpu.memory_space<vmem>>, vector<1x128x32xi32>
    %swap3A_121 = vector.shape_cast %swap3A_120 : vector<1x128x32xi32> to vector<128x32xi32>
    %swap3A_122 = vector.shape_cast %select_n3A_117 : vector<128x32xi32> to vector<1x128x32xi32>
    tpu.vector_store %arg4[%swap3A, %swap3A_118, %swap3A_119], %swap3A_122 {strides = array<i32>} : memref<1x128x32xi32, #tpu.memory_space<vmem>>, vector<1x128x32xi32>,
    return
  }
  func.func @transform_0(%arg0: i32, %arg1: i32) -> (i32, i32, i32) {
    %c0_i32 = arith.constant 0 : i32
    %c0_i32_0 = arith.constant 0 : i32
    %c0_i32_1 = arith.constant 0 : i32
    return %arg0, %c0_i32, %c0_i32_0 : i32, i32, i32
  }
  func.func @transform_1(%arg0: i32, %arg1: i32) -> (i32, i32, i32) {
    %c0_i32 = arith.constant 0 : i32
    %c0_i32_0 = arith.constant 0 : i32
    return %arg0, %arg1, %c0_i32 : i32, i32, i32
  }
  func.func @transform_2(%arg0: i32, %arg1: i32) -> (i32, i32, i32) {
    %c0_i32 = arith.constant 0 : i32
    %c0_i32_0 = arith.constant 0 : i32
    return %arg0, %arg1, %c0_i32 : i32, i32, i32
  }
}

module attributes {stable_mosaic.version = 14 : i64} {
  func.func @_mlp_max_kbody(%arg0: i32, %arg1: memref<2048x8xf32, #tpu.memory_space<vmem>>, %arg2: memref<32x8xf32, #tpu.memory_space<vmem>>, %arg3: memref<8x64xf32, #tpu.memory_space<vmem>>, %arg4: memref<1x64xf32, #tpu.memory_space<vmem>>, %arg5: memref<64x64xf32, #tpu.memory_space<vmem>>, %arg6: memref<1x64xf32, #tpu.memory_space<vmem>>, %arg7: memref<64x128xf32, #tpu.memory_space<vmem>>, %arg8: memref<1x128xf32, #tpu.memory_space<vmem>>, %arg9: memref<32x128xf32, #tpu.memory_space<vmem>>) attributes {dimension_semantics = [#tpu.dimension_semantics<arbitrary>], iteration_bounds = array<i64: 128>, scalar_prefetch = 0 : i64, scratch_operands = 0 : i64, tpu.core_type = #tpu.core_type<tc>, window_params = [{transform_indices = @transform_0, window_bounds = array<i64: 2048, 8>}, {transform_indices = @transform_1, window_bounds = array<i64: 32, 8>}, {pipeline_mode = #tpu.pipeline_mode<synchronous>, transform_indices = @transform_2, window_bounds = array<i64: 8, 64>}, {pipeline_mode = #tpu.pipeline_mode<synchronous>, transform_indices = @transform_3, window_bounds = array<i64: 1, 64>}, {pipeline_mode = #tpu.pipeline_mode<synchronous>, transform_indices = @transform_4, window_bounds = array<i64: 64, 64>}, {pipeline_mode = #tpu.pipeline_mode<synchronous>, transform_indices = @transform_5, window_bounds = array<i64: 1, 64>}, {pipeline_mode = #tpu.pipeline_mode<synchronous>, transform_indices = @transform_6, window_bounds = array<i64: 64, 128>}, {pipeline_mode = #tpu.pipeline_mode<synchronous>, transform_indices = @transform_7, window_bounds = array<i64: 1, 128>}, {transform_indices = @transform_8, window_bounds = array<i64: 32, 128>}]} {
    %get3A = arith.constant 0 : index
    %get3A_0 = arith.constant 0 : index
    %get3A_1 = vector.load %arg1[%get3A, %get3A_0] : memref<2048x8xf32, #tpu.memory_space<vmem>>, vector<2048x8xf32>
    %get3A_2 = arith.constant 0 : index
    %get3A_3 = arith.constant 0 : index
    %get3A_4 = vector.load %arg2[%get3A_2, %get3A_3] : memref<32x8xf32, #tpu.memory_space<vmem>>, vector<32x8xf32>
    %slice3A = vector.extract_strided_slice %get3A_4 {offsets = [0, 0], sizes = [32, 3], strides = [1, 1]} : vector<32x8xf32> to vector<32x3xf32>
    %broadcast_in_dim3A = vector.shape_cast %slice3A : vector<32x3xf32> to vector<32x1x3xf32>
    %broadcast_in_dim3A_5 = vector.shape_cast %broadcast_in_dim3A : vector<32x1x3xf32> to vector<32x1x3xf32>
    %broadcast_in_dim3A_6 = vector.broadcast %broadcast_in_dim3A_5 : vector<32x1x3xf32> to vector<32x64x3xf32>
    %reshape3A = vector.shape_cast %broadcast_in_dim3A_6 : vector<32x64x3xf32> to vector<2048x3xf32>
    %slice3A_7 = vector.extract_strided_slice %get3A_1 {offsets = [0, 0], sizes = [2048, 3], strides = [1, 1]} : vector<2048x8xf32> to vector<2048x3xf32>
    %sub3A = arith.subf %slice3A_7, %reshape3A : vector<2048x3xf32>
    %div3A = arith.constant 2.000000e-01 : f32
    %div3A_8 = vector.broadcast %div3A : f32 to vector<2048x3xf32>
    %div3A_9 = arith.divf %sub3A, %div3A_8 : vector<2048x3xf32>
    %slice3A_10 = vector.extract_strided_slice %get3A_1 {offsets = [0, 3], sizes = [2048, 5], strides = [1, 1]} : vector<2048x8xf32> to vector<2048x5xf32>
    %concatenate3A = tpu.concatenate %div3A_9, %slice3A_10 in 1 : vector<2048x3xf32>, vector<2048x5xf32> -> vector<2048x8xf32>
    %get3A_11 = arith.constant 0 : index
    %get3A_12 = arith.constant 0 : index
    %get3A_13 = vector.load %arg3[%get3A_11, %get3A_12] : memref<8x64xf32, #tpu.memory_space<vmem>>, vector<8x64xf32>
    %dot_general3A = arith.constant dense<0.000000e+00> : vector<2048x64xf32>
    %dot_general3A_14 = tpu.matmul %concatenate3A, %get3A_13, %dot_general3A {dimension_numbers = #tpu.dot_dimension_numbers<[1], [0], [0], [1], [0, 0, 1, 1], [], []>, transpose_lhs_hint = false} : vector<2048x8xf32>, vector<8x64xf32>, vector<2048x64xf32> -> vector<2048x64xf32>
    %get3A_15 = arith.constant 0 : index
    %get3A_16 = arith.constant 0 : index
    %get3A_17 = vector.load %arg4[%get3A_15, %get3A_16] : memref<1x64xf32, #tpu.memory_space<vmem>>, vector<1x64xf32>
    %add3A = vector.broadcast %get3A_17 : vector<1x64xf32> to vector<2048x64xf32>
    %add3A_18 = arith.addf %dot_general3A_14, %add3A : vector<2048x64xf32>
    %mul3A = arith.constant 0.999994993 : f32
    %mul3A_19 = vector.broadcast %mul3A : f32 to vector<2048x64xf32>
    %mul3A_20 = arith.mulf %add3A_18, %mul3A_19 : vector<2048x64xf32>
    %max3A = arith.constant 0.000000e+00 : f32
    %max3A_21 = vector.broadcast %max3A : f32 to vector<2048x64xf32>
    %max3A_22 = arith.maximumf %mul3A_20, %max3A_21 : vector<2048x64xf32>
    %get3A_23 = arith.constant 0 : index
    %get3A_24 = arith.constant 0 : index
    %get3A_25 = vector.load %arg5[%get3A_23, %get3A_24] : memref<64x64xf32, #tpu.memory_space<vmem>>, vector<64x64xf32>
    %dot_general3A_26 = arith.constant dense<0.000000e+00> : vector<2048x64xf32>
    %dot_general3A_27 = tpu.matmul %max3A_22, %get3A_25, %dot_general3A_26 {dimension_numbers = #tpu.dot_dimension_numbers<[1], [0], [0], [1], [0, 0, 1, 1], [], []>, transpose_lhs_hint = false} : vector<2048x64xf32>, vector<64x64xf32>, vector<2048x64xf32> -> vector<2048x64xf32>
    %get3A_28 = arith.constant 0 : index
    %get3A_29 = arith.constant 0 : index
    %get3A_30 = vector.load %arg6[%get3A_28, %get3A_29] : memref<1x64xf32, #tpu.memory_space<vmem>>, vector<1x64xf32>
    %add3A_31 = vector.broadcast %get3A_30 : vector<1x64xf32> to vector<2048x64xf32>
    %add3A_32 = arith.addf %dot_general3A_27, %add3A_31 : vector<2048x64xf32>
    %mul3A_33 = arith.constant 0.999994993 : f32
    %mul3A_34 = vector.broadcast %mul3A_33 : f32 to vector<2048x64xf32>
    %mul3A_35 = arith.mulf %add3A_32, %mul3A_34 : vector<2048x64xf32>
    %max3A_36 = arith.constant 0.000000e+00 : f32
    %max3A_37 = vector.broadcast %max3A_36 : f32 to vector<2048x64xf32>
    %max3A_38 = arith.maximumf %mul3A_35, %max3A_37 : vector<2048x64xf32>
    %get3A_39 = arith.constant 0 : index
    %get3A_40 = arith.constant 0 : index
    %get3A_41 = vector.load %arg7[%get3A_39, %get3A_40] : memref<64x128xf32, #tpu.memory_space<vmem>>, vector<64x128xf32>
    %dot_general3A_42 = arith.constant dense<0.000000e+00> : vector<2048x128xf32>
    %dot_general3A_43 = tpu.matmul %max3A_38, %get3A_41, %dot_general3A_42 {dimension_numbers = #tpu.dot_dimension_numbers<[1], [0], [0], [1], [0, 0, 1, 1], [], []>, transpose_lhs_hint = false} : vector<2048x64xf32>, vector<64x128xf32>, vector<2048x128xf32> -> vector<2048x128xf32>
    %get3A_44 = arith.constant 0 : index
    %get3A_45 = arith.constant 0 : index
    %get3A_46 = vector.load %arg8[%get3A_44, %get3A_45] : memref<1x128xf32, #tpu.memory_space<vmem>>, vector<1x128xf32>
    %add3A_47 = vector.broadcast %get3A_46 : vector<1x128xf32> to vector<2048x128xf32>
    %add3A_48 = arith.addf %dot_general3A_43, %add3A_47 : vector<2048x128xf32>
    %mul3A_49 = arith.constant 0.999994993 : f32
    %mul3A_50 = vector.broadcast %mul3A_49 : f32 to vector<2048x128xf32>
    %mul3A_51 = arith.mulf %add3A_48, %mul3A_50 : vector<2048x128xf32>
    %max3A_52 = arith.constant 0.000000e+00 : f32
    %max3A_53 = vector.broadcast %max3A_52 : f32 to vector<2048x128xf32>
    %max3A_54 = arith.maximumf %mul3A_51, %max3A_53 : vector<2048x128xf32>
    %reshape3A_55 = vector.shape_cast %max3A_54 : vector<2048x128xf32> to vector<32x64x128xf32>
    %reduce_max3A = arith.constant dense<0xFF800000> : vector<32x128xf32>
    %reduce_max3A_56 = vector.multi_reduction <maximumf>, %reshape3A_55, %reduce_max3A [1] : vector<32x64x128xf32> to vector<32x128xf32>
    %swap3A = arith.constant 0 : index
    %swap3A_57 = arith.constant 0 : index
    %swap3A_58 = vector.load %arg9[%swap3A, %swap3A_57] : memref<32x128xf32, #tpu.memory_space<vmem>>, vector<32x128xf32>
    tpu.vector_store %arg9[%swap3A, %swap3A_57], %reduce_max3A_56 {strides = array<i32>} : memref<32x128xf32, #tpu.memory_space<vmem>>, vector<32x128xf32>,
    return
  }
  func.func @transform_0(%arg0: i32) -> (i32, i32) {
    %c0_i32 = arith.constant 0 : i32
    %c0_i32_0 = arith.constant 0 : i32
    return %arg0, %c0_i32 : i32, i32
  }
  func.func @transform_1(%arg0: i32) -> (i32, i32) {
    %c0_i32 = arith.constant 0 : i32
    %c0_i32_0 = arith.constant 0 : i32
    return %arg0, %c0_i32 : i32, i32
  }
  func.func @transform_2(%arg0: i32) -> (i32, i32) {
    %c0_i32 = arith.constant 0 : i32
    %c0_i32_0 = arith.constant 0 : i32
    %c0_i32_1 = arith.constant 0 : i32
    return %c0_i32, %c0_i32_0 : i32, i32
  }
  func.func @transform_3(%arg0: i32) -> (i32, i32) {
    %c0_i32 = arith.constant 0 : i32
    %c0_i32_0 = arith.constant 0 : i32
    %c0_i32_1 = arith.constant 0 : i32
    return %c0_i32, %c0_i32_0 : i32, i32
  }
  func.func @transform_4(%arg0: i32) -> (i32, i32) {
    %c0_i32 = arith.constant 0 : i32
    %c0_i32_0 = arith.constant 0 : i32
    %c0_i32_1 = arith.constant 0 : i32
    return %c0_i32, %c0_i32_0 : i32, i32
  }
  func.func @transform_5(%arg0: i32) -> (i32, i32) {
    %c0_i32 = arith.constant 0 : i32
    %c0_i32_0 = arith.constant 0 : i32
    %c0_i32_1 = arith.constant 0 : i32
    return %c0_i32, %c0_i32_0 : i32, i32
  }
  func.func @transform_6(%arg0: i32) -> (i32, i32) {
    %c0_i32 = arith.constant 0 : i32
    %c0_i32_0 = arith.constant 0 : i32
    %c0_i32_1 = arith.constant 0 : i32
    return %c0_i32, %c0_i32_0 : i32, i32
  }
  func.func @transform_7(%arg0: i32) -> (i32, i32) {
    %c0_i32 = arith.constant 0 : i32
    %c0_i32_0 = arith.constant 0 : i32
    %c0_i32_1 = arith.constant 0 : i32
    return %c0_i32, %c0_i32_0 : i32, i32
  }
  func.func @transform_8(%arg0: i32) -> (i32, i32) {
    %c0_i32 = arith.constant 0 : i32
    %c0_i32_0 = arith.constant 0 : i32
    return %arg0, %c0_i32 : i32, i32
  }
}

module attributes {stable_mosaic.version = 14 : i64} {
  func.func @_fps2_kbody(%arg0: memref<2x8x128xf32, #tpu.memory_space<vmem>>, %arg1: memref<2x8x128xf32, #tpu.memory_space<vmem>>, %arg2: memref<2x8x128xf32, #tpu.memory_space<vmem>>, %arg3: memref<2x1024x3xf32, #tpu.memory_space<vmem>>, %arg4: memref<2x512x1xi32, #tpu.memory_space<vmem>>, %arg5: memref<2x512x3xf32, #tpu.memory_space<vmem>>) attributes {dimension_semantics = [], scalar_prefetch = 0 : i64, scratch_operands = 0 : i64, tpu.core_type = #tpu.core_type<tc>} {
    %iota3A = tpu.iota {dimensions = array<i32: 0>} : vector<8x128xi32>
    %mul3A = arith.constant 128 : i32
    %mul3A_0 = vector.broadcast %mul3A : i32 to vector<8x128xi32>
    %mul3A_1 = arith.muli %iota3A, %mul3A_0 : vector<8x128xi32>
    %iota3A_2 = tpu.iota {dimensions = array<i32: 1>} : vector<8x128xi32>
    %add3A = arith.addi %mul3A_1, %iota3A_2 : vector<8x128xi32>
    %get3A = arith.constant 0 : index
    %get3A_3 = arith.constant 0 : index
    %get3A_4 = arith.constant 0 : index
    %get3A_5 = vector.load %arg0[%get3A, %get3A_3, %get3A_4] : memref<2x8x128xf32, #tpu.memory_space<vmem>>, vector<1x8x128xf32>
    %get3A_6 = vector.shape_cast %get3A_5 : vector<1x8x128xf32> to vector<8x128xf32>
    %get3A_7 = arith.constant 1 : index
    %get3A_8 = arith.constant 0 : index
    %get3A_9 = arith.constant 0 : index
    %get3A_10 = vector.load %arg0[%get3A_7, %get3A_8, %get3A_9] : memref<2x8x128xf32, #tpu.memory_space<vmem>>, vector<1x8x128xf32>
    %get3A_11 = vector.shape_cast %get3A_10 : vector<1x8x128xf32> to vector<8x128xf32>
    %get3A_12 = arith.constant 0 : index
    %get3A_13 = arith.constant 0 : index
    %get3A_14 = arith.constant 0 : index
    %get3A_15 = vector.load %arg1[%get3A_12, %get3A_13, %get3A_14] : memref<2x8x128xf32, #tpu.memory_space<vmem>>, vector<1x8x128xf32>
    %get3A_16 = vector.shape_cast %get3A_15 : vector<1x8x128xf32> to vector<8x128xf32>
    %get3A_17 = arith.constant 1 : index
    %get3A_18 = arith.constant 0 : index
    %get3A_19 = arith.constant 0 : index
    %get3A_20 = vector.load %arg1[%get3A_17, %get3A_18, %get3A_19] : memref<2x8x128xf32, #tpu.memory_space<vmem>>, vector<1x8x128xf32>
    %get3A_21 = vector.shape_cast %get3A_20 : vector<1x8x128xf32> to vector<8x128xf32>
    %get3A_22 = arith.constant 0 : index
    %get3A_23 = arith.constant 0 : index
    %get3A_24 = arith.constant 0 : index
    %get3A_25 = vector.load %arg2[%get3A_22, %get3A_23, %get3A_24] : memref<2x8x128xf32, #tpu.memory_space<vmem>>, vector<1x8x128xf32>
    %get3A_26 = vector.shape_cast %get3A_25 : vector<1x8x128xf32> to vector<8x128xf32>
    %get3A_27 = arith.constant 1 : index
    %get3A_28 = arith.constant 0 : index
    %get3A_29 = arith.constant 0 : index
    %get3A_30 = vector.load %arg2[%get3A_27, %get3A_28, %get3A_29] : memref<2x8x128xf32, #tpu.memory_space<vmem>>, vector<1x8x128xf32>
    %get3A_31 = vector.shape_cast %get3A_30 : vector<1x8x128xf32> to vector<8x128xf32>
    %broadcast_in_dim3A = arith.constant 1.000000e+10 : f32
    %broadcast_in_dim3A_32 = vector.broadcast %broadcast_in_dim3A : f32 to vector<8x128xf32>
    %broadcast_in_dim3A_33 = arith.constant 1.000000e+10 : f32
    %broadcast_in_dim3A_34 = vector.broadcast %broadcast_in_dim3A_33 : f32 to vector<8x128xf32>
    %scan3A = arith.constant 0 : i32
    %scan3A_35 = arith.constant 0 : i32
    %scan3A_36 = arith.constant 0 : i32
    %scan3A_37 = arith.constant 512 : i32
    %scan3A_38 = arith.addi %scan3A_36, %scan3A_37 : i32
    %scan3A_39 = arith.constant 1 : i32
    %scan3A_40:4 = scf.for %scan3A_42 = %scan3A_36 to %scan3A_38 step %scan3A_39 iter_args(%scan3A_43 = %broadcast_in_dim3A_32, %scan3A_44 = %broadcast_in_dim3A_34, %scan3A_45 = %scan3A, %scan3A_46 = %scan3A_35) -> (vector<8x128xf32>, vector<8x128xf32>, i32, i32)  : i32 {
      %broadcast_in_dim3A_47 = vector.broadcast %scan3A_45 : i32 to vector<1x1xi32>
      %swap3A = arith.constant 0 : index
      %swap3A_48 = arith.index_cast %scan3A_42 : i32 to index
      %swap3A_49 = arith.constant 0 : index
      %swap3A_50 = vector.load %arg4[%swap3A, %swap3A_48, %swap3A_49] : memref<2x512x1xi32, #tpu.memory_space<vmem>>, vector<1x1x1xi32>
      %swap3A_51 = vector.shape_cast %swap3A_50 : vector<1x1x1xi32> to vector<1x1xi32>
      %swap3A_52 = vector.shape_cast %broadcast_in_dim3A_47 : vector<1x1xi32> to vector<1x1x1xi32>
      tpu.vector_store %arg4[%swap3A, %swap3A_48, %swap3A_49], %swap3A_52 {strides = array<i32>} : memref<2x512x1xi32, #tpu.memory_space<vmem>>, vector<1x1x1xi32>,
      %get3A_53 = arith.constant 0 : index
      %get3A_54 = arith.index_cast %scan3A_45 : i32 to index
      %get3A_55 = arith.constant 0 : index
      %get3A_56 = vector.load %arg3[%get3A_53, %get3A_54, %get3A_55] : memref<2x1024x3xf32, #tpu.memory_space<vmem>>, vector<1x1x3xf32>
      %get3A_57 = vector.shape_cast %get3A_56 : vector<1x1x3xf32> to vector<1x3xf32>
      %swap3A_58 = arith.constant 0 : index
      %swap3A_59 = arith.index_cast %scan3A_42 : i32 to index
      %swap3A_60 = arith.constant 0 : index
      %swap3A_61 = vector.load %arg5[%swap3A_58, %swap3A_59, %swap3A_60] : memref<2x512x3xf32, #tpu.memory_space<vmem>>, vector<1x1x3xf32>
      %swap3A_62 = vector.shape_cast %swap3A_61 : vector<1x1x3xf32> to vector<1x3xf32>
      %swap3A_63 = vector.shape_cast %get3A_57 : vector<1x3xf32> to vector<1x1x3xf32>
      tpu.vector_store %arg5[%swap3A_58, %swap3A_59, %swap3A_60], %swap3A_63 {strides = array<i32>} : memref<2x512x3xf32, #tpu.memory_space<vmem>>, vector<1x1x3xf32>,
      %slice3A = vector.extract_strided_slice %get3A_57 {offsets = [0, 0], sizes = [1, 1], strides = [1, 1]} : vector<1x3xf32> to vector<1x1xf32>
      %squeeze3A = vector.extract %slice3A[0, 0] : f32 from vector<1x1xf32>
      %slice3A_64 = vector.extract_strided_slice %get3A_57 {offsets = [0, 1], sizes = [1, 1], strides = [1, 1]} : vector<1x3xf32> to vector<1x1xf32>
      %squeeze3A_65 = vector.extract %slice3A_64[0, 0] : f32 from vector<1x1xf32>
      %slice3A_66 = vector.extract_strided_slice %get3A_57 {offsets = [0, 2], sizes = [1, 1], strides = [1, 1]} : vector<1x3xf32> to vector<1x1xf32>
      %squeeze3A_67 = vector.extract %slice3A_66[0, 0] : f32 from vector<1x1xf32>
      %sub3A = vector.broadcast %squeeze3A : f32 to vector<8x128xf32>
      %sub3A_68 = arith.subf %get3A_6, %sub3A : vector<8x128xf32>
      %sub3A_69 = vector.broadcast %squeeze3A_65 : f32 to vector<8x128xf32>
      %sub3A_70 = arith.subf %get3A_16, %sub3A_69 : vector<8x128xf32>
      %sub3A_71 = vector.broadcast %squeeze3A_67 : f32 to vector<8x128xf32>
      %sub3A_72 = arith.subf %get3A_26, %sub3A_71 : vector<8x128xf32>
      %mul3A_73 = arith.mulf %sub3A_68, %sub3A_68 : vector<8x128xf32>
      %mul3A_74 = arith.mulf %sub3A_70, %sub3A_70 : vector<8x128xf32>
      %add3A_75 = arith.addf %mul3A_73, %mul3A_74 : vector<8x128xf32>
      %mul3A_76 = arith.mulf %sub3A_72, %sub3A_72 : vector<8x128xf32>
      %add3A_77 = arith.addf %add3A_75, %mul3A_76 : vector<8x128xf32>
      %min3A = arith.minimumf %scan3A_43, %add3A_77 : vector<8x128xf32>
      %reduce_max3A = vector.shape_cast %min3A : vector<8x128xf32> to vector<1x8x128xf32>
      %reduce_max3A_78 = arith.constant dense<0xFF800000> : vector<1xf32>
      %reduce_max3A_79 = vector.multi_reduction <maximumf>, %reduce_max3A, %reduce_max3A_78 [1, 2] : vector<1x8x128xf32> to vector<1xf32>
      %reduce_max3A_80 = vector.shape_cast %reduce_max3A_79 : vector<1xf32> to vector<1x1x1xf32>
      %reduce_max3A_81 = vector.extract %reduce_max3A_80[0, 0, 0] : f32 from vector<1x1x1xf32>
      %eq3A = vector.broadcast %reduce_max3A_81 : f32 to vector<8x128xf32>
      %eq3A_82 = arith.cmpf oeq, %min3A, %eq3A : vector<8x128xf32>
      %jit3A = arith.constant 1024 : i32
      %broadcast_in_dim3A_83 = vector.broadcast %jit3A : i32 to vector<8x128xi32>
      %select_n3A = arith.select %eq3A_82, %add3A, %broadcast_in_dim3A_83 : vector<8x128xi1>, vector<8x128xi32>
      %reduce_min3A = vector.shape_cast %select_n3A : vector<8x128xi32> to vector<1x8x128xi32>
      %reduce_min3A_84 = arith.constant dense<2147483647> : vector<1xi32>
      %reduce_min3A_85 = vector.multi_reduction <minsi>, %reduce_min3A, %reduce_min3A_84 [1, 2] : vector<1x8x128xi32> to vector<1xi32>
      %reduce_min3A_86 = vector.shape_cast %reduce_min3A_85 : vector<1xi32> to vector<1x1x1xi32>
      %reduce_min3A_87 = vector.extract %reduce_min3A_86[0, 0, 0] : i32 from vector<1x1x1xi32>
      %broadcast_in_dim3A_88 = vector.broadcast %scan3A_46 : i32 to vector<1x1xi32>
      %swap3A_89 = arith.constant 1 : index
      %swap3A_90 = arith.index_cast %scan3A_42 : i32 to index
      %swap3A_91 = arith.constant 0 : index
      %swap3A_92 = vector.load %arg4[%swap3A_89, %swap3A_90, %swap3A_91] : memref<2x512x1xi32, #tpu.memory_space<vmem>>, vector<1x1x1xi32>
      %swap3A_93 = vector.shape_cast %swap3A_92 : vector<1x1x1xi32> to vector<1x1xi32>
      %swap3A_94 = vector.shape_cast %broadcast_in_dim3A_88 : vector<1x1xi32> to vector<1x1x1xi32>
      tpu.vector_store %arg4[%swap3A_89, %swap3A_90, %swap3A_91], %swap3A_94 {strides = array<i32>} : memref<2x512x1xi32, #tpu.memory_space<vmem>>, vector<1x1x1xi32>,
      %get3A_95 = arith.constant 1 : index
      %get3A_96 = arith.index_cast %scan3A_46 : i32 to index
      %get3A_97 = arith.constant 0 : index
      %get3A_98 = vector.load %arg3[%get3A_95, %get3A_96, %get3A_97] : memref<2x1024x3xf32, #tpu.memory_space<vmem>>, vector<1x1x3xf32>
      %get3A_99 = vector.shape_cast %get3A_98 : vector<1x1x3xf32> to vector<1x3xf32>
      %swap3A_100 = arith.constant 1 : index
      %swap3A_101 = arith.index_cast %scan3A_42 : i32 to index
      %swap3A_102 = arith.constant 0 : index
      %swap3A_103 = vector.load %arg5[%swap3A_100, %swap3A_101, %swap3A_102] : memref<2x512x3xf32, #tpu.memory_space<vmem>>, vector<1x1x3xf32>
      %swap3A_104 = vector.shape_cast %swap3A_103 : vector<1x1x3xf32> to vector<1x3xf32>
      %swap3A_105 = vector.shape_cast %get3A_99 : vector<1x3xf32> to vector<1x1x3xf32>
      tpu.vector_store %arg5[%swap3A_100, %swap3A_101, %swap3A_102], %swap3A_105 {strides = array<i32>} : memref<2x512x3xf32, #tpu.memory_space<vmem>>, vector<1x1x3xf32>,
      %slice3A_106 = vector.extract_strided_slice %get3A_99 {offsets = [0, 0], sizes = [1, 1], strides = [1, 1]} : vector<1x3xf32> to vector<1x1xf32>
      %squeeze3A_107 = vector.extract %slice3A_106[0, 0] : f32 from vector<1x1xf32>
      %slice3A_108 = vector.extract_strided_slice %get3A_99 {offsets = [0, 1], sizes = [1, 1], strides = [1, 1]} : vector<1x3xf32> to vector<1x1xf32>
      %squeeze3A_109 = vector.extract %slice3A_108[0, 0] : f32 from vector<1x1xf32>
      %slice3A_110 = vector.extract_strided_slice %get3A_99 {offsets = [0, 2], sizes = [1, 1], strides = [1, 1]} : vector<1x3xf32> to vector<1x1xf32>
      %squeeze3A_111 = vector.extract %slice3A_110[0, 0] : f32 from vector<1x1xf32>
      %sub3A_112 = vector.broadcast %squeeze3A_107 : f32 to vector<8x128xf32>
      %sub3A_113 = arith.subf %get3A_11, %sub3A_112 : vector<8x128xf32>
      %sub3A_114 = vector.broadcast %squeeze3A_109 : f32 to vector<8x128xf32>
      %sub3A_115 = arith.subf %get3A_21, %sub3A_114 : vector<8x128xf32>
      %sub3A_116 = vector.broadcast %squeeze3A_111 : f32 to vector<8x128xf32>
      %sub3A_117 = arith.subf %get3A_31, %sub3A_116 : vector<8x128xf32>
      %mul3A_118 = arith.mulf %sub3A_113, %sub3A_113 : vector<8x128xf32>
      %mul3A_119 = arith.mulf %sub3A_115, %sub3A_115 : vector<8x128xf32>
      %add3A_120 = arith.addf %mul3A_118, %mul3A_119 : vector<8x128xf32>
      %mul3A_121 = arith.mulf %sub3A_117, %sub3A_117 : vector<8x128xf32>
      %add3A_122 = arith.addf %add3A_120, %mul3A_121 : vector<8x128xf32>
      %min3A_123 = arith.minimumf %scan3A_44, %add3A_122 : vector<8x128xf32>
      %reduce_max3A_124 = vector.shape_cast %min3A_123 : vector<8x128xf32> to vector<1x8x128xf32>
      %reduce_max3A_125 = arith.constant dense<0xFF800000> : vector<1xf32>
      %reduce_max3A_126 = vector.multi_reduction <maximumf>, %reduce_max3A_124, %reduce_max3A_125 [1, 2] : vector<1x8x128xf32> to vector<1xf32>
      %reduce_max3A_127 = vector.shape_cast %reduce_max3A_126 : vector<1xf32> to vector<1x1x1xf32>
      %reduce_max3A_128 = vector.extract %reduce_max3A_127[0, 0, 0] : f32 from vector<1x1x1xf32>
      %eq3A_129 = vector.broadcast %reduce_max3A_128 : f32 to vector<8x128xf32>
      %eq3A_130 = arith.cmpf oeq, %min3A_123, %eq3A_129 : vector<8x128xf32>
      %jit3A_131 = arith.constant 1024 : i32
      %broadcast_in_dim3A_132 = vector.broadcast %jit3A_131 : i32 to vector<8x128xi32>
      %select_n3A_133 = arith.select %eq3A_130, %add3A, %broadcast_in_dim3A_132 : vector<8x128xi1>, vector<8x128xi32>
      %reduce_min3A_134 = vector.shape_cast %select_n3A_133 : vector<8x128xi32> to vector<1x8x128xi32>
      %reduce_min3A_135 = arith.constant dense<2147483647> : vector<1xi32>
      %reduce_min3A_136 = vector.multi_reduction <minsi>, %reduce_min3A_134, %reduce_min3A_135 [1, 2] : vector<1x8x128xi32> to vector<1xi32>
      %reduce_min3A_137 = vector.shape_cast %reduce_min3A_136 : vector<1xi32> to vector<1x1x1xi32>
      %reduce_min3A_138 = vector.extract %reduce_min3A_137[0, 0, 0] : i32 from vector<1x1x1xi32>
      scf.yield %min3A, %min3A_123, %reduce_min3A_87, %reduce_min3A_138 : vector<8x128xf32>, vector<8x128xf32>, i32, i32
    }
    %scan3A_41 = arith.constant 512 : i32
    return
  }
}

module attributes {stable_mosaic.version = 14 : i64} {
  func.func @_bqidx_kbody(%arg0: i32, %arg1: i32, %arg2: memref<1x3x1024xf32, #tpu.memory_space<vmem>>, %arg3: memref<1x128x8xf32, #tpu.memory_space<vmem>>, %arg4: memref<1x128x16xi32, #tpu.memory_space<vmem>>) attributes {dimension_semantics = [#tpu.dimension_semantics<arbitrary>, #tpu.dimension_semantics<arbitrary>], iteration_bounds = array<i64: 2, 4>, scalar_prefetch = 0 : i64, scratch_operands = 0 : i64, tpu.core_type = #tpu.core_type<tc>, window_params = [{transform_indices = @transform_0, window_bounds = array<i64: 1, 3, 1024>}, {transform_indices = @transform_1, window_bounds = array<i64: 1, 128, 8>}, {transform_indices = @transform_2, window_bounds = array<i64: 1, 128, 16>}]} {
    %get3A = arith.constant 0 : index
    %get3A_0 = arith.constant 0 : index
    %get3A_1 = arith.constant 0 : index
    %get3A_2 = vector.load %arg2[%get3A, %get3A_0, %get3A_1] : memref<1x3x1024xf32, #tpu.memory_space<vmem>>, vector<1x1x1024xf32>
    %get3A_3 = vector.shape_cast %get3A_2 : vector<1x1x1024xf32> to vector<1x1024xf32>
    %get3A_4 = arith.constant 0 : index
    %get3A_5 = arith.constant 1 : index
    %get3A_6 = arith.constant 0 : index
    %get3A_7 = vector.load %arg2[%get3A_4, %get3A_5, %get3A_6] : memref<1x3x1024xf32, #tpu.memory_space<vmem>>, vector<1x1x1024xf32>
    %get3A_8 = vector.shape_cast %get3A_7 : vector<1x1x1024xf32> to vector<1x1024xf32>
    %get3A_9 = arith.constant 0 : index
    %get3A_10 = arith.constant 2 : index
    %get3A_11 = arith.constant 0 : index
    %get3A_12 = vector.load %arg2[%get3A_9, %get3A_10, %get3A_11] : memref<1x3x1024xf32, #tpu.memory_space<vmem>>, vector<1x1x1024xf32>
    %get3A_13 = vector.shape_cast %get3A_12 : vector<1x1x1024xf32> to vector<1x1024xf32>
    %get3A_14 = arith.constant 0 : index
    %get3A_15 = arith.constant 0 : index
    %get3A_16 = arith.constant 0 : index
    %get3A_17 = vector.load %arg3[%get3A_14, %get3A_15, %get3A_16] : memref<1x128x8xf32, #tpu.memory_space<vmem>>, vector<1x128x1xf32>
    %get3A_18 = vector.shape_cast %get3A_17 : vector<1x128x1xf32> to vector<128x1xf32>
    %get3A_19 = arith.constant 0 : index
    %get3A_20 = arith.constant 0 : index
    %get3A_21 = arith.constant 1 : index
    %get3A_22 = vector.load %arg3[%get3A_19, %get3A_20, %get3A_21] : memref<1x128x8xf32, #tpu.memory_space<vmem>>, vector<1x128x1xf32>
    %get3A_23 = vector.shape_cast %get3A_22 : vector<1x128x1xf32> to vector<128x1xf32>
    %get3A_24 = arith.constant 0 : index
    %get3A_25 = arith.constant 0 : index
    %get3A_26 = arith.constant 2 : index
    %get3A_27 = vector.load %arg3[%get3A_24, %get3A_25, %get3A_26] : memref<1x128x8xf32, #tpu.memory_space<vmem>>, vector<1x128x1xf32>
    %get3A_28 = vector.shape_cast %get3A_27 : vector<1x128x1xf32> to vector<128x1xf32>
    %sub3A = vector.broadcast %get3A_18 : vector<128x1xf32> to vector<128x1024xf32>
    %sub3A_29 = vector.broadcast %get3A_3 : vector<1x1024xf32> to vector<128x1024xf32>
    %sub3A_30 = arith.subf %sub3A, %sub3A_29 : vector<128x1024xf32>
    %sub3A_31 = vector.broadcast %get3A_23 : vector<128x1xf32> to vector<128x1024xf32>
    %sub3A_32 = vector.broadcast %get3A_8 : vector<1x1024xf32> to vector<128x1024xf32>
    %sub3A_33 = arith.subf %sub3A_31, %sub3A_32 : vector<128x1024xf32>
    %sub3A_34 = vector.broadcast %get3A_28 : vector<128x1xf32> to vector<128x1024xf32>
    %sub3A_35 = vector.broadcast %get3A_13 : vector<1x1024xf32> to vector<128x1024xf32>
    %sub3A_36 = arith.subf %sub3A_34, %sub3A_35 : vector<128x1024xf32>
    %mul3A = arith.mulf %sub3A_30, %sub3A_30 : vector<128x1024xf32>
    %mul3A_37 = arith.mulf %sub3A_33, %sub3A_33 : vector<128x1024xf32>
    %add3A = arith.addf %mul3A, %mul3A_37 : vector<128x1024xf32>
    %mul3A_38 = arith.mulf %sub3A_36, %sub3A_36 : vector<128x1024xf32>
    %add3A_39 = arith.addf %add3A, %mul3A_38 : vector<128x1024xf32>
    %le3A = arith.constant 6.400000e-01 : f32
    %le3A_40 = vector.broadcast %le3A : f32 to vector<128x1024xf32>
    %le3A_41 = arith.cmpf ole, %add3A_39, %le3A_40 : vector<128x1024xf32>
    %jit3A = arith.constant 1.000000e+00 : f32
    %jit3A_42 = arith.constant 0.000000e+00 : f32
    %broadcast_in_dim3A = vector.broadcast %jit3A : f32 to vector<128x1024xf32>
    %broadcast_in_dim3A_43 = vector.broadcast %jit3A_42 : f32 to vector<128x1024xf32>
    %select_n3A = arith.select %le3A_41, %broadcast_in_dim3A, %broadcast_in_dim3A_43 : vector<128x1024xi1>, vector<128x1024xf32>
    %iota3A = tpu.iota {dimensions = array<i32: 0>} : vector<128x128xi32>
    %iota3A_44 = tpu.iota {dimensions = array<i32: 1>} : vector<128x128xi32>
    %le3A_45 = arith.cmpi sle, %iota3A, %iota3A_44 : vector<128x128xi32>
    %jit3A_46 = arith.constant 1.000000e+00 : f32
    %jit3A_47 = arith.constant 0.000000e+00 : f32
    %broadcast_in_dim3A_48 = vector.broadcast %jit3A_46 : f32 to vector<128x128xf32>
    %broadcast_in_dim3A_49 = vector.broadcast %jit3A_47 : f32 to vector<128x128xf32>
    %select_n3A_50 = arith.select %le3A_45, %broadcast_in_dim3A_48, %broadcast_in_dim3A_49 : vector<128x128xi1>, vector<128x128xf32>
    %reshape3A = vector.shape_cast %select_n3A : vector<128x1024xf32> to vector<128x8x128xf32>
    %dot_general3A = arith.constant dense<0.000000e+00> : vector<128x8x128xf32>
    %dot_general3A_51 = tpu.matmul %reshape3A, %select_n3A_50, %dot_general3A {dimension_numbers = #tpu.dot_dimension_numbers<[2], [0], [0, 1], [1], [0, 0, 0, 1, 1, 1], [], []>, transpose_lhs_hint = false} : vector<128x8x128xf32>, vector<128x128xf32>, vector<128x8x128xf32> -> vector<128x8x128xf32>
    %slice3A = vector.extract_strided_slice %dot_general3A_51 {offsets = [0, 0, 127], sizes = [128, 8, 1], strides = [1, 1, 1]} : vector<128x8x128xf32> to vector<128x8x1xf32>
    %squeeze3A = vector.shape_cast %slice3A : vector<128x8x1xf32> to vector<128x8xf32>
    %iota3A_52 = tpu.iota {dimensions = array<i32: 0>} : vector<8x8xi32>
    %iota3A_53 = tpu.iota {dimensions = array<i32: 1>} : vector<8x8xi32>
    %le3A_54 = arith.cmpi sle, %iota3A_52, %iota3A_53 : vector<8x8xi32>
    %jit3A_55 = arith.constant 1.000000e+00 : f32
    %jit3A_56 = arith.constant 0.000000e+00 : f32
    %broadcast_in_dim3A_57 = vector.broadcast %jit3A_55 : f32 to vector<8x8xf32>
    %broadcast_in_dim3A_58 = vector.broadcast %jit3A_56 : f32 to vector<8x8xf32>
    %select_n3A_59 = arith.select %le3A_54, %broadcast_in_dim3A_57, %broadcast_in_dim3A_58 : vector<8x8xi1>, vector<8x8xf32>
    %dot_general3A_60 = arith.constant dense<0.000000e+00> : vector<128x8xf32>
    %dot_general3A_61 = tpu.matmul %squeeze3A, %select_n3A_59, %dot_general3A_60 {dimension_numbers = #tpu.dot_dimension_numbers<[1], [0], [0], [1], [0, 0, 1, 1], [], []>, transpose_lhs_hint = false} : vector<128x8xf32>, vector<8x8xf32>, vector<128x8xf32> -> vector<128x8xf32>
    %sub3A_62 = arith.subf %dot_general3A_61, %squeeze3A : vector<128x8xf32>
    %iota3A_63 = tpu.iota {dimensions = array<i32: 2>} : vector<1x1x16xi32>
    %convert_element_type3A = arith.sitofp %iota3A_63 : vector<1x1x16xi32> to vector<1x1x16xf32>
    %broadcast_in_dim3A_64 = vector.shape_cast %dot_general3A_61 : vector<128x8xf32> to vector<128x8x1xf32>
    %le3A_65 = vector.broadcast %broadcast_in_dim3A_64 : vector<128x8x1xf32> to vector<128x8x16xf32>
    %le3A_66 = vector.broadcast %convert_element_type3A : vector<1x1x16xf32> to vector<128x8x16xf32>
    %le3A_67 = arith.cmpf ole, %le3A_65, %le3A_66 : vector<128x8x16xf32>
    %jit3A_68 = arith.constant 1.000000e+00 : f32
    %jit3A_69 = arith.constant 0.000000e+00 : f32
    %broadcast_in_dim3A_70 = vector.broadcast %jit3A_68 : f32 to vector<128x8x16xf32>
    %broadcast_in_dim3A_71 = vector.broadcast %jit3A_69 : f32 to vector<128x8x16xf32>
    %select_n3A_72 = arith.select %le3A_67, %broadcast_in_dim3A_70, %broadcast_in_dim3A_71 : vector<128x8x16xi1>, vector<128x8x16xf32>
    %broadcast_in_dim3A_73 = vector.shape_cast %sub3A_62 : vector<128x8xf32> to vector<128x8x1xf32>
    %le3A_74 = vector.broadcast %broadcast_in_dim3A_73 : vector<128x8x1xf32> to vector<128x8x16xf32>
    %le3A_75 = vector.broadcast %convert_element_type3A : vector<1x1x16xf32> to vector<128x8x16xf32>
    %le3A_76 = arith.cmpf ole, %le3A_74, %le3A_75 : vector<128x8x16xf32>
    %jit3A_77 = arith.constant 1.000000e+00 : f32
    %jit3A_78 = arith.constant 0.000000e+00 : f32
    %broadcast_in_dim3A_79 = vector.broadcast %jit3A_77 : f32 to vector<128x8x16xf32>
    %broadcast_in_dim3A_80 = vector.broadcast %jit3A_78 : f32 to vector<128x8x16xf32>
    %select_n3A_81 = arith.select %le3A_76, %broadcast_in_dim3A_79, %broadcast_in_dim3A_80 : vector<128x8x16xi1>, vector<128x8x16xf32>
    %reduce_sum3A = arith.constant dense<0.000000e+00> : vector<128x16xf32>
    %reduce_sum3A_82 = vector.multi_reduction <add>, %select_n3A_72, %reduce_sum3A [1] : vector<128x8x16xf32> to vector<128x16xf32>
    %sub3A_83 = arith.subf %select_n3A_81, %select_n3A_72 : vector<128x8x16xf32>
    %broadcast_in_dim3A_84 = vector.shape_cast %sub3A_62 : vector<128x8xf32> to vector<128x8x1xf32>
    %mul3A_85 = vector.broadcast %broadcast_in_dim3A_84 : vector<128x8x1xf32> to vector<128x8x16xf32>
    %mul3A_86 = arith.mulf %sub3A_83, %mul3A_85 : vector<128x8x16xf32>
    %reduce_sum3A_87 = arith.constant dense<0.000000e+00> : vector<128x16xf32>
    %reduce_sum3A_88 = vector.multi_reduction <add>, %mul3A_86, %reduce_sum3A_87 [1] : vector<128x8x16xf32> to vector<128x16xf32>
    %reduce_sum3A_89 = arith.constant dense<0.000000e+00> : vector<128x16xf32>
    %reduce_sum3A_90 = vector.multi_reduction <add>, %sub3A_83, %reduce_sum3A_89 [1] : vector<128x8x16xf32> to vector<128x16xf32>
    %dot_general3A_91 = arith.constant dense<0.000000e+00> : vector<128x16x128xf32>
    %dot_general3A_92 = tpu.matmul %sub3A_83, %dot_general3A_51, %dot_general3A_91 {dimension_numbers = #tpu.dot_dimension_numbers<[1], [1], [2], [2], [0, 0, 0, 2, 1, 2], [0], [0]>, transpose_lhs_hint = false} : vector<128x8x16xf32>, vector<128x8x128xf32>, vector<128x16x128xf32> -> vector<128x16x128xf32>
    %iota3A_93 = tpu.iota {dimensions = array<i32: 1>} : vector<128x16xi32>
    %convert_element_type3A_94 = arith.sitofp %iota3A_93 : vector<128x16xi32> to vector<128x16xf32>
    %sub3A_95 = arith.subf %convert_element_type3A_94, %reduce_sum3A_88 : vector<128x16xf32>
    %broadcast_in_dim3A_96 = vector.shape_cast %sub3A_95 : vector<128x16xf32> to vector<128x16x1xf32>
    %le3A_97 = vector.broadcast %broadcast_in_dim3A_96 : vector<128x16x1xf32> to vector<128x16x128xf32>
    %le3A_98 = arith.cmpf ole, %dot_general3A_92, %le3A_97 : vector<128x16x128xf32>
    %jit3A_99 = arith.constant 1.000000e+00 : f32
    %jit3A_100 = arith.constant 0.000000e+00 : f32
    %broadcast_in_dim3A_101 = vector.broadcast %jit3A_99 : f32 to vector<128x16x128xf32>
    %broadcast_in_dim3A_102 = vector.broadcast %jit3A_100 : f32 to vector<128x16x128xf32>
    %select_n3A_103 = arith.select %le3A_98, %broadcast_in_dim3A_101, %broadcast_in_dim3A_102 : vector<128x16x128xi1>, vector<128x16x128xf32>
    %reduce_sum3A_104 = arith.constant dense<0.000000e+00> : vector<128x16xf32>
    %reduce_sum3A_105 = vector.multi_reduction <add>, %select_n3A_103, %reduce_sum3A_104 [2] : vector<128x16x128xf32> to vector<128x16xf32>
    %mul3A_106 = arith.mulf %reduce_sum3A_105, %reduce_sum3A_90 : vector<128x16xf32>
    %mul3A_107 = arith.constant 1.280000e+02 : f32
    %mul3A_108 = vector.broadcast %mul3A_107 : f32 to vector<128x16xf32>
    %mul3A_109 = arith.mulf %mul3A_108, %reduce_sum3A_82 : vector<128x16xf32>
    %add3A_110 = arith.addf %mul3A_109, %mul3A_106 : vector<128x16xf32>
    %convert_element_type3A_111 = arith.fptosi %add3A_110 : vector<128x16xf32> to vector<128x16xi32>
    %slice3A_112 = vector.extract_strided_slice %convert_element_type3A_111 {offsets = [0, 0], sizes = [128, 1], strides = [1, 1]} : vector<128x16xi32> to vector<128x1xi32>
    %ge3A = arith.constant 1024 : i32
    %ge3A_113 = vector.broadcast %ge3A : i32 to vector<128x16xi32>
    %ge3A_114 = arith.cmpi sge, %convert_element_type3A_111, %ge3A_113 : vector<128x16xi32>
    %broadcast_in_dim3A_115 = vector.shape_cast %slice3A_112 : vector<128x1xi32> to vector<128x1xi32>
    %broadcast_in_dim3A_116 = vector.broadcast %broadcast_in_dim3A_115 : vector<128x1xi32> to vector<128x16xi32>
    %select_n3A_117 = arith.select %ge3A_114, %broadcast_in_dim3A_116, %convert_element_type3A_111 : vector<128x16xi1>, vector<128x16xi32>
    %swap3A = arith.constant 0 : index
    %swap3A_118 = arith.constant 0 : index
    %swap3A_119 = arith.constant 0 : index
    %swap3A_120 = vector.load %arg4[%swap3A, %swap3A_118, %swap3A_119] : memref<1x128x16xi32, #tpu.memory_space<vmem>>, vector<1x128x16xi32>
    %swap3A_121 = vector.shape_cast %swap3A_120 : vector<1x128x16xi32> to vector<128x16xi32>
    %swap3A_122 = vector.shape_cast %select_n3A_117 : vector<128x16xi32> to vector<1x128x16xi32>
    tpu.vector_store %arg4[%swap3A, %swap3A_118, %swap3A_119], %swap3A_122 {strides = array<i32>} : memref<1x128x16xi32, #tpu.memory_space<vmem>>, vector<1x128x16xi32>,
    return
  }
  func.func @transform_0(%arg0: i32, %arg1: i32) -> (i32, i32, i32) {
    %c0_i32 = arith.constant 0 : i32
    %c0_i32_0 = arith.constant 0 : i32
    %c0_i32_1 = arith.constant 0 : i32
    return %arg0, %c0_i32, %c0_i32_0 : i32, i32, i32
  }
  func.func @transform_1(%arg0: i32, %arg1: i32) -> (i32, i32, i32) {
    %c0_i32 = arith.constant 0 : i32
    %c0_i32_0 = arith.constant 0 : i32
    return %arg0, %arg1, %c0_i32 : i32, i32, i32
  }
  func.func @transform_2(%arg0: i32, %arg1: i32) -> (i32, i32, i32) {
    %c0_i32 = arith.constant 0 : i32
    %c0_i32_0 = arith.constant 0 : i32
    return %arg0, %arg1, %c0_i32 : i32, i32, i32
  }
}

module attributes {stable_mosaic.version = 14 : i64} {
  func.func @_mlp_max_kbody(%arg0: i32, %arg1: memref<2048x136xf32, #tpu.memory_space<vmem>>, %arg2: memref<64x8xf32, #tpu.memory_space<vmem>>, %arg3: memref<136x128xf32, #tpu.memory_space<vmem>>, %arg4: memref<1x128xf32, #tpu.memory_space<vmem>>, %arg5: memref<128x128xf32, #tpu.memory_space<vmem>>, %arg6: memref<1x128xf32, #tpu.memory_space<vmem>>, %arg7: memref<128x256xf32, #tpu.memory_space<vmem>>, %arg8: memref<1x256xf32, #tpu.memory_space<vmem>>, %arg9: memref<64x256xf32, #tpu.memory_space<vmem>>) attributes {dimension_semantics = [#tpu.dimension_semantics<arbitrary>], iteration_bounds = array<i64: 32>, scalar_prefetch = 0 : i64, scratch_operands = 0 : i64, tpu.core_type = #tpu.core_type<tc>, window_params = [{transform_indices = @transform_0, window_bounds = array<i64: 2048, 136>}, {transform_indices = @transform_1, window_bounds = array<i64: 64, 8>}, {pipeline_mode = #tpu.pipeline_mode<synchronous>, transform_indices = @transform_2, window_bounds = array<i64: 136, 128>}, {pipeline_mode = #tpu.pipeline_mode<synchronous>, transform_indices = @transform_3, window_bounds = array<i64: 1, 128>}, {pipeline_mode = #tpu.pipeline_mode<synchronous>, transform_indices = @transform_4, window_bounds = array<i64: 128, 128>}, {pipeline_mode = #tpu.pipeline_mode<synchronous>, transform_indices = @transform_5, window_bounds = array<i64: 1, 128>}, {pipeline_mode = #tpu.pipeline_mode<synchronous>, transform_indices = @transform_6, window_bounds = array<i64: 128, 256>}, {pipeline_mode = #tpu.pipeline_mode<synchronous>, transform_indices = @transform_7, window_bounds = array<i64: 1, 256>}, {transform_indices = @transform_8, window_bounds = array<i64: 64, 256>}]} {
    %get3A = arith.constant 0 : index
    %get3A_0 = arith.constant 0 : index
    %get3A_1 = vector.load %arg1[%get3A, %get3A_0] : memref<2048x136xf32, #tpu.memory_space<vmem>>, vector<2048x136xf32>
    %get3A_2 = arith.constant 0 : index
    %get3A_3 = arith.constant 0 : index
    %get3A_4 = vector.load %arg2[%get3A_2, %get3A_3] : memref<64x8xf32, #tpu.memory_space<vmem>>, vector<64x8xf32>
    %slice3A = vector.extract_strided_slice %get3A_4 {offsets = [0, 0], sizes = [64, 3], strides = [1, 1]} : vector<64x8xf32> to vector<64x3xf32>
    %broadcast_in_dim3A = vector.shape_cast %slice3A : vector<64x3xf32> to vector<64x1x3xf32>
    %broadcast_in_dim3A_5 = vector.shape_cast %broadcast_in_dim3A : vector<64x1x3xf32> to vector<64x1x3xf32>
    %broadcast_in_dim3A_6 = vector.broadcast %broadcast_in_dim3A_5 : vector<64x1x3xf32> to vector<64x32x3xf32>
    %reshape3A = vector.shape_cast %broadcast_in_dim3A_6 : vector<64x32x3xf32> to vector<2048x3xf32>
    %slice3A_7 = vector.extract_strided_slice %get3A_1 {offsets = [0, 0], sizes = [2048, 3], strides = [1, 1]} : vector<2048x136xf32> to vector<2048x3xf32>
    %sub3A = arith.subf %slice3A_7, %reshape3A : vector<2048x3xf32>
    %div3A = arith.constant 4.000000e-01 : f32
    %div3A_8 = vector.broadcast %div3A : f32 to vector<2048x3xf32>
    %div3A_9 = arith.divf %sub3A, %div3A_8 : vector<2048x3xf32>
    %slice3A_10 = vector.extract_strided_slice %get3A_1 {offsets = [0, 3], sizes = [2048, 133], strides = [1, 1]} : vector<2048x136xf32> to vector<2048x133xf32>
    %concatenate3A = tpu.concatenate %div3A_9, %slice3A_10 in 1 : vector<2048x3xf32>, vector<2048x133xf32> -> vector<2048x136xf32>
    %get3A_11 = arith.constant 0 : index
    %get3A_12 = arith.constant 0 : index
    %get3A_13 = vector.load %arg3[%get3A_11, %get3A_12] : memref<136x128xf32, #tpu.memory_space<vmem>>, vector<136x128xf32>
    %dot_general3A = arith.constant dense<0.000000e+00> : vector<2048x128xf32>
    %dot_general3A_14 = tpu.matmul %concatenate3A, %get3A_13, %dot_general3A {dimension_numbers = #tpu.dot_dimension_numbers<[1], [0], [0], [1], [0, 0, 1, 1], [], []>, transpose_lhs_hint = false} : vector<2048x136xf32>, vector<136x128xf32>, vector<2048x128xf32> -> vector<2048x128xf32>
    %get3A_15 = arith.constant 0 : index
    %get3A_16 = arith.constant 0 : index
    %get3A_17 = vector.load %arg4[%get3A_15, %get3A_16] : memref<1x128xf32, #tpu.memory_space<vmem>>, vector<1x128xf32>
    %add3A = vector.broadcast %get3A_17 : vector<1x128xf32> to vector<2048x128xf32>
    %add3A_18 = arith.addf %dot_general3A_14, %add3A : vector<2048x128xf32>
    %mul3A = arith.constant 0.999994993 : f32
    %mul3A_19 = vector.broadcast %mul3A : f32 to vector<2048x128xf32>
    %mul3A_20 = arith.mulf %add3A_18, %mul3A_19 : vector<2048x128xf32>
    %max3A = arith.constant 0.000000e+00 : f32
    %max3A_21 = vector.broadcast %max3A : f32 to vector<2048x128xf32>
    %max3A_22 = arith.maximumf %mul3A_20, %max3A_21 : vector<2048x128xf32>
    %get3A_23 = arith.constant 0 : index
    %get3A_24 = arith.constant 0 : index
    %get3A_25 = vector.load %arg5[%get3A_23, %get3A_24] : memref<128x128xf32, #tpu.memory_space<vmem>>, vector<128x128xf32>
    %dot_general3A_26 = arith.constant dense<0.000000e+00> : vector<2048x128xf32>
    %dot_general3A_27 = tpu.matmul %max3A_22, %get3A_25, %dot_general3A_26 {dimension_numbers = #tpu.dot_dimension_numbers<[1], [0], [0], [1], [0, 0, 1, 1], [], []>, transpose_lhs_hint = false} : vector<2048x128xf32>, vector<128x128xf32>, vector<2048x128xf32> -> vector<2048x128xf32>
    %get3A_28 = arith.constant 0 : index
    %get3A_29 = arith.constant 0 : index
    %get3A_30 = vector.load %arg6[%get3A_28, %get3A_29] : memref<1x128xf32, #tpu.memory_space<vmem>>, vector<1x128xf32>
    %add3A_31 = vector.broadcast %get3A_30 : vector<1x128xf32> to vector<2048x128xf32>
    %add3A_32 = arith.addf %dot_general3A_27, %add3A_31 : vector<2048x128xf32>
    %mul3A_33 = arith.constant 0.999994993 : f32
    %mul3A_34 = vector.broadcast %mul3A_33 : f32 to vector<2048x128xf32>
    %mul3A_35 = arith.mulf %add3A_32, %mul3A_34 : vector<2048x128xf32>
    %max3A_36 = arith.constant 0.000000e+00 : f32
    %max3A_37 = vector.broadcast %max3A_36 : f32 to vector<2048x128xf32>
    %max3A_38 = arith.maximumf %mul3A_35, %max3A_37 : vector<2048x128xf32>
    %get3A_39 = arith.constant 0 : index
    %get3A_40 = arith.constant 0 : index
    %get3A_41 = vector.load %arg7[%get3A_39, %get3A_40] : memref<128x256xf32, #tpu.memory_space<vmem>>, vector<128x256xf32>
    %dot_general3A_42 = arith.constant dense<0.000000e+00> : vector<2048x256xf32>
    %dot_general3A_43 = tpu.matmul %max3A_38, %get3A_41, %dot_general3A_42 {dimension_numbers = #tpu.dot_dimension_numbers<[1], [0], [0], [1], [0, 0, 1, 1], [], []>, transpose_lhs_hint = false} : vector<2048x128xf32>, vector<128x256xf32>, vector<2048x256xf32> -> vector<2048x256xf32>
    %get3A_44 = arith.constant 0 : index
    %get3A_45 = arith.constant 0 : index
    %get3A_46 = vector.load %arg8[%get3A_44, %get3A_45] : memref<1x256xf32, #tpu.memory_space<vmem>>, vector<1x256xf32>
    %add3A_47 = vector.broadcast %get3A_46 : vector<1x256xf32> to vector<2048x256xf32>
    %add3A_48 = arith.addf %dot_general3A_43, %add3A_47 : vector<2048x256xf32>
    %mul3A_49 = arith.constant 0.999994993 : f32
    %mul3A_50 = vector.broadcast %mul3A_49 : f32 to vector<2048x256xf32>
    %mul3A_51 = arith.mulf %add3A_48, %mul3A_50 : vector<2048x256xf32>
    %max3A_52 = arith.constant 0.000000e+00 : f32
    %max3A_53 = vector.broadcast %max3A_52 : f32 to vector<2048x256xf32>
    %max3A_54 = arith.maximumf %mul3A_51, %max3A_53 : vector<2048x256xf32>
    %reshape3A_55 = vector.shape_cast %max3A_54 : vector<2048x256xf32> to vector<64x32x256xf32>
    %reduce_max3A = arith.constant dense<0xFF800000> : vector<64x256xf32>
    %reduce_max3A_56 = vector.multi_reduction <maximumf>, %reshape3A_55, %reduce_max3A [1] : vector<64x32x256xf32> to vector<64x256xf32>
    %swap3A = arith.constant 0 : index
    %swap3A_57 = arith.constant 0 : index
    %swap3A_58 = vector.load %arg9[%swap3A, %swap3A_57] : memref<64x256xf32, #tpu.memory_space<vmem>>, vector<64x256xf32>
    tpu.vector_store %arg9[%swap3A, %swap3A_57], %reduce_max3A_56 {strides = array<i32>} : memref<64x256xf32, #tpu.memory_space<vmem>>, vector<64x256xf32>,
    return
  }
  func.func @transform_0(%arg0: i32) -> (i32, i32) {
    %c0_i32 = arith.constant 0 : i32
    %c0_i32_0 = arith.constant 0 : i32
    return %arg0, %c0_i32 : i32, i32
  }
  func.func @transform_1(%arg0: i32) -> (i32, i32) {
    %c0_i32 = arith.constant 0 : i32
    %c0_i32_0 = arith.constant 0 : i32
    return %arg0, %c0_i32 : i32, i32
  }
  func.func @transform_2(%arg0: i32) -> (i32, i32) {
    %c0_i32 = arith.constant 0 : i32
    %c0_i32_0 = arith.constant 0 : i32
    %c0_i32_1 = arith.constant 0 : i32
    return %c0_i32, %c0_i32_0 : i32, i32
  }
  func.func @transform_3(%arg0: i32) -> (i32, i32) {
    %c0_i32 = arith.constant 0 : i32
    %c0_i32_0 = arith.constant 0 : i32
    %c0_i32_1 = arith.constant 0 : i32
    return %c0_i32, %c0_i32_0 : i32, i32
  }
  func.func @transform_4(%arg0: i32) -> (i32, i32) {
    %c0_i32 = arith.constant 0 : i32
    %c0_i32_0 = arith.constant 0 : i32
    %c0_i32_1 = arith.constant 0 : i32
    return %c0_i32, %c0_i32_0 : i32, i32
  }
  func.func @transform_5(%arg0: i32) -> (i32, i32) {
    %c0_i32 = arith.constant 0 : i32
    %c0_i32_0 = arith.constant 0 : i32
    %c0_i32_1 = arith.constant 0 : i32
    return %c0_i32, %c0_i32_0 : i32, i32
  }
  func.func @transform_6(%arg0: i32) -> (i32, i32) {
    %c0_i32 = arith.constant 0 : i32
    %c0_i32_0 = arith.constant 0 : i32
    %c0_i32_1 = arith.constant 0 : i32
    return %c0_i32, %c0_i32_0 : i32, i32
  }
  func.func @transform_7(%arg0: i32) -> (i32, i32) {
    %c0_i32 = arith.constant 0 : i32
    %c0_i32_0 = arith.constant 0 : i32
    %c0_i32_1 = arith.constant 0 : i32
    return %c0_i32, %c0_i32_0 : i32, i32
  }
  func.func @transform_8(%arg0: i32) -> (i32, i32) {
    %c0_i32 = arith.constant 0 : i32
    %c0_i32_0 = arith.constant 0 : i32
    return %arg0, %c0_i32 : i32, i32
  }
}

module attributes {stable_mosaic.version = 14 : i64} {
  func.func @_fps2_kbody(%arg0: memref<2x8x64xf32, #tpu.memory_space<vmem>>, %arg1: memref<2x8x64xf32, #tpu.memory_space<vmem>>, %arg2: memref<2x8x64xf32, #tpu.memory_space<vmem>>, %arg3: memref<2x512x3xf32, #tpu.memory_space<vmem>>, %arg4: memref<2x256x1xi32, #tpu.memory_space<vmem>>, %arg5: memref<2x256x3xf32, #tpu.memory_space<vmem>>) attributes {dimension_semantics = [], scalar_prefetch = 0 : i64, scratch_operands = 0 : i64, tpu.core_type = #tpu.core_type<tc>} {
    %iota3A = tpu.iota {dimensions = array<i32: 0>} : vector<8x64xi32>
    %mul3A = arith.constant 64 : i32
    %mul3A_0 = vector.broadcast %mul3A : i32 to vector<8x64xi32>
    %mul3A_1 = arith.muli %iota3A, %mul3A_0 : vector<8x64xi32>
    %iota3A_2 = tpu.iota {dimensions = array<i32: 1>} : vector<8x64xi32>
    %add3A = arith.addi %mul3A_1, %iota3A_2 : vector<8x64xi32>
    %get3A = arith.constant 0 : index
    %get3A_3 = arith.constant 0 : index
    %get3A_4 = arith.constant 0 : index
    %get3A_5 = vector.load %arg0[%get3A, %get3A_3, %get3A_4] : memref<2x8x64xf32, #tpu.memory_space<vmem>>, vector<1x8x64xf32>
    %get3A_6 = vector.shape_cast %get3A_5 : vector<1x8x64xf32> to vector<8x64xf32>
    %get3A_7 = arith.constant 1 : index
    %get3A_8 = arith.constant 0 : index
    %get3A_9 = arith.constant 0 : index
    %get3A_10 = vector.load %arg0[%get3A_7, %get3A_8, %get3A_9] : memref<2x8x64xf32, #tpu.memory_space<vmem>>, vector<1x8x64xf32>
    %get3A_11 = vector.shape_cast %get3A_10 : vector<1x8x64xf32> to vector<8x64xf32>
    %get3A_12 = arith.constant 0 : index
    %get3A_13 = arith.constant 0 : index
    %get3A_14 = arith.constant 0 : index
    %get3A_15 = vector.load %arg1[%get3A_12, %get3A_13, %get3A_14] : memref<2x8x64xf32, #tpu.memory_space<vmem>>, vector<1x8x64xf32>
    %get3A_16 = vector.shape_cast %get3A_15 : vector<1x8x64xf32> to vector<8x64xf32>
    %get3A_17 = arith.constant 1 : index
    %get3A_18 = arith.constant 0 : index
    %get3A_19 = arith.constant 0 : index
    %get3A_20 = vector.load %arg1[%get3A_17, %get3A_18, %get3A_19] : memref<2x8x64xf32, #tpu.memory_space<vmem>>, vector<1x8x64xf32>
    %get3A_21 = vector.shape_cast %get3A_20 : vector<1x8x64xf32> to vector<8x64xf32>
    %get3A_22 = arith.constant 0 : index
    %get3A_23 = arith.constant 0 : index
    %get3A_24 = arith.constant 0 : index
    %get3A_25 = vector.load %arg2[%get3A_22, %get3A_23, %get3A_24] : memref<2x8x64xf32, #tpu.memory_space<vmem>>, vector<1x8x64xf32>
    %get3A_26 = vector.shape_cast %get3A_25 : vector<1x8x64xf32> to vector<8x64xf32>
    %get3A_27 = arith.constant 1 : index
    %get3A_28 = arith.constant 0 : index
    %get3A_29 = arith.constant 0 : index
    %get3A_30 = vector.load %arg2[%get3A_27, %get3A_28, %get3A_29] : memref<2x8x64xf32, #tpu.memory_space<vmem>>, vector<1x8x64xf32>
    %get3A_31 = vector.shape_cast %get3A_30 : vector<1x8x64xf32> to vector<8x64xf32>
    %broadcast_in_dim3A = arith.constant 1.000000e+10 : f32
    %broadcast_in_dim3A_32 = vector.broadcast %broadcast_in_dim3A : f32 to vector<8x64xf32>
    %broadcast_in_dim3A_33 = arith.constant 1.000000e+10 : f32
    %broadcast_in_dim3A_34 = vector.broadcast %broadcast_in_dim3A_33 : f32 to vector<8x64xf32>
    %scan3A = arith.constant 0 : i32
    %scan3A_35 = arith.constant 0 : i32
    %scan3A_36 = arith.constant 0 : i32
    %scan3A_37 = arith.constant 256 : i32
    %scan3A_38 = arith.addi %scan3A_36, %scan3A_37 : i32
    %scan3A_39 = arith.constant 1 : i32
    %scan3A_40:4 = scf.for %scan3A_42 = %scan3A_36 to %scan3A_38 step %scan3A_39 iter_args(%scan3A_43 = %broadcast_in_dim3A_32, %scan3A_44 = %broadcast_in_dim3A_34, %scan3A_45 = %scan3A, %scan3A_46 = %scan3A_35) -> (vector<8x64xf32>, vector<8x64xf32>, i32, i32)  : i32 {
      %broadcast_in_dim3A_47 = vector.broadcast %scan3A_45 : i32 to vector<1x1xi32>
      %swap3A = arith.constant 0 : index
      %swap3A_48 = arith.index_cast %scan3A_42 : i32 to index
      %swap3A_49 = arith.constant 0 : index
      %swap3A_50 = vector.load %arg4[%swap3A, %swap3A_48, %swap3A_49] : memref<2x256x1xi32, #tpu.memory_space<vmem>>, vector<1x1x1xi32>
      %swap3A_51 = vector.shape_cast %swap3A_50 : vector<1x1x1xi32> to vector<1x1xi32>
      %swap3A_52 = vector.shape_cast %broadcast_in_dim3A_47 : vector<1x1xi32> to vector<1x1x1xi32>
      tpu.vector_store %arg4[%swap3A, %swap3A_48, %swap3A_49], %swap3A_52 {strides = array<i32>} : memref<2x256x1xi32, #tpu.memory_space<vmem>>, vector<1x1x1xi32>,
      %get3A_53 = arith.constant 0 : index
      %get3A_54 = arith.index_cast %scan3A_45 : i32 to index
      %get3A_55 = arith.constant 0 : index
      %get3A_56 = vector.load %arg3[%get3A_53, %get3A_54, %get3A_55] : memref<2x512x3xf32, #tpu.memory_space<vmem>>, vector<1x1x3xf32>
      %get3A_57 = vector.shape_cast %get3A_56 : vector<1x1x3xf32> to vector<1x3xf32>
      %swap3A_58 = arith.constant 0 : index
      %swap3A_59 = arith.index_cast %scan3A_42 : i32 to index
      %swap3A_60 = arith.constant 0 : index
      %swap3A_61 = vector.load %arg5[%swap3A_58, %swap3A_59, %swap3A_60] : memref<2x256x3xf32, #tpu.memory_space<vmem>>, vector<1x1x3xf32>
      %swap3A_62 = vector.shape_cast %swap3A_61 : vector<1x1x3xf32> to vector<1x3xf32>
      %swap3A_63 = vector.shape_cast %get3A_57 : vector<1x3xf32> to vector<1x1x3xf32>
      tpu.vector_store %arg5[%swap3A_58, %swap3A_59, %swap3A_60], %swap3A_63 {strides = array<i32>} : memref<2x256x3xf32, #tpu.memory_space<vmem>>, vector<1x1x3xf32>,
      %slice3A = vector.extract_strided_slice %get3A_57 {offsets = [0, 0], sizes = [1, 1], strides = [1, 1]} : vector<1x3xf32> to vector<1x1xf32>
      %squeeze3A = vector.extract %slice3A[0, 0] : f32 from vector<1x1xf32>
      %slice3A_64 = vector.extract_strided_slice %get3A_57 {offsets = [0, 1], sizes = [1, 1], strides = [1, 1]} : vector<1x3xf32> to vector<1x1xf32>
      %squeeze3A_65 = vector.extract %slice3A_64[0, 0] : f32 from vector<1x1xf32>
      %slice3A_66 = vector.extract_strided_slice %get3A_57 {offsets = [0, 2], sizes = [1, 1], strides = [1, 1]} : vector<1x3xf32> to vector<1x1xf32>
      %squeeze3A_67 = vector.extract %slice3A_66[0, 0] : f32 from vector<1x1xf32>
      %sub3A = vector.broadcast %squeeze3A : f32 to vector<8x64xf32>
      %sub3A_68 = arith.subf %get3A_6, %sub3A : vector<8x64xf32>
      %sub3A_69 = vector.broadcast %squeeze3A_65 : f32 to vector<8x64xf32>
      %sub3A_70 = arith.subf %get3A_16, %sub3A_69 : vector<8x64xf32>
      %sub3A_71 = vector.broadcast %squeeze3A_67 : f32 to vector<8x64xf32>
      %sub3A_72 = arith.subf %get3A_26, %sub3A_71 : vector<8x64xf32>
      %mul3A_73 = arith.mulf %sub3A_68, %sub3A_68 : vector<8x64xf32>
      %mul3A_74 = arith.mulf %sub3A_70, %sub3A_70 : vector<8x64xf32>
      %add3A_75 = arith.addf %mul3A_73, %mul3A_74 : vector<8x64xf32>
      %mul3A_76 = arith.mulf %sub3A_72, %sub3A_72 : vector<8x64xf32>
      %add3A_77 = arith.addf %add3A_75, %mul3A_76 : vector<8x64xf32>
      %min3A = arith.minimumf %scan3A_43, %add3A_77 : vector<8x64xf32>
      %reduce_max3A = vector.shape_cast %min3A : vector<8x64xf32> to vector<1x8x64xf32>
      %reduce_max3A_78 = arith.constant dense<0xFF800000> : vector<1xf32>
      %reduce_max3A_79 = vector.multi_reduction <maximumf>, %reduce_max3A, %reduce_max3A_78 [1, 2] : vector<1x8x64xf32> to vector<1xf32>
      %reduce_max3A_80 = vector.shape_cast %reduce_max3A_79 : vector<1xf32> to vector<1x1x1xf32>
      %reduce_max3A_81 = vector.extract %reduce_max3A_80[0, 0, 0] : f32 from vector<1x1x1xf32>
      %eq3A = vector.broadcast %reduce_max3A_81 : f32 to vector<8x64xf32>
      %eq3A_82 = arith.cmpf oeq, %min3A, %eq3A : vector<8x64xf32>
      %jit3A = arith.constant 512 : i32
      %broadcast_in_dim3A_83 = vector.broadcast %jit3A : i32 to vector<8x64xi32>
      %select_n3A = arith.select %eq3A_82, %add3A, %broadcast_in_dim3A_83 : vector<8x64xi1>, vector<8x64xi32>
      %reduce_min3A = vector.shape_cast %select_n3A : vector<8x64xi32> to vector<1x8x64xi32>
      %reduce_min3A_84 = arith.constant dense<2147483647> : vector<1xi32>
      %reduce_min3A_85 = vector.multi_reduction <minsi>, %reduce_min3A, %reduce_min3A_84 [1, 2] : vector<1x8x64xi32> to vector<1xi32>
      %reduce_min3A_86 = vector.shape_cast %reduce_min3A_85 : vector<1xi32> to vector<1x1x1xi32>
      %reduce_min3A_87 = vector.extract %reduce_min3A_86[0, 0, 0] : i32 from vector<1x1x1xi32>
      %broadcast_in_dim3A_88 = vector.broadcast %scan3A_46 : i32 to vector<1x1xi32>
      %swap3A_89 = arith.constant 1 : index
      %swap3A_90 = arith.index_cast %scan3A_42 : i32 to index
      %swap3A_91 = arith.constant 0 : index
      %swap3A_92 = vector.load %arg4[%swap3A_89, %swap3A_90, %swap3A_91] : memref<2x256x1xi32, #tpu.memory_space<vmem>>, vector<1x1x1xi32>
      %swap3A_93 = vector.shape_cast %swap3A_92 : vector<1x1x1xi32> to vector<1x1xi32>
      %swap3A_94 = vector.shape_cast %broadcast_in_dim3A_88 : vector<1x1xi32> to vector<1x1x1xi32>
      tpu.vector_store %arg4[%swap3A_89, %swap3A_90, %swap3A_91], %swap3A_94 {strides = array<i32>} : memref<2x256x1xi32, #tpu.memory_space<vmem>>, vector<1x1x1xi32>,
      %get3A_95 = arith.constant 1 : index
      %get3A_96 = arith.index_cast %scan3A_46 : i32 to index
      %get3A_97 = arith.constant 0 : index
      %get3A_98 = vector.load %arg3[%get3A_95, %get3A_96, %get3A_97] : memref<2x512x3xf32, #tpu.memory_space<vmem>>, vector<1x1x3xf32>
      %get3A_99 = vector.shape_cast %get3A_98 : vector<1x1x3xf32> to vector<1x3xf32>
      %swap3A_100 = arith.constant 1 : index
      %swap3A_101 = arith.index_cast %scan3A_42 : i32 to index
      %swap3A_102 = arith.constant 0 : index
      %swap3A_103 = vector.load %arg5[%swap3A_100, %swap3A_101, %swap3A_102] : memref<2x256x3xf32, #tpu.memory_space<vmem>>, vector<1x1x3xf32>
      %swap3A_104 = vector.shape_cast %swap3A_103 : vector<1x1x3xf32> to vector<1x3xf32>
      %swap3A_105 = vector.shape_cast %get3A_99 : vector<1x3xf32> to vector<1x1x3xf32>
      tpu.vector_store %arg5[%swap3A_100, %swap3A_101, %swap3A_102], %swap3A_105 {strides = array<i32>} : memref<2x256x3xf32, #tpu.memory_space<vmem>>, vector<1x1x3xf32>,
      %slice3A_106 = vector.extract_strided_slice %get3A_99 {offsets = [0, 0], sizes = [1, 1], strides = [1, 1]} : vector<1x3xf32> to vector<1x1xf32>
      %squeeze3A_107 = vector.extract %slice3A_106[0, 0] : f32 from vector<1x1xf32>
      %slice3A_108 = vector.extract_strided_slice %get3A_99 {offsets = [0, 1], sizes = [1, 1], strides = [1, 1]} : vector<1x3xf32> to vector<1x1xf32>
      %squeeze3A_109 = vector.extract %slice3A_108[0, 0] : f32 from vector<1x1xf32>
      %slice3A_110 = vector.extract_strided_slice %get3A_99 {offsets = [0, 2], sizes = [1, 1], strides = [1, 1]} : vector<1x3xf32> to vector<1x1xf32>
      %squeeze3A_111 = vector.extract %slice3A_110[0, 0] : f32 from vector<1x1xf32>
      %sub3A_112 = vector.broadcast %squeeze3A_107 : f32 to vector<8x64xf32>
      %sub3A_113 = arith.subf %get3A_11, %sub3A_112 : vector<8x64xf32>
      %sub3A_114 = vector.broadcast %squeeze3A_109 : f32 to vector<8x64xf32>
      %sub3A_115 = arith.subf %get3A_21, %sub3A_114 : vector<8x64xf32>
      %sub3A_116 = vector.broadcast %squeeze3A_111 : f32 to vector<8x64xf32>
      %sub3A_117 = arith.subf %get3A_31, %sub3A_116 : vector<8x64xf32>
      %mul3A_118 = arith.mulf %sub3A_113, %sub3A_113 : vector<8x64xf32>
      %mul3A_119 = arith.mulf %sub3A_115, %sub3A_115 : vector<8x64xf32>
      %add3A_120 = arith.addf %mul3A_118, %mul3A_119 : vector<8x64xf32>
      %mul3A_121 = arith.mulf %sub3A_117, %sub3A_117 : vector<8x64xf32>
      %add3A_122 = arith.addf %add3A_120, %mul3A_121 : vector<8x64xf32>
      %min3A_123 = arith.minimumf %scan3A_44, %add3A_122 : vector<8x64xf32>
      %reduce_max3A_124 = vector.shape_cast %min3A_123 : vector<8x64xf32> to vector<1x8x64xf32>
      %reduce_max3A_125 = arith.constant dense<0xFF800000> : vector<1xf32>
      %reduce_max3A_126 = vector.multi_reduction <maximumf>, %reduce_max3A_124, %reduce_max3A_125 [1, 2] : vector<1x8x64xf32> to vector<1xf32>
      %reduce_max3A_127 = vector.shape_cast %reduce_max3A_126 : vector<1xf32> to vector<1x1x1xf32>
      %reduce_max3A_128 = vector.extract %reduce_max3A_127[0, 0, 0] : f32 from vector<1x1x1xf32>
      %eq3A_129 = vector.broadcast %reduce_max3A_128 : f32 to vector<8x64xf32>
      %eq3A_130 = arith.cmpf oeq, %min3A_123, %eq3A_129 : vector<8x64xf32>
      %jit3A_131 = arith.constant 512 : i32
      %broadcast_in_dim3A_132 = vector.broadcast %jit3A_131 : i32 to vector<8x64xi32>
      %select_n3A_133 = arith.select %eq3A_130, %add3A, %broadcast_in_dim3A_132 : vector<8x64xi1>, vector<8x64xi32>
      %reduce_min3A_134 = vector.shape_cast %select_n3A_133 : vector<8x64xi32> to vector<1x8x64xi32>
      %reduce_min3A_135 = arith.constant dense<2147483647> : vector<1xi32>
      %reduce_min3A_136 = vector.multi_reduction <minsi>, %reduce_min3A_134, %reduce_min3A_135 [1, 2] : vector<1x8x64xi32> to vector<1xi32>
      %reduce_min3A_137 = vector.shape_cast %reduce_min3A_136 : vector<1xi32> to vector<1x1x1xi32>
      %reduce_min3A_138 = vector.extract %reduce_min3A_137[0, 0, 0] : i32 from vector<1x1x1xi32>
      scf.yield %min3A, %min3A_123, %reduce_min3A_87, %reduce_min3A_138 : vector<8x64xf32>, vector<8x64xf32>, i32, i32
    }
    %scan3A_41 = arith.constant 256 : i32
    return
  }
}

module attributes {stable_mosaic.version = 14 : i64} {
  func.func @_bqidx_kbody(%arg0: i32, %arg1: i32, %arg2: memref<1x3x512xf32, #tpu.memory_space<vmem>>, %arg3: memref<1x128x8xf32, #tpu.memory_space<vmem>>, %arg4: memref<1x128x16xi32, #tpu.memory_space<vmem>>) attributes {dimension_semantics = [#tpu.dimension_semantics<arbitrary>, #tpu.dimension_semantics<arbitrary>], iteration_bounds = array<i64: 2, 2>, scalar_prefetch = 0 : i64, scratch_operands = 0 : i64, tpu.core_type = #tpu.core_type<tc>, window_params = [{transform_indices = @transform_0, window_bounds = array<i64: 1, 3, 512>}, {transform_indices = @transform_1, window_bounds = array<i64: 1, 128, 8>}, {transform_indices = @transform_2, window_bounds = array<i64: 1, 128, 16>}]} {
    %get3A = arith.constant 0 : index
    %get3A_0 = arith.constant 0 : index
    %get3A_1 = arith.constant 0 : index
    %get3A_2 = vector.load %arg2[%get3A, %get3A_0, %get3A_1] : memref<1x3x512xf32, #tpu.memory_space<vmem>>, vector<1x1x512xf32>
    %get3A_3 = vector.shape_cast %get3A_2 : vector<1x1x512xf32> to vector<1x512xf32>
    %get3A_4 = arith.constant 0 : index
    %get3A_5 = arith.constant 1 : index
    %get3A_6 = arith.constant 0 : index
    %get3A_7 = vector.load %arg2[%get3A_4, %get3A_5, %get3A_6] : memref<1x3x512xf32, #tpu.memory_space<vmem>>, vector<1x1x512xf32>
    %get3A_8 = vector.shape_cast %get3A_7 : vector<1x1x512xf32> to vector<1x512xf32>
    %get3A_9 = arith.constant 0 : index
    %get3A_10 = arith.constant 2 : index
    %get3A_11 = arith.constant 0 : index
    %get3A_12 = vector.load %arg2[%get3A_9, %get3A_10, %get3A_11] : memref<1x3x512xf32, #tpu.memory_space<vmem>>, vector<1x1x512xf32>
    %get3A_13 = vector.shape_cast %get3A_12 : vector<1x1x512xf32> to vector<1x512xf32>
    %get3A_14 = arith.constant 0 : index
    %get3A_15 = arith.constant 0 : index
    %get3A_16 = arith.constant 0 : index
    %get3A_17 = vector.load %arg3[%get3A_14, %get3A_15, %get3A_16] : memref<1x128x8xf32, #tpu.memory_space<vmem>>, vector<1x128x1xf32>
    %get3A_18 = vector.shape_cast %get3A_17 : vector<1x128x1xf32> to vector<128x1xf32>
    %get3A_19 = arith.constant 0 : index
    %get3A_20 = arith.constant 0 : index
    %get3A_21 = arith.constant 1 : index
    %get3A_22 = vector.load %arg3[%get3A_19, %get3A_20, %get3A_21] : memref<1x128x8xf32, #tpu.memory_space<vmem>>, vector<1x128x1xf32>
    %get3A_23 = vector.shape_cast %get3A_22 : vector<1x128x1xf32> to vector<128x1xf32>
    %get3A_24 = arith.constant 0 : index
    %get3A_25 = arith.constant 0 : index
    %get3A_26 = arith.constant 2 : index
    %get3A_27 = vector.load %arg3[%get3A_24, %get3A_25, %get3A_26] : memref<1x128x8xf32, #tpu.memory_space<vmem>>, vector<1x128x1xf32>
    %get3A_28 = vector.shape_cast %get3A_27 : vector<1x128x1xf32> to vector<128x1xf32>
    %sub3A = vector.broadcast %get3A_18 : vector<128x1xf32> to vector<128x512xf32>
    %sub3A_29 = vector.broadcast %get3A_3 : vector<1x512xf32> to vector<128x512xf32>
    %sub3A_30 = arith.subf %sub3A, %sub3A_29 : vector<128x512xf32>
    %sub3A_31 = vector.broadcast %get3A_23 : vector<128x1xf32> to vector<128x512xf32>
    %sub3A_32 = vector.broadcast %get3A_8 : vector<1x512xf32> to vector<128x512xf32>
    %sub3A_33 = arith.subf %sub3A_31, %sub3A_32 : vector<128x512xf32>
    %sub3A_34 = vector.broadcast %get3A_28 : vector<128x1xf32> to vector<128x512xf32>
    %sub3A_35 = vector.broadcast %get3A_13 : vector<1x512xf32> to vector<128x512xf32>
    %sub3A_36 = arith.subf %sub3A_34, %sub3A_35 : vector<128x512xf32>
    %mul3A = arith.mulf %sub3A_30, %sub3A_30 : vector<128x512xf32>
    %mul3A_37 = arith.mulf %sub3A_33, %sub3A_33 : vector<128x512xf32>
    %add3A = arith.addf %mul3A, %mul3A_37 : vector<128x512xf32>
    %mul3A_38 = arith.mulf %sub3A_36, %sub3A_36 : vector<128x512xf32>
    %add3A_39 = arith.addf %add3A, %mul3A_38 : vector<128x512xf32>
    %le3A = arith.constant 1.440000e+00 : f32
    %le3A_40 = vector.broadcast %le3A : f32 to vector<128x512xf32>
    %le3A_41 = arith.cmpf ole, %add3A_39, %le3A_40 : vector<128x512xf32>
    %jit3A = arith.constant 1.000000e+00 : f32
    %jit3A_42 = arith.constant 0.000000e+00 : f32
    %broadcast_in_dim3A = vector.broadcast %jit3A : f32 to vector<128x512xf32>
    %broadcast_in_dim3A_43 = vector.broadcast %jit3A_42 : f32 to vector<128x512xf32>
    %select_n3A = arith.select %le3A_41, %broadcast_in_dim3A, %broadcast_in_dim3A_43 : vector<128x512xi1>, vector<128x512xf32>
    %iota3A = tpu.iota {dimensions = array<i32: 0>} : vector<128x128xi32>
    %iota3A_44 = tpu.iota {dimensions = array<i32: 1>} : vector<128x128xi32>
    %le3A_45 = arith.cmpi sle, %iota3A, %iota3A_44 : vector<128x128xi32>
    %jit3A_46 = arith.constant 1.000000e+00 : f32
    %jit3A_47 = arith.constant 0.000000e+00 : f32
    %broadcast_in_dim3A_48 = vector.broadcast %jit3A_46 : f32 to vector<128x128xf32>
    %broadcast_in_dim3A_49 = vector.broadcast %jit3A_47 : f32 to vector<128x128xf32>
    %select_n3A_50 = arith.select %le3A_45, %broadcast_in_dim3A_48, %broadcast_in_dim3A_49 : vector<128x128xi1>, vector<128x128xf32>
    %reshape3A = vector.shape_cast %select_n3A : vector<128x512xf32> to vector<128x4x128xf32>
    %dot_general3A = arith.constant dense<0.000000e+00> : vector<128x4x128xf32>
    %dot_general3A_51 = tpu.matmul %reshape3A, %select_n3A_50, %dot_general3A {dimension_numbers = #tpu.dot_dimension_numbers<[2], [0], [0, 1], [1], [0, 0, 0, 1, 1, 1], [], []>, transpose_lhs_hint = false} : vector<128x4x128xf32>, vector<128x128xf32>, vector<128x4x128xf32> -> vector<128x4x128xf32>
    %slice3A = vector.extract_strided_slice %dot_general3A_51 {offsets = [0, 0, 127], sizes = [128, 4, 1], strides = [1, 1, 1]} : vector<128x4x128xf32> to vector<128x4x1xf32>
    %squeeze3A = vector.shape_cast %slice3A : vector<128x4x1xf32> to vector<128x4xf32>
    %iota3A_52 = tpu.iota {dimensions = array<i32: 0>} : vector<4x4xi32>
    %iota3A_53 = tpu.iota {dimensions = array<i32: 1>} : vector<4x4xi32>
    %le3A_54 = arith.cmpi sle, %iota3A_52, %iota3A_53 : vector<4x4xi32>
    %jit3A_55 = arith.constant 1.000000e+00 : f32
    %jit3A_56 = arith.constant 0.000000e+00 : f32
    %broadcast_in_dim3A_57 = vector.broadcast %jit3A_55 : f32 to vector<4x4xf32>
    %broadcast_in_dim3A_58 = vector.broadcast %jit3A_56 : f32 to vector<4x4xf32>
    %select_n3A_59 = arith.select %le3A_54, %broadcast_in_dim3A_57, %broadcast_in_dim3A_58 : vector<4x4xi1>, vector<4x4xf32>
    %dot_general3A_60 = arith.constant dense<0.000000e+00> : vector<128x4xf32>
    %dot_general3A_61 = tpu.matmul %squeeze3A, %select_n3A_59, %dot_general3A_60 {dimension_numbers = #tpu.dot_dimension_numbers<[1], [0], [0], [1], [0, 0, 1, 1], [], []>, transpose_lhs_hint = false} : vector<128x4xf32>, vector<4x4xf32>, vector<128x4xf32> -> vector<128x4xf32>
    %sub3A_62 = arith.subf %dot_general3A_61, %squeeze3A : vector<128x4xf32>
    %iota3A_63 = tpu.iota {dimensions = array<i32: 2>} : vector<1x1x16xi32>
    %convert_element_type3A = arith.sitofp %iota3A_63 : vector<1x1x16xi32> to vector<1x1x16xf32>
    %broadcast_in_dim3A_64 = vector.shape_cast %dot_general3A_61 : vector<128x4xf32> to vector<128x4x1xf32>
    %le3A_65 = vector.broadcast %broadcast_in_dim3A_64 : vector<128x4x1xf32> to vector<128x4x16xf32>
    %le3A_66 = vector.broadcast %convert_element_type3A : vector<1x1x16xf32> to vector<128x4x16xf32>
    %le3A_67 = arith.cmpf ole, %le3A_65, %le3A_66 : vector<128x4x16xf32>
    %jit3A_68 = arith.constant 1.000000e+00 : f32
    %jit3A_69 = arith.constant 0.000000e+00 : f32
    %broadcast_in_dim3A_70 = vector.broadcast %jit3A_68 : f32 to vector<128x4x16xf32>
    %broadcast_in_dim3A_71 = vector.broadcast %jit3A_69 : f32 to vector<128x4x16xf32>
    %select_n3A_72 = arith.select %le3A_67, %broadcast_in_dim3A_70, %broadcast_in_dim3A_71 : vector<128x4x16xi1>, vector<128x4x16xf32>
    %broadcast_in_dim3A_73 = vector.shape_cast %sub3A_62 : vector<128x4xf32> to vector<128x4x1xf32>
    %le3A_74 = vector.broadcast %broadcast_in_dim3A_73 : vector<128x4x1xf32> to vector<128x4x16xf32>
    %le3A_75 = vector.broadcast %convert_element_type3A : vector<1x1x16xf32> to vector<128x4x16xf32>
    %le3A_76 = arith.cmpf ole, %le3A_74, %le3A_75 : vector<128x4x16xf32>
    %jit3A_77 = arith.constant 1.000000e+00 : f32
    %jit3A_78 = arith.constant 0.000000e+00 : f32
    %broadcast_in_dim3A_79 = vector.broadcast %jit3A_77 : f32 to vector<128x4x16xf32>
    %broadcast_in_dim3A_80 = vector.broadcast %jit3A_78 : f32 to vector<128x4x16xf32>
    %select_n3A_81 = arith.select %le3A_76, %broadcast_in_dim3A_79, %broadcast_in_dim3A_80 : vector<128x4x16xi1>, vector<128x4x16xf32>
    %reduce_sum3A = arith.constant dense<0.000000e+00> : vector<128x16xf32>
    %reduce_sum3A_82 = vector.multi_reduction <add>, %select_n3A_72, %reduce_sum3A [1] : vector<128x4x16xf32> to vector<128x16xf32>
    %sub3A_83 = arith.subf %select_n3A_81, %select_n3A_72 : vector<128x4x16xf32>
    %broadcast_in_dim3A_84 = vector.shape_cast %sub3A_62 : vector<128x4xf32> to vector<128x4x1xf32>
    %mul3A_85 = vector.broadcast %broadcast_in_dim3A_84 : vector<128x4x1xf32> to vector<128x4x16xf32>
    %mul3A_86 = arith.mulf %sub3A_83, %mul3A_85 : vector<128x4x16xf32>
    %reduce_sum3A_87 = arith.constant dense<0.000000e+00> : vector<128x16xf32>
    %reduce_sum3A_88 = vector.multi_reduction <add>, %mul3A_86, %reduce_sum3A_87 [1] : vector<128x4x16xf32> to vector<128x16xf32>
    %reduce_sum3A_89 = arith.constant dense<0.000000e+00> : vector<128x16xf32>
    %reduce_sum3A_90 = vector.multi_reduction <add>, %sub3A_83, %reduce_sum3A_89 [1] : vector<128x4x16xf32> to vector<128x16xf32>
    %dot_general3A_91 = arith.constant dense<0.000000e+00> : vector<128x16x128xf32>
    %dot_general3A_92 = tpu.matmul %sub3A_83, %dot_general3A_51, %dot_general3A_91 {dimension_numbers = #tpu.dot_dimension_numbers<[1], [1], [2], [2], [0, 0, 0, 2, 1, 2], [0], [0]>, transpose_lhs_hint = false} : vector<128x4x16xf32>, vector<128x4x128xf32>, vector<128x16x128xf32> -> vector<128x16x128xf32>
    %iota3A_93 = tpu.iota {dimensions = array<i32: 1>} : vector<128x16xi32>
    %convert_element_type3A_94 = arith.sitofp %iota3A_93 : vector<128x16xi32> to vector<128x16xf32>
    %sub3A_95 = arith.subf %convert_element_type3A_94, %reduce_sum3A_88 : vector<128x16xf32>
    %broadcast_in_dim3A_96 = vector.shape_cast %sub3A_95 : vector<128x16xf32> to vector<128x16x1xf32>
    %le3A_97 = vector.broadcast %broadcast_in_dim3A_96 : vector<128x16x1xf32> to vector<128x16x128xf32>
    %le3A_98 = arith.cmpf ole, %dot_general3A_92, %le3A_97 : vector<128x16x128xf32>
    %jit3A_99 = arith.constant 1.000000e+00 : f32
    %jit3A_100 = arith.constant 0.000000e+00 : f32
    %broadcast_in_dim3A_101 = vector.broadcast %jit3A_99 : f32 to vector<128x16x128xf32>
    %broadcast_in_dim3A_102 = vector.broadcast %jit3A_100 : f32 to vector<128x16x128xf32>
    %select_n3A_103 = arith.select %le3A_98, %broadcast_in_dim3A_101, %broadcast_in_dim3A_102 : vector<128x16x128xi1>, vector<128x16x128xf32>
    %reduce_sum3A_104 = arith.constant dense<0.000000e+00> : vector<128x16xf32>
    %reduce_sum3A_105 = vector.multi_reduction <add>, %select_n3A_103, %reduce_sum3A_104 [2] : vector<128x16x128xf32> to vector<128x16xf32>
    %mul3A_106 = arith.mulf %reduce_sum3A_105, %reduce_sum3A_90 : vector<128x16xf32>
    %mul3A_107 = arith.constant 1.280000e+02 : f32
    %mul3A_108 = vector.broadcast %mul3A_107 : f32 to vector<128x16xf32>
    %mul3A_109 = arith.mulf %mul3A_108, %reduce_sum3A_82 : vector<128x16xf32>
    %add3A_110 = arith.addf %mul3A_109, %mul3A_106 : vector<128x16xf32>
    %convert_element_type3A_111 = arith.fptosi %add3A_110 : vector<128x16xf32> to vector<128x16xi32>
    %slice3A_112 = vector.extract_strided_slice %convert_element_type3A_111 {offsets = [0, 0], sizes = [128, 1], strides = [1, 1]} : vector<128x16xi32> to vector<128x1xi32>
    %ge3A = arith.constant 512 : i32
    %ge3A_113 = vector.broadcast %ge3A : i32 to vector<128x16xi32>
    %ge3A_114 = arith.cmpi sge, %convert_element_type3A_111, %ge3A_113 : vector<128x16xi32>
    %broadcast_in_dim3A_115 = vector.shape_cast %slice3A_112 : vector<128x1xi32> to vector<128x1xi32>
    %broadcast_in_dim3A_116 = vector.broadcast %broadcast_in_dim3A_115 : vector<128x1xi32> to vector<128x16xi32>
    %select_n3A_117 = arith.select %ge3A_114, %broadcast_in_dim3A_116, %convert_element_type3A_111 : vector<128x16xi1>, vector<128x16xi32>
    %swap3A = arith.constant 0 : index
    %swap3A_118 = arith.constant 0 : index
    %swap3A_119 = arith.constant 0 : index
    %swap3A_120 = vector.load %arg4[%swap3A, %swap3A_118, %swap3A_119] : memref<1x128x16xi32, #tpu.memory_space<vmem>>, vector<1x128x16xi32>
    %swap3A_121 = vector.shape_cast %swap3A_120 : vector<1x128x16xi32> to vector<128x16xi32>
    %swap3A_122 = vector.shape_cast %select_n3A_117 : vector<128x16xi32> to vector<1x128x16xi32>
    tpu.vector_store %arg4[%swap3A, %swap3A_118, %swap3A_119], %swap3A_122 {strides = array<i32>} : memref<1x128x16xi32, #tpu.memory_space<vmem>>, vector<1x128x16xi32>,
    return
  }
  func.func @transform_0(%arg0: i32, %arg1: i32) -> (i32, i32, i32) {
    %c0_i32 = arith.constant 0 : i32
    %c0_i32_0 = arith.constant 0 : i32
    %c0_i32_1 = arith.constant 0 : i32
    return %arg0, %c0_i32, %c0_i32_0 : i32, i32, i32
  }
  func.func @transform_1(%arg0: i32, %arg1: i32) -> (i32, i32, i32) {
    %c0_i32 = arith.constant 0 : i32
    %c0_i32_0 = arith.constant 0 : i32
    return %arg0, %arg1, %c0_i32 : i32, i32, i32
  }
  func.func @transform_2(%arg0: i32, %arg1: i32) -> (i32, i32, i32) {
    %c0_i32 = arith.constant 0 : i32
    %c0_i32_0 = arith.constant 0 : i32
    return %arg0, %arg1, %c0_i32 : i32, i32, i32
  }
}

module attributes {stable_mosaic.version = 14 : i64} {
  func.func @_mlp_max_kbody(%arg0: i32, %arg1: memref<2048x264xf32, #tpu.memory_space<vmem>>, %arg2: memref<128x8xf32, #tpu.memory_space<vmem>>, %arg3: memref<264x128xf32, #tpu.memory_space<vmem>>, %arg4: memref<1x128xf32, #tpu.memory_space<vmem>>, %arg5: memref<128x128xf32, #tpu.memory_space<vmem>>, %arg6: memref<1x128xf32, #tpu.memory_space<vmem>>, %arg7: memref<128x256xf32, #tpu.memory_space<vmem>>, %arg8: memref<1x256xf32, #tpu.memory_space<vmem>>, %arg9: memref<128x256xf32, #tpu.memory_space<vmem>>) attributes {dimension_semantics = [#tpu.dimension_semantics<arbitrary>], iteration_bounds = array<i64: 8>, scalar_prefetch = 0 : i64, scratch_operands = 0 : i64, tpu.core_type = #tpu.core_type<tc>, window_params = [{transform_indices = @transform_0, window_bounds = array<i64: 2048, 264>}, {transform_indices = @transform_1, window_bounds = array<i64: 128, 8>}, {pipeline_mode = #tpu.pipeline_mode<synchronous>, transform_indices = @transform_2, window_bounds = array<i64: 264, 128>}, {pipeline_mode = #tpu.pipeline_mode<synchronous>, transform_indices = @transform_3, window_bounds = array<i64: 1, 128>}, {pipeline_mode = #tpu.pipeline_mode<synchronous>, transform_indices = @transform_4, window_bounds = array<i64: 128, 128>}, {pipeline_mode = #tpu.pipeline_mode<synchronous>, transform_indices = @transform_5, window_bounds = array<i64: 1, 128>}, {pipeline_mode = #tpu.pipeline_mode<synchronous>, transform_indices = @transform_6, window_bounds = array<i64: 128, 256>}, {pipeline_mode = #tpu.pipeline_mode<synchronous>, transform_indices = @transform_7, window_bounds = array<i64: 1, 256>}, {transform_indices = @transform_8, window_bounds = array<i64: 128, 256>}]} {
    %get3A = arith.constant 0 : index
    %get3A_0 = arith.constant 0 : index
    %get3A_1 = vector.load %arg1[%get3A, %get3A_0] : memref<2048x264xf32, #tpu.memory_space<vmem>>, vector<2048x264xf32>
    %get3A_2 = arith.constant 0 : index
    %get3A_3 = arith.constant 0 : index
    %get3A_4 = vector.load %arg2[%get3A_2, %get3A_3] : memref<128x8xf32, #tpu.memory_space<vmem>>, vector<128x8xf32>
    %slice3A = vector.extract_strided_slice %get3A_4 {offsets = [0, 0], sizes = [128, 3], strides = [1, 1]} : vector<128x8xf32> to vector<128x3xf32>
    %broadcast_in_dim3A = vector.shape_cast %slice3A : vector<128x3xf32> to vector<128x1x3xf32>
    %broadcast_in_dim3A_5 = vector.shape_cast %broadcast_in_dim3A : vector<128x1x3xf32> to vector<128x1x3xf32>
    %broadcast_in_dim3A_6 = vector.broadcast %broadcast_in_dim3A_5 : vector<128x1x3xf32> to vector<128x16x3xf32>
    %reshape3A = vector.shape_cast %broadcast_in_dim3A_6 : vector<128x16x3xf32> to vector<2048x3xf32>
    %slice3A_7 = vector.extract_strided_slice %get3A_1 {offsets = [0, 0], sizes = [2048, 3], strides = [1, 1]} : vector<2048x264xf32> to vector<2048x3xf32>
    %sub3A = arith.subf %slice3A_7, %reshape3A : vector<2048x3xf32>
    %div3A = arith.constant 8.000000e-01 : f32
    %div3A_8 = vector.broadcast %div3A : f32 to vector<2048x3xf32>
    %div3A_9 = arith.divf %sub3A, %div3A_8 : vector<2048x3xf32>
    %slice3A_10 = vector.extract_strided_slice %get3A_1 {offsets = [0, 3], sizes = [2048, 261], strides = [1, 1]} : vector<2048x264xf32> to vector<2048x261xf32>
    %concatenate3A = tpu.concatenate %div3A_9, %slice3A_10 in 1 : vector<2048x3xf32>, vector<2048x261xf32> -> vector<2048x264xf32>
    %get3A_11 = arith.constant 0 : index
    %get3A_12 = arith.constant 0 : index
    %get3A_13 = vector.load %arg3[%get3A_11, %get3A_12] : memref<264x128xf32, #tpu.memory_space<vmem>>, vector<264x128xf32>
    %dot_general3A = arith.constant dense<0.000000e+00> : vector<2048x128xf32>
    %dot_general3A_14 = tpu.matmul %concatenate3A, %get3A_13, %dot_general3A {dimension_numbers = #tpu.dot_dimension_numbers<[1], [0], [0], [1], [0, 0, 1, 1], [], []>, transpose_lhs_hint = false} : vector<2048x264xf32>, vector<264x128xf32>, vector<2048x128xf32> -> vector<2048x128xf32>
    %get3A_15 = arith.constant 0 : index
    %get3A_16 = arith.constant 0 : index
    %get3A_17 = vector.load %arg4[%get3A_15, %get3A_16] : memref<1x128xf32, #tpu.memory_space<vmem>>, vector<1x128xf32>
    %add3A = vector.broadcast %get3A_17 : vector<1x128xf32> to vector<2048x128xf32>
    %add3A_18 = arith.addf %dot_general3A_14, %add3A : vector<2048x128xf32>
    %mul3A = arith.constant 0.999994993 : f32
    %mul3A_19 = vector.broadcast %mul3A : f32 to vector<2048x128xf32>
    %mul3A_20 = arith.mulf %add3A_18, %mul3A_19 : vector<2048x128xf32>
    %max3A = arith.constant 0.000000e+00 : f32
    %max3A_21 = vector.broadcast %max3A : f32 to vector<2048x128xf32>
    %max3A_22 = arith.maximumf %mul3A_20, %max3A_21 : vector<2048x128xf32>
    %get3A_23 = arith.constant 0 : index
    %get3A_24 = arith.constant 0 : index
    %get3A_25 = vector.load %arg5[%get3A_23, %get3A_24] : memref<128x128xf32, #tpu.memory_space<vmem>>, vector<128x128xf32>
    %dot_general3A_26 = arith.constant dense<0.000000e+00> : vector<2048x128xf32>
    %dot_general3A_27 = tpu.matmul %max3A_22, %get3A_25, %dot_general3A_26 {dimension_numbers = #tpu.dot_dimension_numbers<[1], [0], [0], [1], [0, 0, 1, 1], [], []>, transpose_lhs_hint = false} : vector<2048x128xf32>, vector<128x128xf32>, vector<2048x128xf32> -> vector<2048x128xf32>
    %get3A_28 = arith.constant 0 : index
    %get3A_29 = arith.constant 0 : index
    %get3A_30 = vector.load %arg6[%get3A_28, %get3A_29] : memref<1x128xf32, #tpu.memory_space<vmem>>, vector<1x128xf32>
    %add3A_31 = vector.broadcast %get3A_30 : vector<1x128xf32> to vector<2048x128xf32>
    %add3A_32 = arith.addf %dot_general3A_27, %add3A_31 : vector<2048x128xf32>
    %mul3A_33 = arith.constant 0.999994993 : f32
    %mul3A_34 = vector.broadcast %mul3A_33 : f32 to vector<2048x128xf32>
    %mul3A_35 = arith.mulf %add3A_32, %mul3A_34 : vector<2048x128xf32>
    %max3A_36 = arith.constant 0.000000e+00 : f32
    %max3A_37 = vector.broadcast %max3A_36 : f32 to vector<2048x128xf32>
    %max3A_38 = arith.maximumf %mul3A_35, %max3A_37 : vector<2048x128xf32>
    %get3A_39 = arith.constant 0 : index
    %get3A_40 = arith.constant 0 : index
    %get3A_41 = vector.load %arg7[%get3A_39, %get3A_40] : memref<128x256xf32, #tpu.memory_space<vmem>>, vector<128x256xf32>
    %dot_general3A_42 = arith.constant dense<0.000000e+00> : vector<2048x256xf32>
    %dot_general3A_43 = tpu.matmul %max3A_38, %get3A_41, %dot_general3A_42 {dimension_numbers = #tpu.dot_dimension_numbers<[1], [0], [0], [1], [0, 0, 1, 1], [], []>, transpose_lhs_hint = false} : vector<2048x128xf32>, vector<128x256xf32>, vector<2048x256xf32> -> vector<2048x256xf32>
    %get3A_44 = arith.constant 0 : index
    %get3A_45 = arith.constant 0 : index
    %get3A_46 = vector.load %arg8[%get3A_44, %get3A_45] : memref<1x256xf32, #tpu.memory_space<vmem>>, vector<1x256xf32>
    %add3A_47 = vector.broadcast %get3A_46 : vector<1x256xf32> to vector<2048x256xf32>
    %add3A_48 = arith.addf %dot_general3A_43, %add3A_47 : vector<2048x256xf32>
    %mul3A_49 = arith.constant 0.999994993 : f32
    %mul3A_50 = vector.broadcast %mul3A_49 : f32 to vector<2048x256xf32>
    %mul3A_51 = arith.mulf %add3A_48, %mul3A_50 : vector<2048x256xf32>
    %max3A_52 = arith.constant 0.000000e+00 : f32
    %max3A_53 = vector.broadcast %max3A_52 : f32 to vector<2048x256xf32>
    %max3A_54 = arith.maximumf %mul3A_51, %max3A_53 : vector<2048x256xf32>
    %reshape3A_55 = vector.shape_cast %max3A_54 : vector<2048x256xf32> to vector<128x16x256xf32>
    %reduce_max3A = arith.constant dense<0xFF800000> : vector<128x256xf32>
    %reduce_max3A_56 = vector.multi_reduction <maximumf>, %reshape3A_55, %reduce_max3A [1] : vector<128x16x256xf32> to vector<128x256xf32>
    %swap3A = arith.constant 0 : index
    %swap3A_57 = arith.constant 0 : index
    %swap3A_58 = vector.load %arg9[%swap3A, %swap3A_57] : memref<128x256xf32, #tpu.memory_space<vmem>>, vector<128x256xf32>
    tpu.vector_store %arg9[%swap3A, %swap3A_57], %reduce_max3A_56 {strides = array<i32>} : memref<128x256xf32, #tpu.memory_space<vmem>>, vector<128x256xf32>,
    return
  }
  func.func @transform_0(%arg0: i32) -> (i32, i32) {
    %c0_i32 = arith.constant 0 : i32
    %c0_i32_0 = arith.constant 0 : i32
    return %arg0, %c0_i32 : i32, i32
  }
  func.func @transform_1(%arg0: i32) -> (i32, i32) {
    %c0_i32 = arith.constant 0 : i32
    %c0_i32_0 = arith.constant 0 : i32
    return %arg0, %c0_i32 : i32, i32
  }
  func.func @transform_2(%arg0: i32) -> (i32, i32) {
    %c0_i32 = arith.constant 0 : i32
    %c0_i32_0 = arith.constant 0 : i32
    %c0_i32_1 = arith.constant 0 : i32
    return %c0_i32, %c0_i32_0 : i32, i32
  }
  func.func @transform_3(%arg0: i32) -> (i32, i32) {
    %c0_i32 = arith.constant 0 : i32
    %c0_i32_0 = arith.constant 0 : i32
    %c0_i32_1 = arith.constant 0 : i32
    return %c0_i32, %c0_i32_0 : i32, i32
  }
  func.func @transform_4(%arg0: i32) -> (i32, i32) {
    %c0_i32 = arith.constant 0 : i32
    %c0_i32_0 = arith.constant 0 : i32
    %c0_i32_1 = arith.constant 0 : i32
    return %c0_i32, %c0_i32_0 : i32, i32
  }
  func.func @transform_5(%arg0: i32) -> (i32, i32) {
    %c0_i32 = arith.constant 0 : i32
    %c0_i32_0 = arith.constant 0 : i32
    %c0_i32_1 = arith.constant 0 : i32
    return %c0_i32, %c0_i32_0 : i32, i32
  }
  func.func @transform_6(%arg0: i32) -> (i32, i32) {
    %c0_i32 = arith.constant 0 : i32
    %c0_i32_0 = arith.constant 0 : i32
    %c0_i32_1 = arith.constant 0 : i32
    return %c0_i32, %c0_i32_0 : i32, i32
  }
  func.func @transform_7(%arg0: i32) -> (i32, i32) {
    %c0_i32 = arith.constant 0 : i32
    %c0_i32_0 = arith.constant 0 : i32
    %c0_i32_1 = arith.constant 0 : i32
    return %c0_i32, %c0_i32_0 : i32, i32
  }
  func.func @transform_8(%arg0: i32) -> (i32, i32) {
    %c0_i32 = arith.constant 0 : i32
    %c0_i32_0 = arith.constant 0 : i32
    return %arg0, %c0_i32 : i32, i32
  }
}

module attributes {stable_mosaic.version = 14 : i64} {
  func.func @_mlp_max_kbody(%arg0: i32, %arg1: memref<2048x264xf32, #tpu.memory_space<vmem>>, %arg2: memref<128x8xf32, #tpu.memory_space<vmem>>, %arg3: memref<264x128xf32, #tpu.memory_space<vmem>>, %arg4: memref<1x128xf32, #tpu.memory_space<vmem>>, %arg5: memref<128x128xf32, #tpu.memory_space<vmem>>, %arg6: memref<1x128xf32, #tpu.memory_space<vmem>>, %arg7: memref<128x256xf32, #tpu.memory_space<vmem>>, %arg8: memref<1x256xf32, #tpu.memory_space<vmem>>, %arg9: memref<128x256xf32, #tpu.memory_space<vmem>>) attributes {dimension_semantics = [#tpu.dimension_semantics<arbitrary>], iteration_bounds = array<i64: 4>, scalar_prefetch = 0 : i64, scratch_operands = 0 : i64, tpu.core_type = #tpu.core_type<tc>, window_params = [{transform_indices = @transform_0, window_bounds = array<i64: 2048, 264>}, {transform_indices = @transform_1, window_bounds = array<i64: 128, 8>}, {pipeline_mode = #tpu.pipeline_mode<synchronous>, transform_indices = @transform_2, window_bounds = array<i64: 264, 128>}, {pipeline_mode = #tpu.pipeline_mode<synchronous>, transform_indices = @transform_3, window_bounds = array<i64: 1, 128>}, {pipeline_mode = #tpu.pipeline_mode<synchronous>, transform_indices = @transform_4, window_bounds = array<i64: 128, 128>}, {pipeline_mode = #tpu.pipeline_mode<synchronous>, transform_indices = @transform_5, window_bounds = array<i64: 1, 128>}, {pipeline_mode = #tpu.pipeline_mode<synchronous>, transform_indices = @transform_6, window_bounds = array<i64: 128, 256>}, {pipeline_mode = #tpu.pipeline_mode<synchronous>, transform_indices = @transform_7, window_bounds = array<i64: 1, 256>}, {transform_indices = @transform_8, window_bounds = array<i64: 128, 256>}]} {
    %get3A = arith.constant 0 : index
    %get3A_0 = arith.constant 0 : index
    %get3A_1 = vector.load %arg1[%get3A, %get3A_0] : memref<2048x264xf32, #tpu.memory_space<vmem>>, vector<2048x264xf32>
    %get3A_2 = arith.constant 0 : index
    %get3A_3 = arith.constant 0 : index
    %get3A_4 = vector.load %arg2[%get3A_2, %get3A_3] : memref<128x8xf32, #tpu.memory_space<vmem>>, vector<128x8xf32>
    %slice3A = vector.extract_strided_slice %get3A_4 {offsets = [0, 0], sizes = [128, 3], strides = [1, 1]} : vector<128x8xf32> to vector<128x3xf32>
    %broadcast_in_dim3A = vector.shape_cast %slice3A : vector<128x3xf32> to vector<128x1x3xf32>
    %broadcast_in_dim3A_5 = vector.shape_cast %broadcast_in_dim3A : vector<128x1x3xf32> to vector<128x1x3xf32>
    %broadcast_in_dim3A_6 = vector.broadcast %broadcast_in_dim3A_5 : vector<128x1x3xf32> to vector<128x16x3xf32>
    %reshape3A = vector.shape_cast %broadcast_in_dim3A_6 : vector<128x16x3xf32> to vector<2048x3xf32>
    %slice3A_7 = vector.extract_strided_slice %get3A_1 {offsets = [0, 0], sizes = [2048, 3], strides = [1, 1]} : vector<2048x264xf32> to vector<2048x3xf32>
    %sub3A = arith.subf %slice3A_7, %reshape3A : vector<2048x3xf32>
    %div3A = arith.constant 1.200000e+00 : f32
    %div3A_8 = vector.broadcast %div3A : f32 to vector<2048x3xf32>
    %div3A_9 = arith.divf %sub3A, %div3A_8 : vector<2048x3xf32>
    %slice3A_10 = vector.extract_strided_slice %get3A_1 {offsets = [0, 3], sizes = [2048, 261], strides = [1, 1]} : vector<2048x264xf32> to vector<2048x261xf32>
    %concatenate3A = tpu.concatenate %div3A_9, %slice3A_10 in 1 : vector<2048x3xf32>, vector<2048x261xf32> -> vector<2048x264xf32>
    %get3A_11 = arith.constant 0 : index
    %get3A_12 = arith.constant 0 : index
    %get3A_13 = vector.load %arg3[%get3A_11, %get3A_12] : memref<264x128xf32, #tpu.memory_space<vmem>>, vector<264x128xf32>
    %dot_general3A = arith.constant dense<0.000000e+00> : vector<2048x128xf32>
    %dot_general3A_14 = tpu.matmul %concatenate3A, %get3A_13, %dot_general3A {dimension_numbers = #tpu.dot_dimension_numbers<[1], [0], [0], [1], [0, 0, 1, 1], [], []>, transpose_lhs_hint = false} : vector<2048x264xf32>, vector<264x128xf32>, vector<2048x128xf32> -> vector<2048x128xf32>
    %get3A_15 = arith.constant 0 : index
    %get3A_16 = arith.constant 0 : index
    %get3A_17 = vector.load %arg4[%get3A_15, %get3A_16] : memref<1x128xf32, #tpu.memory_space<vmem>>, vector<1x128xf32>
    %add3A = vector.broadcast %get3A_17 : vector<1x128xf32> to vector<2048x128xf32>
    %add3A_18 = arith.addf %dot_general3A_14, %add3A : vector<2048x128xf32>
    %mul3A = arith.constant 0.999994993 : f32
    %mul3A_19 = vector.broadcast %mul3A : f32 to vector<2048x128xf32>
    %mul3A_20 = arith.mulf %add3A_18, %mul3A_19 : vector<2048x128xf32>
    %max3A = arith.constant 0.000000e+00 : f32
    %max3A_21 = vector.broadcast %max3A : f32 to vector<2048x128xf32>
    %max3A_22 = arith.maximumf %mul3A_20, %max3A_21 : vector<2048x128xf32>
    %get3A_23 = arith.constant 0 : index
    %get3A_24 = arith.constant 0 : index
    %get3A_25 = vector.load %arg5[%get3A_23, %get3A_24] : memref<128x128xf32, #tpu.memory_space<vmem>>, vector<128x128xf32>
    %dot_general3A_26 = arith.constant dense<0.000000e+00> : vector<2048x128xf32>
    %dot_general3A_27 = tpu.matmul %max3A_22, %get3A_25, %dot_general3A_26 {dimension_numbers = #tpu.dot_dimension_numbers<[1], [0], [0], [1], [0, 0, 1, 1], [], []>, transpose_lhs_hint = false} : vector<2048x128xf32>, vector<128x128xf32>, vector<2048x128xf32> -> vector<2048x128xf32>
    %get3A_28 = arith.constant 0 : index
    %get3A_29 = arith.constant 0 : index
    %get3A_30 = vector.load %arg6[%get3A_28, %get3A_29] : memref<1x128xf32, #tpu.memory_space<vmem>>, vector<1x128xf32>
    %add3A_31 = vector.broadcast %get3A_30 : vector<1x128xf32> to vector<2048x128xf32>
    %add3A_32 = arith.addf %dot_general3A_27, %add3A_31 : vector<2048x128xf32>
    %mul3A_33 = arith.constant 0.999994993 : f32
    %mul3A_34 = vector.broadcast %mul3A_33 : f32 to vector<2048x128xf32>
    %mul3A_35 = arith.mulf %add3A_32, %mul3A_34 : vector<2048x128xf32>
    %max3A_36 = arith.constant 0.000000e+00 : f32
    %max3A_37 = vector.broadcast %max3A_36 : f32 to vector<2048x128xf32>
    %max3A_38 = arith.maximumf %mul3A_35, %max3A_37 : vector<2048x128xf32>
    %get3A_39 = arith.constant 0 : index
    %get3A_40 = arith.constant 0 : index
    %get3A_41 = vector.load %arg7[%get3A_39, %get3A_40] : memref<128x256xf32, #tpu.memory_space<vmem>>, vector<128x256xf32>
    %dot_general3A_42 = arith.constant dense<0.000000e+00> : vector<2048x256xf32>
    %dot_general3A_43 = tpu.matmul %max3A_38, %get3A_41, %dot_general3A_42 {dimension_numbers = #tpu.dot_dimension_numbers<[1], [0], [0], [1], [0, 0, 1, 1], [], []>, transpose_lhs_hint = false} : vector<2048x128xf32>, vector<128x256xf32>, vector<2048x256xf32> -> vector<2048x256xf32>
    %get3A_44 = arith.constant 0 : index
    %get3A_45 = arith.constant 0 : index
    %get3A_46 = vector.load %arg8[%get3A_44, %get3A_45] : memref<1x256xf32, #tpu.memory_space<vmem>>, vector<1x256xf32>
    %add3A_47 = vector.broadcast %get3A_46 : vector<1x256xf32> to vector<2048x256xf32>
    %add3A_48 = arith.addf %dot_general3A_43, %add3A_47 : vector<2048x256xf32>
    %mul3A_49 = arith.constant 0.999994993 : f32
    %mul3A_50 = vector.broadcast %mul3A_49 : f32 to vector<2048x256xf32>
    %mul3A_51 = arith.mulf %add3A_48, %mul3A_50 : vector<2048x256xf32>
    %max3A_52 = arith.constant 0.000000e+00 : f32
    %max3A_53 = vector.broadcast %max3A_52 : f32 to vector<2048x256xf32>
    %max3A_54 = arith.maximumf %mul3A_51, %max3A_53 : vector<2048x256xf32>
    %reshape3A_55 = vector.shape_cast %max3A_54 : vector<2048x256xf32> to vector<128x16x256xf32>
    %reduce_max3A = arith.constant dense<0xFF800000> : vector<128x256xf32>
    %reduce_max3A_56 = vector.multi_reduction <maximumf>, %reshape3A_55, %reduce_max3A [1] : vector<128x16x256xf32> to vector<128x256xf32>
    %swap3A = arith.constant 0 : index
    %swap3A_57 = arith.constant 0 : index
    %swap3A_58 = vector.load %arg9[%swap3A, %swap3A_57] : memref<128x256xf32, #tpu.memory_space<vmem>>, vector<128x256xf32>
    tpu.vector_store %arg9[%swap3A, %swap3A_57], %reduce_max3A_56 {strides = array<i32>} : memref<128x256xf32, #tpu.memory_space<vmem>>, vector<128x256xf32>,
    return
  }
  func.func @transform_0(%arg0: i32) -> (i32, i32) {
    %c0_i32 = arith.constant 0 : i32
    %c0_i32_0 = arith.constant 0 : i32
    return %arg0, %c0_i32 : i32, i32
  }
  func.func @transform_1(%arg0: i32) -> (i32, i32) {
    %c0_i32 = arith.constant 0 : i32
    %c0_i32_0 = arith.constant 0 : i32
    return %arg0, %c0_i32 : i32, i32
  }
  func.func @transform_2(%arg0: i32) -> (i32, i32) {
    %c0_i32 = arith.constant 0 : i32
    %c0_i32_0 = arith.constant 0 : i32
    %c0_i32_1 = arith.constant 0 : i32
    return %c0_i32, %c0_i32_0 : i32, i32
  }
  func.func @transform_3(%arg0: i32) -> (i32, i32) {
    %c0_i32 = arith.constant 0 : i32
    %c0_i32_0 = arith.constant 0 : i32
    %c0_i32_1 = arith.constant 0 : i32
    return %c0_i32, %c0_i32_0 : i32, i32
  }
  func.func @transform_4(%arg0: i32) -> (i32, i32) {
    %c0_i32 = arith.constant 0 : i32
    %c0_i32_0 = arith.constant 0 : i32
    %c0_i32_1 = arith.constant 0 : i32
    return %c0_i32, %c0_i32_0 : i32, i32
  }
  func.func @transform_5(%arg0: i32) -> (i32, i32) {
    %c0_i32 = arith.constant 0 : i32
    %c0_i32_0 = arith.constant 0 : i32
    %c0_i32_1 = arith.constant 0 : i32
    return %c0_i32, %c0_i32_0 : i32, i32
  }
  func.func @transform_6(%arg0: i32) -> (i32, i32) {
    %c0_i32 = arith.constant 0 : i32
    %c0_i32_0 = arith.constant 0 : i32
    %c0_i32_1 = arith.constant 0 : i32
    return %c0_i32, %c0_i32_0 : i32, i32
  }
  func.func @transform_7(%arg0: i32) -> (i32, i32) {
    %c0_i32 = arith.constant 0 : i32
    %c0_i32_0 = arith.constant 0 : i32
    %c0_i32_1 = arith.constant 0 : i32
    return %c0_i32, %c0_i32_0 : i32, i32
  }
  func.func @transform_8(%arg0: i32) -> (i32, i32) {
    %c0_i32 = arith.constant 0 : i32
    %c0_i32_0 = arith.constant 0 : i32
    return %arg0, %c0_i32 : i32, i32
  }
}

module attributes {stable_mosaic.version = 14 : i64} {
  func.func @_fp_kbody(%arg0: i32, %arg1: memref<1x512x3xf32, #tpu.memory_space<vmem>>, %arg2: memref<1x3x256xf32, #tpu.memory_space<vmem>>, %arg3: memref<1x512x256xf32, #tpu.memory_space<vmem>>, %arg4: memref<1x256x256xf32, #tpu.memory_space<vmem>>, %arg5: memref<512x256xf32, #tpu.memory_space<vmem>>, %arg6: memref<1x256xf32, #tpu.memory_space<vmem>>, %arg7: memref<256x256xf32, #tpu.memory_space<vmem>>, %arg8: memref<1x256xf32, #tpu.memory_space<vmem>>, %arg9: memref<1x512x256xf32, #tpu.memory_space<vmem>>) attributes {dimension_semantics = [#tpu.dimension_semantics<arbitrary>], iteration_bounds = array<i64: 2>, scalar_prefetch = 0 : i64, scratch_operands = 0 : i64, tpu.core_type = #tpu.core_type<tc>, window_params = [{transform_indices = @transform_0, window_bounds = array<i64: 1, 512, 3>}, {transform_indices = @transform_1, window_bounds = array<i64: 1, 3, 256>}, {transform_indices = @transform_2, window_bounds = array<i64: 1, 512, 256>}, {transform_indices = @transform_3, window_bounds = array<i64: 1, 256, 256>}, {pipeline_mode = #tpu.pipeline_mode<synchronous>, transform_indices = @transform_4, window_bounds = array<i64: 512, 256>}, {pipeline_mode = #tpu.pipeline_mode<synchronous>, transform_indices = @transform_5, window_bounds = array<i64: 1, 256>}, {pipeline_mode = #tpu.pipeline_mode<synchronous>, transform_indices = @transform_6, window_bounds = array<i64: 256, 256>}, {pipeline_mode = #tpu.pipeline_mode<synchronous>, transform_indices = @transform_7, window_bounds = array<i64: 1, 256>}, {transform_indices = @transform_8, window_bounds = array<i64: 1, 512, 256>}]} {
    %get3A = arith.constant 0 : index
    %get3A_0 = arith.constant 0 : index
    %get3A_1 = arith.constant 0 : index
    %get3A_2 = vector.load %arg1[%get3A, %get3A_0, %get3A_1] : memref<1x512x3xf32, #tpu.memory_space<vmem>>, vector<1x512x3xf32>
    %get3A_3 = vector.shape_cast %get3A_2 : vector<1x512x3xf32> to vector<512x3xf32>
    %slice3A = vector.extract_strided_slice %get3A_3 {offsets = [0, 0], sizes = [512, 1], strides = [1, 1]} : vector<512x3xf32> to vector<512x1xf32>
    %get3A_4 = arith.constant 0 : index
    %get3A_5 = arith.constant 0 : index
    %get3A_6 = arith.constant 0 : index
    %get3A_7 = vector.load %arg1[%get3A_4, %get3A_5, %get3A_6] : memref<1x512x3xf32, #tpu.memory_space<vmem>>, vector<1x512x3xf32>
    %get3A_8 = vector.shape_cast %get3A_7 : vector<1x512x3xf32> to vector<512x3xf32>
    %slice3A_9 = vector.extract_strided_slice %get3A_8 {offsets = [0, 1], sizes = [512, 1], strides = [1, 1]} : vector<512x3xf32> to vector<512x1xf32>
    %get3A_10 = arith.constant 0 : index
    %get3A_11 = arith.constant 0 : index
    %get3A_12 = arith.constant 0 : index
    %get3A_13 = vector.load %arg1[%get3A_10, %get3A_11, %get3A_12] : memref<1x512x3xf32, #tpu.memory_space<vmem>>, vector<1x512x3xf32>
    %get3A_14 = vector.shape_cast %get3A_13 : vector<1x512x3xf32> to vector<512x3xf32>
    %slice3A_15 = vector.extract_strided_slice %get3A_14 {offsets = [0, 2], sizes = [512, 1], strides = [1, 1]} : vector<512x3xf32> to vector<512x1xf32>
    %get3A_16 = arith.constant 0 : index
    %get3A_17 = arith.constant 0 : index
    %get3A_18 = arith.constant 0 : index
    %get3A_19 = vector.load %arg2[%get3A_16, %get3A_17, %get3A_18] : memref<1x3x256xf32, #tpu.memory_space<vmem>>, vector<1x1x256xf32>
    %get3A_20 = vector.shape_cast %get3A_19 : vector<1x1x256xf32> to vector<1x256xf32>
    %get3A_21 = arith.constant 0 : index
    %get3A_22 = arith.constant 1 : index
    %get3A_23 = arith.constant 0 : index
    %get3A_24 = vector.load %arg2[%get3A_21, %get3A_22, %get3A_23] : memref<1x3x256xf32, #tpu.memory_space<vmem>>, vector<1x1x256xf32>
    %get3A_25 = vector.shape_cast %get3A_24 : vector<1x1x256xf32> to vector<1x256xf32>
    %get3A_26 = arith.constant 0 : index
    %get3A_27 = arith.constant 2 : index
    %get3A_28 = arith.constant 0 : index
    %get3A_29 = vector.load %arg2[%get3A_26, %get3A_27, %get3A_28] : memref<1x3x256xf32, #tpu.memory_space<vmem>>, vector<1x1x256xf32>
    %get3A_30 = vector.shape_cast %get3A_29 : vector<1x1x256xf32> to vector<1x256xf32>
    %sub3A = vector.broadcast %slice3A : vector<512x1xf32> to vector<512x256xf32>
    %sub3A_31 = vector.broadcast %get3A_20 : vector<1x256xf32> to vector<512x256xf32>
    %sub3A_32 = arith.subf %sub3A, %sub3A_31 : vector<512x256xf32>
    %sub3A_33 = vector.broadcast %slice3A_9 : vector<512x1xf32> to vector<512x256xf32>
    %sub3A_34 = vector.broadcast %get3A_25 : vector<1x256xf32> to vector<512x256xf32>
    %sub3A_35 = arith.subf %sub3A_33, %sub3A_34 : vector<512x256xf32>
    %sub3A_36 = vector.broadcast %slice3A_15 : vector<512x1xf32> to vector<512x256xf32>
    %sub3A_37 = vector.broadcast %get3A_30 : vector<1x256xf32> to vector<512x256xf32>
    %sub3A_38 = arith.subf %sub3A_36, %sub3A_37 : vector<512x256xf32>
    %mul3A = arith.mulf %sub3A_32, %sub3A_32 : vector<512x256xf32>
    %mul3A_39 = arith.mulf %sub3A_35, %sub3A_35 : vector<512x256xf32>
    %add3A = arith.addf %mul3A, %mul3A_39 : vector<512x256xf32>
    %mul3A_40 = arith.mulf %sub3A_38, %sub3A_38 : vector<512x256xf32>
    %add3A_41 = arith.addf %add3A, %mul3A_40 : vector<512x256xf32>
    %iota3A = tpu.iota {dimensions = array<i32: 1>} : vector<512x256xi32>
    %broadcast_in_dim3A = arith.constant 0.000000e+00 : f32
    %broadcast_in_dim3A_42 = vector.broadcast %broadcast_in_dim3A : f32 to vector<512x256xf32>
    %broadcast_in_dim3A_43 = arith.constant 0.000000e+00 : f32
    %broadcast_in_dim3A_44 = vector.broadcast %broadcast_in_dim3A_43 : f32 to vector<512x1xf32>
    %reduce_min3A = arith.constant dense<0x7F800000> : vector<512xf32>
    %reduce_min3A_45 = vector.multi_reduction <minimumf>, %add3A_41, %reduce_min3A [1] : vector<512x256xf32> to vector<512xf32>
    %broadcast_in_dim3A_46 = vector.shape_cast %reduce_min3A_45 : vector<512xf32> to vector<512x1xf32>
    %eq3A = vector.broadcast %broadcast_in_dim3A_46 : vector<512x1xf32> to vector<512x256xf32>
    %eq3A_47 = arith.cmpf oeq, %add3A_41, %eq3A : vector<512x256xf32>
    %jit3A = arith.constant 256 : i32
    %broadcast_in_dim3A_48 = vector.broadcast %jit3A : i32 to vector<512x256xi32>
    %select_n3A = arith.select %eq3A_47, %iota3A, %broadcast_in_dim3A_48 : vector<512x256xi1>, vector<512x256xi32>
    %reduce_min3A_49 = arith.constant dense<2147483647> : vector<512xi32>
    %reduce_min3A_50 = vector.multi_reduction <minsi>, %select_n3A, %reduce_min3A_49 [1] : vector<512x256xi32> to vector<512xi32>
    %broadcast_in_dim3A_51 = vector.shape_cast %reduce_min3A_50 : vector<512xi32> to vector<512x1xi32>
    %eq3A_52 = vector.broadcast %broadcast_in_dim3A_51 : vector<512x1xi32> to vector<512x256xi32>
    %eq3A_53 = arith.cmpi eq, %iota3A, %eq3A_52 : vector<512x256xi32>
    %jit3A_54 = arith.constant 1.000000e+00 : f32
    %jit3A_55 = arith.constant 0.000000e+00 : f32
    %broadcast_in_dim3A_56 = vector.broadcast %jit3A_54 : f32 to vector<512x256xf32>
    %broadcast_in_dim3A_57 = vector.broadcast %jit3A_55 : f32 to vector<512x256xf32>
    %select_n3A_58 = arith.select %eq3A_53, %broadcast_in_dim3A_56, %broadcast_in_dim3A_57 : vector<512x256xi1>, vector<512x256xf32>
    %add3A_59 = arith.constant 9.99999993E-9 : f32
    %add3A_60 = vector.broadcast %add3A_59 : f32 to vector<512x1xf32>
    %add3A_61 = arith.addf %broadcast_in_dim3A_46, %add3A_60 : vector<512x1xf32>
    %div3A = arith.constant 1.000000e+00 : f32
    %div3A_62 = vector.broadcast %div3A : f32 to vector<512x1xf32>
    %div3A_63 = arith.divf %div3A_62, %add3A_61 : vector<512x1xf32>
    %mul3A_64 = vector.broadcast %div3A_63 : vector<512x1xf32> to vector<512x256xf32>
    %mul3A_65 = arith.mulf %mul3A_64, %select_n3A_58 : vector<512x256xf32>
    %add3A_66 = arith.addf %broadcast_in_dim3A_42, %mul3A_65 : vector<512x256xf32>
    %add3A_67 = arith.addf %broadcast_in_dim3A_44, %div3A_63 : vector<512x1xf32>
    %eq3A_68 = vector.broadcast %broadcast_in_dim3A_51 : vector<512x1xi32> to vector<512x256xi32>
    %eq3A_69 = arith.cmpi eq, %iota3A, %eq3A_68 : vector<512x256xi32>
    %jit3A_70 = arith.constant 0x7F800000 : f32
    %broadcast_in_dim3A_71 = vector.broadcast %jit3A_70 : f32 to vector<512x256xf32>
    %select_n3A_72 = arith.select %eq3A_69, %broadcast_in_dim3A_71, %add3A_41 : vector<512x256xi1>, vector<512x256xf32>
    %reduce_min3A_73 = arith.constant dense<0x7F800000> : vector<512xf32>
    %reduce_min3A_74 = vector.multi_reduction <minimumf>, %select_n3A_72, %reduce_min3A_73 [1] : vector<512x256xf32> to vector<512xf32>
    %broadcast_in_dim3A_75 = vector.shape_cast %reduce_min3A_74 : vector<512xf32> to vector<512x1xf32>
    %eq3A_76 = vector.broadcast %broadcast_in_dim3A_75 : vector<512x1xf32> to vector<512x256xf32>
    %eq3A_77 = arith.cmpf oeq, %select_n3A_72, %eq3A_76 : vector<512x256xf32>
    %jit3A_78 = arith.constant 256 : i32
    %broadcast_in_dim3A_79 = vector.broadcast %jit3A_78 : i32 to vector<512x256xi32>
    %select_n3A_80 = arith.select %eq3A_77, %iota3A, %broadcast_in_dim3A_79 : vector<512x256xi1>, vector<512x256xi32>
    %reduce_min3A_81 = arith.constant dense<2147483647> : vector<512xi32>
    %reduce_min3A_82 = vector.multi_reduction <minsi>, %select_n3A_80, %reduce_min3A_81 [1] : vector<512x256xi32> to vector<512xi32>
    %broadcast_in_dim3A_83 = vector.shape_cast %reduce_min3A_82 : vector<512xi32> to vector<512x1xi32>
    %eq3A_84 = vector.broadcast %broadcast_in_dim3A_83 : vector<512x1xi32> to vector<512x256xi32>
    %eq3A_85 = arith.cmpi eq, %iota3A, %eq3A_84 : vector<512x256xi32>
    %jit3A_86 = arith.constant 1.000000e+00 : f32
    %jit3A_87 = arith.constant 0.000000e+00 : f32
    %broadcast_in_dim3A_88 = vector.broadcast %jit3A_86 : f32 to vector<512x256xf32>
    %broadcast_in_dim3A_89 = vector.broadcast %jit3A_87 : f32 to vector<512x256xf32>
    %select_n3A_90 = arith.select %eq3A_85, %broadcast_in_dim3A_88, %broadcast_in_dim3A_89 : vector<512x256xi1>, vector<512x256xf32>
    %add3A_91 = arith.constant 9.99999993E-9 : f32
    %add3A_92 = vector.broadcast %add3A_91 : f32 to vector<512x1xf32>
    %add3A_93 = arith.addf %broadcast_in_dim3A_75, %add3A_92 : vector<512x1xf32>
    %div3A_94 = arith.constant 1.000000e+00 : f32
    %div3A_95 = vector.broadcast %div3A_94 : f32 to vector<512x1xf32>
    %div3A_96 = arith.divf %div3A_95, %add3A_93 : vector<512x1xf32>
    %mul3A_97 = vector.broadcast %div3A_96 : vector<512x1xf32> to vector<512x256xf32>
    %mul3A_98 = arith.mulf %mul3A_97, %select_n3A_90 : vector<512x256xf32>
    %add3A_99 = arith.addf %add3A_66, %mul3A_98 : vector<512x256xf32>
    %add3A_100 = arith.addf %add3A_67, %div3A_96 : vector<512x1xf32>
    %eq3A_101 = vector.broadcast %broadcast_in_dim3A_83 : vector<512x1xi32> to vector<512x256xi32>
    %eq3A_102 = arith.cmpi eq, %iota3A, %eq3A_101 : vector<512x256xi32>
    %jit3A_103 = arith.constant 0x7F800000 : f32
    %broadcast_in_dim3A_104 = vector.broadcast %jit3A_103 : f32 to vector<512x256xf32>
    %select_n3A_105 = arith.select %eq3A_102, %broadcast_in_dim3A_104, %select_n3A_72 : vector<512x256xi1>, vector<512x256xf32>
    %reduce_min3A_106 = arith.constant dense<0x7F800000> : vector<512xf32>
    %reduce_min3A_107 = vector.multi_reduction <minimumf>, %select_n3A_105, %reduce_min3A_106 [1] : vector<512x256xf32> to vector<512xf32>
    %broadcast_in_dim3A_108 = vector.shape_cast %reduce_min3A_107 : vector<512xf32> to vector<512x1xf32>
    %eq3A_109 = vector.broadcast %broadcast_in_dim3A_108 : vector<512x1xf32> to vector<512x256xf32>
    %eq3A_110 = arith.cmpf oeq, %select_n3A_105, %eq3A_109 : vector<512x256xf32>
    %jit3A_111 = arith.constant 256 : i32
    %broadcast_in_dim3A_112 = vector.broadcast %jit3A_111 : i32 to vector<512x256xi32>
    %select_n3A_113 = arith.select %eq3A_110, %iota3A, %broadcast_in_dim3A_112 : vector<512x256xi1>, vector<512x256xi32>
    %reduce_min3A_114 = arith.constant dense<2147483647> : vector<512xi32>
    %reduce_min3A_115 = vector.multi_reduction <minsi>, %select_n3A_113, %reduce_min3A_114 [1] : vector<512x256xi32> to vector<512xi32>
    %broadcast_in_dim3A_116 = vector.shape_cast %reduce_min3A_115 : vector<512xi32> to vector<512x1xi32>
    %eq3A_117 = vector.broadcast %broadcast_in_dim3A_116 : vector<512x1xi32> to vector<512x256xi32>
    %eq3A_118 = arith.cmpi eq, %iota3A, %eq3A_117 : vector<512x256xi32>
    %jit3A_119 = arith.constant 1.000000e+00 : f32
    %jit3A_120 = arith.constant 0.000000e+00 : f32
    %broadcast_in_dim3A_121 = vector.broadcast %jit3A_119 : f32 to vector<512x256xf32>
    %broadcast_in_dim3A_122 = vector.broadcast %jit3A_120 : f32 to vector<512x256xf32>
    %select_n3A_123 = arith.select %eq3A_118, %broadcast_in_dim3A_121, %broadcast_in_dim3A_122 : vector<512x256xi1>, vector<512x256xf32>
    %add3A_124 = arith.constant 9.99999993E-9 : f32
    %add3A_125 = vector.broadcast %add3A_124 : f32 to vector<512x1xf32>
    %add3A_126 = arith.addf %broadcast_in_dim3A_108, %add3A_125 : vector<512x1xf32>
    %div3A_127 = arith.constant 1.000000e+00 : f32
    %div3A_128 = vector.broadcast %div3A_127 : f32 to vector<512x1xf32>
    %div3A_129 = arith.divf %div3A_128, %add3A_126 : vector<512x1xf32>
    %mul3A_130 = vector.broadcast %div3A_129 : vector<512x1xf32> to vector<512x256xf32>
    %mul3A_131 = arith.mulf %mul3A_130, %select_n3A_123 : vector<512x256xf32>
    %add3A_132 = arith.addf %add3A_99, %mul3A_131 : vector<512x256xf32>
    %add3A_133 = arith.addf %add3A_100, %div3A_129 : vector<512x1xf32>
    %div3A_134 = vector.broadcast %add3A_133 : vector<512x1xf32> to vector<512x256xf32>
    %div3A_135 = arith.divf %add3A_132, %div3A_134 : vector<512x256xf32>
    %get3A_136 = arith.constant 0 : index
    %get3A_137 = arith.constant 0 : index
    %get3A_138 = arith.constant 0 : index
    %get3A_139 = vector.load %arg4[%get3A_136, %get3A_137, %get3A_138] : memref<1x256x256xf32, #tpu.memory_space<vmem>>, vector<1x256x256xf32>
    %get3A_140 = vector.shape_cast %get3A_139 : vector<1x256x256xf32> to vector<256x256xf32>
    %dot_general3A = arith.constant dense<0.000000e+00> : vector<512x256xf32>
    %dot_general3A_141 = tpu.matmul %div3A_135, %get3A_140, %dot_general3A {dimension_numbers = #tpu.dot_dimension_numbers<[1], [0], [0], [1], [0, 0, 1, 1], [], []>, transpose_lhs_hint = false} : vector<512x256xf32>, vector<256x256xf32>, vector<512x256xf32> -> vector<512x256xf32>
    %get3A_142 = arith.constant 0 : index
    %get3A_143 = arith.constant 0 : index
    %get3A_144 = arith.constant 0 : index
    %get3A_145 = vector.load %arg3[%get3A_142, %get3A_143, %get3A_144] : memref<1x512x256xf32, #tpu.memory_space<vmem>>, vector<1x512x256xf32>
    %get3A_146 = vector.shape_cast %get3A_145 : vector<1x512x256xf32> to vector<512x256xf32>
    %concatenate3A = tpu.concatenate %dot_general3A_141, %get3A_146 in 1 : vector<512x256xf32>, vector<512x256xf32> -> vector<512x512xf32>
    %get3A_147 = arith.constant 0 : index
    %get3A_148 = arith.constant 0 : index
    %get3A_149 = vector.load %arg5[%get3A_147, %get3A_148] : memref<512x256xf32, #tpu.memory_space<vmem>>, vector<512x256xf32>
    %dot_general3A_150 = arith.constant dense<0.000000e+00> : vector<512x256xf32>
    %dot_general3A_151 = tpu.matmul %concatenate3A, %get3A_149, %dot_general3A_150 {dimension_numbers = #tpu.dot_dimension_numbers<[1], [0], [0], [1], [0, 0, 1, 1], [], []>, transpose_lhs_hint = false} : vector<512x512xf32>, vector<512x256xf32>, vector<512x256xf32> -> vector<512x256xf32>
    %get3A_152 = arith.constant 0 : index
    %get3A_153 = arith.constant 0 : index
    %get3A_154 = vector.load %arg6[%get3A_152, %get3A_153] : memref<1x256xf32, #tpu.memory_space<vmem>>, vector<1x256xf32>
    %add3A_155 = vector.broadcast %get3A_154 : vector<1x256xf32> to vector<512x256xf32>
    %add3A_156 = arith.addf %dot_general3A_151, %add3A_155 : vector<512x256xf32>
    %mul3A_157 = arith.constant 0.999994993 : f32
    %mul3A_158 = vector.broadcast %mul3A_157 : f32 to vector<512x256xf32>
    %mul3A_159 = arith.mulf %add3A_156, %mul3A_158 : vector<512x256xf32>
    %max3A = arith.constant 0.000000e+00 : f32
    %max3A_160 = vector.broadcast %max3A : f32 to vector<512x256xf32>
    %max3A_161 = arith.maximumf %mul3A_159, %max3A_160 : vector<512x256xf32>
    %get3A_162 = arith.constant 0 : index
    %get3A_163 = arith.constant 0 : index
    %get3A_164 = vector.load %arg7[%get3A_162, %get3A_163] : memref<256x256xf32, #tpu.memory_space<vmem>>, vector<256x256xf32>
    %dot_general3A_165 = arith.constant dense<0.000000e+00> : vector<512x256xf32>
    %dot_general3A_166 = tpu.matmul %max3A_161, %get3A_164, %dot_general3A_165 {dimension_numbers = #tpu.dot_dimension_numbers<[1], [0], [0], [1], [0, 0, 1, 1], [], []>, transpose_lhs_hint = false} : vector<512x256xf32>, vector<256x256xf32>, vector<512x256xf32> -> vector<512x256xf32>
    %get3A_167 = arith.constant 0 : index
    %get3A_168 = arith.constant 0 : index
    %get3A_169 = vector.load %arg8[%get3A_167, %get3A_168] : memref<1x256xf32, #tpu.memory_space<vmem>>, vector<1x256xf32>
    %add3A_170 = vector.broadcast %get3A_169 : vector<1x256xf32> to vector<512x256xf32>
    %add3A_171 = arith.addf %dot_general3A_166, %add3A_170 : vector<512x256xf32>
    %mul3A_172 = arith.constant 0.999994993 : f32
    %mul3A_173 = vector.broadcast %mul3A_172 : f32 to vector<512x256xf32>
    %mul3A_174 = arith.mulf %add3A_171, %mul3A_173 : vector<512x256xf32>
    %max3A_175 = arith.constant 0.000000e+00 : f32
    %max3A_176 = vector.broadcast %max3A_175 : f32 to vector<512x256xf32>
    %max3A_177 = arith.maximumf %mul3A_174, %max3A_176 : vector<512x256xf32>
    %swap3A = arith.constant 0 : index
    %swap3A_178 = arith.constant 0 : index
    %swap3A_179 = arith.constant 0 : index
    %swap3A_180 = vector.load %arg9[%swap3A, %swap3A_178, %swap3A_179] : memref<1x512x256xf32, #tpu.memory_space<vmem>>, vector<1x512x256xf32>
    %swap3A_181 = vector.shape_cast %swap3A_180 : vector<1x512x256xf32> to vector<512x256xf32>
    %swap3A_182 = vector.shape_cast %max3A_177 : vector<512x256xf32> to vector<1x512x256xf32>
    tpu.vector_store %arg9[%swap3A, %swap3A_178, %swap3A_179], %swap3A_182 {strides = array<i32>} : memref<1x512x256xf32, #tpu.memory_space<vmem>>, vector<1x512x256xf32>,
    return
  }
  func.func @transform_0(%arg0: i32) -> (i32, i32, i32) {
    %c0_i32 = arith.constant 0 : i32
    %c0_i32_0 = arith.constant 0 : i32
    %c0_i32_1 = arith.constant 0 : i32
    return %arg0, %c0_i32, %c0_i32_0 : i32, i32, i32
  }
  func.func @transform_1(%arg0: i32) -> (i32, i32, i32) {
    %c0_i32 = arith.constant 0 : i32
    %c0_i32_0 = arith.constant 0 : i32
    %c0_i32_1 = arith.constant 0 : i32
    return %arg0, %c0_i32, %c0_i32_0 : i32, i32, i32
  }
  func.func @transform_2(%arg0: i32) -> (i32, i32, i32) {
    %c0_i32 = arith.constant 0 : i32
    %c0_i32_0 = arith.constant 0 : i32
    %c0_i32_1 = arith.constant 0 : i32
    return %arg0, %c0_i32, %c0_i32_0 : i32, i32, i32
  }
  func.func @transform_3(%arg0: i32) -> (i32, i32, i32) {
    %c0_i32 = arith.constant 0 : i32
    %c0_i32_0 = arith.constant 0 : i32
    %c0_i32_1 = arith.constant 0 : i32
    return %arg0, %c0_i32, %c0_i32_0 : i32, i32, i32
  }
  func.func @transform_4(%arg0: i32) -> (i32, i32) {
    %c0_i32 = arith.constant 0 : i32
    %c0_i32_0 = arith.constant 0 : i32
    %c0_i32_1 = arith.constant 0 : i32
    return %c0_i32, %c0_i32_0 : i32, i32
  }
  func.func @transform_5(%arg0: i32) -> (i32, i32) {
    %c0_i32 = arith.constant 0 : i32
    %c0_i32_0 = arith.constant 0 : i32
    %c0_i32_1 = arith.constant 0 : i32
    return %c0_i32, %c0_i32_0 : i32, i32
  }
  func.func @transform_6(%arg0: i32) -> (i32, i32) {
    %c0_i32 = arith.constant 0 : i32
    %c0_i32_0 = arith.constant 0 : i32
    %c0_i32_1 = arith.constant 0 : i32
    return %c0_i32, %c0_i32_0 : i32, i32
  }
  func.func @transform_7(%arg0: i32) -> (i32, i32) {
    %c0_i32 = arith.constant 0 : i32
    %c0_i32_0 = arith.constant 0 : i32
    %c0_i32_1 = arith.constant 0 : i32
    return %c0_i32, %c0_i32_0 : i32, i32
  }
  func.func @transform_8(%arg0: i32) -> (i32, i32, i32) {
    %c0_i32 = arith.constant 0 : i32
    %c0_i32_0 = arith.constant 0 : i32
    %c0_i32_1 = arith.constant 0 : i32
    return %arg0, %c0_i32, %c0_i32_0 : i32, i32, i32
  }
}

module attributes {stable_mosaic.version = 14 : i64} {
  func.func @_fp_kbody(%arg0: i32, %arg1: memref<1x1024x3xf32, #tpu.memory_space<vmem>>, %arg2: memref<1x3x512xf32, #tpu.memory_space<vmem>>, %arg3: memref<1x1024x256xf32, #tpu.memory_space<vmem>>, %arg4: memref<1x512x256xf32, #tpu.memory_space<vmem>>, %arg5: memref<512x256xf32, #tpu.memory_space<vmem>>, %arg6: memref<1x256xf32, #tpu.memory_space<vmem>>, %arg7: memref<256x288xf32, #tpu.memory_space<vmem>>, %arg8: memref<1x288xf32, #tpu.memory_space<vmem>>, %arg9: memref<1x1024x288xf32, #tpu.memory_space<vmem>>) attributes {dimension_semantics = [#tpu.dimension_semantics<arbitrary>], iteration_bounds = array<i64: 2>, scalar_prefetch = 0 : i64, scratch_operands = 0 : i64, tpu.core_type = #tpu.core_type<tc>, window_params = [{transform_indices = @transform_0, window_bounds = array<i64: 1, 1024, 3>}, {transform_indices = @transform_1, window_bounds = array<i64: 1, 3, 512>}, {transform_indices = @transform_2, window_bounds = array<i64: 1, 1024, 256>}, {transform_indices = @transform_3, window_bounds = array<i64: 1, 512, 256>}, {pipeline_mode = #tpu.pipeline_mode<synchronous>, transform_indices = @transform_4, window_bounds = array<i64: 512, 256>}, {pipeline_mode = #tpu.pipeline_mode<synchronous>, transform_indices = @transform_5, window_bounds = array<i64: 1, 256>}, {pipeline_mode = #tpu.pipeline_mode<synchronous>, transform_indices = @transform_6, window_bounds = array<i64: 256, 288>}, {pipeline_mode = #tpu.pipeline_mode<synchronous>, transform_indices = @transform_7, window_bounds = array<i64: 1, 288>}, {transform_indices = @transform_8, window_bounds = array<i64: 1, 1024, 288>}]} {
    %get3A = arith.constant 0 : index
    %get3A_0 = arith.constant 0 : index
    %get3A_1 = arith.constant 0 : index
    %get3A_2 = vector.load %arg1[%get3A, %get3A_0, %get3A_1] : memref<1x1024x3xf32, #tpu.memory_space<vmem>>, vector<1x1024x3xf32>
    %get3A_3 = vector.shape_cast %get3A_2 : vector<1x1024x3xf32> to vector<1024x3xf32>
    %slice3A = vector.extract_strided_slice %get3A_3 {offsets = [0, 0], sizes = [1024, 1], strides = [1, 1]} : vector<1024x3xf32> to vector<1024x1xf32>
    %get3A_4 = arith.constant 0 : index
    %get3A_5 = arith.constant 0 : index
    %get3A_6 = arith.constant 0 : index
    %get3A_7 = vector.load %arg1[%get3A_4, %get3A_5, %get3A_6] : memref<1x1024x3xf32, #tpu.memory_space<vmem>>, vector<1x1024x3xf32>
    %get3A_8 = vector.shape_cast %get3A_7 : vector<1x1024x3xf32> to vector<1024x3xf32>
    %slice3A_9 = vector.extract_strided_slice %get3A_8 {offsets = [0, 1], sizes = [1024, 1], strides = [1, 1]} : vector<1024x3xf32> to vector<1024x1xf32>
    %get3A_10 = arith.constant 0 : index
    %get3A_11 = arith.constant 0 : index
    %get3A_12 = arith.constant 0 : index
    %get3A_13 = vector.load %arg1[%get3A_10, %get3A_11, %get3A_12] : memref<1x1024x3xf32, #tpu.memory_space<vmem>>, vector<1x1024x3xf32>
    %get3A_14 = vector.shape_cast %get3A_13 : vector<1x1024x3xf32> to vector<1024x3xf32>
    %slice3A_15 = vector.extract_strided_slice %get3A_14 {offsets = [0, 2], sizes = [1024, 1], strides = [1, 1]} : vector<1024x3xf32> to vector<1024x1xf32>
    %get3A_16 = arith.constant 0 : index
    %get3A_17 = arith.constant 0 : index
    %get3A_18 = arith.constant 0 : index
    %get3A_19 = vector.load %arg2[%get3A_16, %get3A_17, %get3A_18] : memref<1x3x512xf32, #tpu.memory_space<vmem>>, vector<1x1x512xf32>
    %get3A_20 = vector.shape_cast %get3A_19 : vector<1x1x512xf32> to vector<1x512xf32>
    %get3A_21 = arith.constant 0 : index
    %get3A_22 = arith.constant 1 : index
    %get3A_23 = arith.constant 0 : index
    %get3A_24 = vector.load %arg2[%get3A_21, %get3A_22, %get3A_23] : memref<1x3x512xf32, #tpu.memory_space<vmem>>, vector<1x1x512xf32>
    %get3A_25 = vector.shape_cast %get3A_24 : vector<1x1x512xf32> to vector<1x512xf32>
    %get3A_26 = arith.constant 0 : index
    %get3A_27 = arith.constant 2 : index
    %get3A_28 = arith.constant 0 : index
    %get3A_29 = vector.load %arg2[%get3A_26, %get3A_27, %get3A_28] : memref<1x3x512xf32, #tpu.memory_space<vmem>>, vector<1x1x512xf32>
    %get3A_30 = vector.shape_cast %get3A_29 : vector<1x1x512xf32> to vector<1x512xf32>
    %sub3A = vector.broadcast %slice3A : vector<1024x1xf32> to vector<1024x512xf32>
    %sub3A_31 = vector.broadcast %get3A_20 : vector<1x512xf32> to vector<1024x512xf32>
    %sub3A_32 = arith.subf %sub3A, %sub3A_31 : vector<1024x512xf32>
    %sub3A_33 = vector.broadcast %slice3A_9 : vector<1024x1xf32> to vector<1024x512xf32>
    %sub3A_34 = vector.broadcast %get3A_25 : vector<1x512xf32> to vector<1024x512xf32>
    %sub3A_35 = arith.subf %sub3A_33, %sub3A_34 : vector<1024x512xf32>
    %sub3A_36 = vector.broadcast %slice3A_15 : vector<1024x1xf32> to vector<1024x512xf32>
    %sub3A_37 = vector.broadcast %get3A_30 : vector<1x512xf32> to vector<1024x512xf32>
    %sub3A_38 = arith.subf %sub3A_36, %sub3A_37 : vector<1024x512xf32>
    %mul3A = arith.mulf %sub3A_32, %sub3A_32 : vector<1024x512xf32>
    %mul3A_39 = arith.mulf %sub3A_35, %sub3A_35 : vector<1024x512xf32>
    %add3A = arith.addf %mul3A, %mul3A_39 : vector<1024x512xf32>
    %mul3A_40 = arith.mulf %sub3A_38, %sub3A_38 : vector<1024x512xf32>
    %add3A_41 = arith.addf %add3A, %mul3A_40 : vector<1024x512xf32>
    %iota3A = tpu.iota {dimensions = array<i32: 1>} : vector<1024x512xi32>
    %broadcast_in_dim3A = arith.constant 0.000000e+00 : f32
    %broadcast_in_dim3A_42 = vector.broadcast %broadcast_in_dim3A : f32 to vector<1024x512xf32>
    %broadcast_in_dim3A_43 = arith.constant 0.000000e+00 : f32
    %broadcast_in_dim3A_44 = vector.broadcast %broadcast_in_dim3A_43 : f32 to vector<1024x1xf32>
    %reduce_min3A = arith.constant dense<0x7F800000> : vector<1024xf32>
    %reduce_min3A_45 = vector.multi_reduction <minimumf>, %add3A_41, %reduce_min3A [1] : vector<1024x512xf32> to vector<1024xf32>
    %broadcast_in_dim3A_46 = vector.shape_cast %reduce_min3A_45 : vector<1024xf32> to vector<1024x1xf32>
    %eq3A = vector.broadcast %broadcast_in_dim3A_46 : vector<1024x1xf32> to vector<1024x512xf32>
    %eq3A_47 = arith.cmpf oeq, %add3A_41, %eq3A : vector<1024x512xf32>
    %jit3A = arith.constant 512 : i32
    %broadcast_in_dim3A_48 = vector.broadcast %jit3A : i32 to vector<1024x512xi32>
    %select_n3A = arith.select %eq3A_47, %iota3A, %broadcast_in_dim3A_48 : vector<1024x512xi1>, vector<1024x512xi32>
    %reduce_min3A_49 = arith.constant dense<2147483647> : vector<1024xi32>
    %reduce_min3A_50 = vector.multi_reduction <minsi>, %select_n3A, %reduce_min3A_49 [1] : vector<1024x512xi32> to vector<1024xi32>
    %broadcast_in_dim3A_51 = vector.shape_cast %reduce_min3A_50 : vector<1024xi32> to vector<1024x1xi32>
    %eq3A_52 = vector.broadcast %broadcast_in_dim3A_51 : vector<1024x1xi32> to vector<1024x512xi32>
    %eq3A_53 = arith.cmpi eq, %iota3A, %eq3A_52 : vector<1024x512xi32>
    %jit3A_54 = arith.constant 1.000000e+00 : f32
    %jit3A_55 = arith.constant 0.000000e+00 : f32
    %broadcast_in_dim3A_56 = vector.broadcast %jit3A_54 : f32 to vector<1024x512xf32>
    %broadcast_in_dim3A_57 = vector.broadcast %jit3A_55 : f32 to vector<1024x512xf32>
    %select_n3A_58 = arith.select %eq3A_53, %broadcast_in_dim3A_56, %broadcast_in_dim3A_57 : vector<1024x512xi1>, vector<1024x512xf32>
    %add3A_59 = arith.constant 9.99999993E-9 : f32
    %add3A_60 = vector.broadcast %add3A_59 : f32 to vector<1024x1xf32>
    %add3A_61 = arith.addf %broadcast_in_dim3A_46, %add3A_60 : vector<1024x1xf32>
    %div3A = arith.constant 1.000000e+00 : f32
    %div3A_62 = vector.broadcast %div3A : f32 to vector<1024x1xf32>
    %div3A_63 = arith.divf %div3A_62, %add3A_61 : vector<1024x1xf32>
    %mul3A_64 = vector.broadcast %div3A_63 : vector<1024x1xf32> to vector<1024x512xf32>
    %mul3A_65 = arith.mulf %mul3A_64, %select_n3A_58 : vector<1024x512xf32>
    %add3A_66 = arith.addf %broadcast_in_dim3A_42, %mul3A_65 : vector<1024x512xf32>
    %add3A_67 = arith.addf %broadcast_in_dim3A_44, %div3A_63 : vector<1024x1xf32>
    %eq3A_68 = vector.broadcast %broadcast_in_dim3A_51 : vector<1024x1xi32> to vector<1024x512xi32>
    %eq3A_69 = arith.cmpi eq, %iota3A, %eq3A_68 : vector<1024x512xi32>
    %jit3A_70 = arith.constant 0x7F800000 : f32
    %broadcast_in_dim3A_71 = vector.broadcast %jit3A_70 : f32 to vector<1024x512xf32>
    %select_n3A_72 = arith.select %eq3A_69, %broadcast_in_dim3A_71, %add3A_41 : vector<1024x512xi1>, vector<1024x512xf32>
    %reduce_min3A_73 = arith.constant dense<0x7F800000> : vector<1024xf32>
    %reduce_min3A_74 = vector.multi_reduction <minimumf>, %select_n3A_72, %reduce_min3A_73 [1] : vector<1024x512xf32> to vector<1024xf32>
    %broadcast_in_dim3A_75 = vector.shape_cast %reduce_min3A_74 : vector<1024xf32> to vector<1024x1xf32>
    %eq3A_76 = vector.broadcast %broadcast_in_dim3A_75 : vector<1024x1xf32> to vector<1024x512xf32>
    %eq3A_77 = arith.cmpf oeq, %select_n3A_72, %eq3A_76 : vector<1024x512xf32>
    %jit3A_78 = arith.constant 512 : i32
    %broadcast_in_dim3A_79 = vector.broadcast %jit3A_78 : i32 to vector<1024x512xi32>
    %select_n3A_80 = arith.select %eq3A_77, %iota3A, %broadcast_in_dim3A_79 : vector<1024x512xi1>, vector<1024x512xi32>
    %reduce_min3A_81 = arith.constant dense<2147483647> : vector<1024xi32>
    %reduce_min3A_82 = vector.multi_reduction <minsi>, %select_n3A_80, %reduce_min3A_81 [1] : vector<1024x512xi32> to vector<1024xi32>
    %broadcast_in_dim3A_83 = vector.shape_cast %reduce_min3A_82 : vector<1024xi32> to vector<1024x1xi32>
    %eq3A_84 = vector.broadcast %broadcast_in_dim3A_83 : vector<1024x1xi32> to vector<1024x512xi32>
    %eq3A_85 = arith.cmpi eq, %iota3A, %eq3A_84 : vector<1024x512xi32>
    %jit3A_86 = arith.constant 1.000000e+00 : f32
    %jit3A_87 = arith.constant 0.000000e+00 : f32
    %broadcast_in_dim3A_88 = vector.broadcast %jit3A_86 : f32 to vector<1024x512xf32>
    %broadcast_in_dim3A_89 = vector.broadcast %jit3A_87 : f32 to vector<1024x512xf32>
    %select_n3A_90 = arith.select %eq3A_85, %broadcast_in_dim3A_88, %broadcast_in_dim3A_89 : vector<1024x512xi1>, vector<1024x512xf32>
    %add3A_91 = arith.constant 9.99999993E-9 : f32
    %add3A_92 = vector.broadcast %add3A_91 : f32 to vector<1024x1xf32>
    %add3A_93 = arith.addf %broadcast_in_dim3A_75, %add3A_92 : vector<1024x1xf32>
    %div3A_94 = arith.constant 1.000000e+00 : f32
    %div3A_95 = vector.broadcast %div3A_94 : f32 to vector<1024x1xf32>
    %div3A_96 = arith.divf %div3A_95, %add3A_93 : vector<1024x1xf32>
    %mul3A_97 = vector.broadcast %div3A_96 : vector<1024x1xf32> to vector<1024x512xf32>
    %mul3A_98 = arith.mulf %mul3A_97, %select_n3A_90 : vector<1024x512xf32>
    %add3A_99 = arith.addf %add3A_66, %mul3A_98 : vector<1024x512xf32>
    %add3A_100 = arith.addf %add3A_67, %div3A_96 : vector<1024x1xf32>
    %eq3A_101 = vector.broadcast %broadcast_in_dim3A_83 : vector<1024x1xi32> to vector<1024x512xi32>
    %eq3A_102 = arith.cmpi eq, %iota3A, %eq3A_101 : vector<1024x512xi32>
    %jit3A_103 = arith.constant 0x7F800000 : f32
    %broadcast_in_dim3A_104 = vector.broadcast %jit3A_103 : f32 to vector<1024x512xf32>
    %select_n3A_105 = arith.select %eq3A_102, %broadcast_in_dim3A_104, %select_n3A_72 : vector<1024x512xi1>, vector<1024x512xf32>
    %reduce_min3A_106 = arith.constant dense<0x7F800000> : vector<1024xf32>
    %reduce_min3A_107 = vector.multi_reduction <minimumf>, %select_n3A_105, %reduce_min3A_106 [1] : vector<1024x512xf32> to vector<1024xf32>
    %broadcast_in_dim3A_108 = vector.shape_cast %reduce_min3A_107 : vector<1024xf32> to vector<1024x1xf32>
    %eq3A_109 = vector.broadcast %broadcast_in_dim3A_108 : vector<1024x1xf32> to vector<1024x512xf32>
    %eq3A_110 = arith.cmpf oeq, %select_n3A_105, %eq3A_109 : vector<1024x512xf32>
    %jit3A_111 = arith.constant 512 : i32
    %broadcast_in_dim3A_112 = vector.broadcast %jit3A_111 : i32 to vector<1024x512xi32>
    %select_n3A_113 = arith.select %eq3A_110, %iota3A, %broadcast_in_dim3A_112 : vector<1024x512xi1>, vector<1024x512xi32>
    %reduce_min3A_114 = arith.constant dense<2147483647> : vector<1024xi32>
    %reduce_min3A_115 = vector.multi_reduction <minsi>, %select_n3A_113, %reduce_min3A_114 [1] : vector<1024x512xi32> to vector<1024xi32>
    %broadcast_in_dim3A_116 = vector.shape_cast %reduce_min3A_115 : vector<1024xi32> to vector<1024x1xi32>
    %eq3A_117 = vector.broadcast %broadcast_in_dim3A_116 : vector<1024x1xi32> to vector<1024x512xi32>
    %eq3A_118 = arith.cmpi eq, %iota3A, %eq3A_117 : vector<1024x512xi32>
    %jit3A_119 = arith.constant 1.000000e+00 : f32
    %jit3A_120 = arith.constant 0.000000e+00 : f32
    %broadcast_in_dim3A_121 = vector.broadcast %jit3A_119 : f32 to vector<1024x512xf32>
    %broadcast_in_dim3A_122 = vector.broadcast %jit3A_120 : f32 to vector<1024x512xf32>
    %select_n3A_123 = arith.select %eq3A_118, %broadcast_in_dim3A_121, %broadcast_in_dim3A_122 : vector<1024x512xi1>, vector<1024x512xf32>
    %add3A_124 = arith.constant 9.99999993E-9 : f32
    %add3A_125 = vector.broadcast %add3A_124 : f32 to vector<1024x1xf32>
    %add3A_126 = arith.addf %broadcast_in_dim3A_108, %add3A_125 : vector<1024x1xf32>
    %div3A_127 = arith.constant 1.000000e+00 : f32
    %div3A_128 = vector.broadcast %div3A_127 : f32 to vector<1024x1xf32>
    %div3A_129 = arith.divf %div3A_128, %add3A_126 : vector<1024x1xf32>
    %mul3A_130 = vector.broadcast %div3A_129 : vector<1024x1xf32> to vector<1024x512xf32>
    %mul3A_131 = arith.mulf %mul3A_130, %select_n3A_123 : vector<1024x512xf32>
    %add3A_132 = arith.addf %add3A_99, %mul3A_131 : vector<1024x512xf32>
    %add3A_133 = arith.addf %add3A_100, %div3A_129 : vector<1024x1xf32>
    %div3A_134 = vector.broadcast %add3A_133 : vector<1024x1xf32> to vector<1024x512xf32>
    %div3A_135 = arith.divf %add3A_132, %div3A_134 : vector<1024x512xf32>
    %get3A_136 = arith.constant 0 : index
    %get3A_137 = arith.constant 0 : index
    %get3A_138 = arith.constant 0 : index
    %get3A_139 = vector.load %arg4[%get3A_136, %get3A_137, %get3A_138] : memref<1x512x256xf32, #tpu.memory_space<vmem>>, vector<1x512x256xf32>
    %get3A_140 = vector.shape_cast %get3A_139 : vector<1x512x256xf32> to vector<512x256xf32>
    %dot_general3A = arith.constant dense<0.000000e+00> : vector<1024x256xf32>
    %dot_general3A_141 = tpu.matmul %div3A_135, %get3A_140, %dot_general3A {dimension_numbers = #tpu.dot_dimension_numbers<[1], [0], [0], [1], [0, 0, 1, 1], [], []>, transpose_lhs_hint = false} : vector<1024x512xf32>, vector<512x256xf32>, vector<1024x256xf32> -> vector<1024x256xf32>
    %get3A_142 = arith.constant 0 : index
    %get3A_143 = arith.constant 0 : index
    %get3A_144 = arith.constant 0 : index
    %get3A_145 = vector.load %arg3[%get3A_142, %get3A_143, %get3A_144] : memref<1x1024x256xf32, #tpu.memory_space<vmem>>, vector<1x1024x256xf32>
    %get3A_146 = vector.shape_cast %get3A_145 : vector<1x1024x256xf32> to vector<1024x256xf32>
    %concatenate3A = tpu.concatenate %dot_general3A_141, %get3A_146 in 1 : vector<1024x256xf32>, vector<1024x256xf32> -> vector<1024x512xf32>
    %get3A_147 = arith.constant 0 : index
    %get3A_148 = arith.constant 0 : index
    %get3A_149 = vector.load %arg5[%get3A_147, %get3A_148] : memref<512x256xf32, #tpu.memory_space<vmem>>, vector<512x256xf32>
    %dot_general3A_150 = arith.constant dense<0.000000e+00> : vector<1024x256xf32>
    %dot_general3A_151 = tpu.matmul %concatenate3A, %get3A_149, %dot_general3A_150 {dimension_numbers = #tpu.dot_dimension_numbers<[1], [0], [0], [1], [0, 0, 1, 1], [], []>, transpose_lhs_hint = false} : vector<1024x512xf32>, vector<512x256xf32>, vector<1024x256xf32> -> vector<1024x256xf32>
    %get3A_152 = arith.constant 0 : index
    %get3A_153 = arith.constant 0 : index
    %get3A_154 = vector.load %arg6[%get3A_152, %get3A_153] : memref<1x256xf32, #tpu.memory_space<vmem>>, vector<1x256xf32>
    %add3A_155 = vector.broadcast %get3A_154 : vector<1x256xf32> to vector<1024x256xf32>
    %add3A_156 = arith.addf %dot_general3A_151, %add3A_155 : vector<1024x256xf32>
    %mul3A_157 = arith.constant 0.999994993 : f32
    %mul3A_158 = vector.broadcast %mul3A_157 : f32 to vector<1024x256xf32>
    %mul3A_159 = arith.mulf %add3A_156, %mul3A_158 : vector<1024x256xf32>
    %max3A = arith.constant 0.000000e+00 : f32
    %max3A_160 = vector.broadcast %max3A : f32 to vector<1024x256xf32>
    %max3A_161 = arith.maximumf %mul3A_159, %max3A_160 : vector<1024x256xf32>
    %get3A_162 = arith.constant 0 : index
    %get3A_163 = arith.constant 0 : index
    %get3A_164 = vector.load %arg7[%get3A_162, %get3A_163] : memref<256x288xf32, #tpu.memory_space<vmem>>, vector<256x288xf32>
    %dot_general3A_165 = arith.constant dense<0.000000e+00> : vector<1024x288xf32>
    %dot_general3A_166 = tpu.matmul %max3A_161, %get3A_164, %dot_general3A_165 {dimension_numbers = #tpu.dot_dimension_numbers<[1], [0], [0], [1], [0, 0, 1, 1], [], []>, transpose_lhs_hint = false} : vector<1024x256xf32>, vector<256x288xf32>, vector<1024x288xf32> -> vector<1024x288xf32>
    %get3A_167 = arith.constant 0 : index
    %get3A_168 = arith.constant 0 : index
    %get3A_169 = vector.load %arg8[%get3A_167, %get3A_168] : memref<1x288xf32, #tpu.memory_space<vmem>>, vector<1x288xf32>
    %add3A_170 = vector.broadcast %get3A_169 : vector<1x288xf32> to vector<1024x288xf32>
    %add3A_171 = arith.addf %dot_general3A_166, %add3A_170 : vector<1024x288xf32>
    %mul3A_172 = arith.constant 0.999994993 : f32
    %mul3A_173 = vector.broadcast %mul3A_172 : f32 to vector<1024x288xf32>
    %mul3A_174 = arith.mulf %add3A_171, %mul3A_173 : vector<1024x288xf32>
    %max3A_175 = arith.constant 0.000000e+00 : f32
    %max3A_176 = vector.broadcast %max3A_175 : f32 to vector<1024x288xf32>
    %max3A_177 = arith.maximumf %mul3A_174, %max3A_176 : vector<1024x288xf32>
    %swap3A = arith.constant 0 : index
    %swap3A_178 = arith.constant 0 : index
    %swap3A_179 = arith.constant 0 : index
    %swap3A_180 = vector.load %arg9[%swap3A, %swap3A_178, %swap3A_179] : memref<1x1024x288xf32, #tpu.memory_space<vmem>>, vector<1x1024x288xf32>
    %swap3A_181 = vector.shape_cast %swap3A_180 : vector<1x1024x288xf32> to vector<1024x288xf32>
    %swap3A_182 = vector.shape_cast %max3A_177 : vector<1024x288xf32> to vector<1x1024x288xf32>
    tpu.vector_store %arg9[%swap3A, %swap3A_178, %swap3A_179], %swap3A_182 {strides = array<i32>} : memref<1x1024x288xf32, #tpu.memory_space<vmem>>, vector<1x1024x288xf32>,
    return
  }
  func.func @transform_0(%arg0: i32) -> (i32, i32, i32) {
    %c0_i32 = arith.constant 0 : i32
    %c0_i32_0 = arith.constant 0 : i32
    %c0_i32_1 = arith.constant 0 : i32
    return %arg0, %c0_i32, %c0_i32_0 : i32, i32, i32
  }
  func.func @transform_1(%arg0: i32) -> (i32, i32, i32) {
    %c0_i32 = arith.constant 0 : i32
    %c0_i32_0 = arith.constant 0 : i32
    %c0_i32_1 = arith.constant 0 : i32
    return %arg0, %c0_i32, %c0_i32_0 : i32, i32, i32
  }
  func.func @transform_2(%arg0: i32) -> (i32, i32, i32) {
    %c0_i32 = arith.constant 0 : i32
    %c0_i32_0 = arith.constant 0 : i32
    %c0_i32_1 = arith.constant 0 : i32
    return %arg0, %c0_i32, %c0_i32_0 : i32, i32, i32
  }
  func.func @transform_3(%arg0: i32) -> (i32, i32, i32) {
    %c0_i32 = arith.constant 0 : i32
    %c0_i32_0 = arith.constant 0 : i32
    %c0_i32_1 = arith.constant 0 : i32
    return %arg0, %c0_i32, %c0_i32_0 : i32, i32, i32
  }
  func.func @transform_4(%arg0: i32) -> (i32, i32) {
    %c0_i32 = arith.constant 0 : i32
    %c0_i32_0 = arith.constant 0 : i32
    %c0_i32_1 = arith.constant 0 : i32
    return %c0_i32, %c0_i32_0 : i32, i32
  }
  func.func @transform_5(%arg0: i32) -> (i32, i32) {
    %c0_i32 = arith.constant 0 : i32
    %c0_i32_0 = arith.constant 0 : i32
    %c0_i32_1 = arith.constant 0 : i32
    return %c0_i32, %c0_i32_0 : i32, i32
  }
  func.func @transform_6(%arg0: i32) -> (i32, i32) {
    %c0_i32 = arith.constant 0 : i32
    %c0_i32_0 = arith.constant 0 : i32
    %c0_i32_1 = arith.constant 0 : i32
    return %c0_i32, %c0_i32_0 : i32, i32
  }
  func.func @transform_7(%arg0: i32) -> (i32, i32) {
    %c0_i32 = arith.constant 0 : i32
    %c0_i32_0 = arith.constant 0 : i32
    %c0_i32_1 = arith.constant 0 : i32
    return %c0_i32, %c0_i32_0 : i32, i32
  }
  func.func @transform_8(%arg0: i32) -> (i32, i32, i32) {
    %c0_i32 = arith.constant 0 : i32
    %c0_i32_0 = arith.constant 0 : i32
    %c0_i32_1 = arith.constant 0 : i32
    return %arg0, %c0_i32, %c0_i32_0 : i32, i32, i32
  }
}

</mosaic_0001>

<sc_bundles>
// kernel: kernel.20.cloned.1.call-start
scs
__scs_entry_jumppad:
0x0: {  	(pc) =	sbr.rel $0x88, $3  }
0x1: {  	(tag) =	ssettag $0x0;
	lr =	simm.s32 $0x1  }
0x2: {  	[smem:$0x3F80] =	sst lr;
	_ =	strace $0xD0000000  }
0x3: {  	_ = 	snop  }
0x4: {  	_ = 	snop  }
0x5: {  	_ = 	snop  }
0x6: {  	_ = 	snop  }
0x7: {  	_ = 	snop  }
__scs_overlays_trampoline_lowered:
0x8: {  	[smem:$0x3F8F] =	sst s0  }
0x9: {  	[smem:$0x3F90] =	sst s1  }
0xa: {  	[smem:$0x3F91] =	sst s2  }
0xb: {  	[smem:$0x3F92] =	sst s3  }
0xc: {  	[smem:$0x3F93] =	sst s4  }
0xd: {  	[smem:$0x3F94] =	sst s5  }
0xe: {  	[smem:$0x3F95] =	sst s6  }
0xf: {  	[smem:$0x3F96] =	sst s7  }
0x10: {  	[smem:$0x3F97] =	sst s8  }
0x11: {  	[smem:$0x3F98] =	sst s9;
	s0 =	simm.s32 @!p0 $0x0  }
0x12: {  	s1 =	sld [smem:$0x3F7E];
	s0 =	simm.s32 @p0 $0x1  }
0x13: {  	[smem:$0x3F99] =	sst s0;
	s0 =	simm.s32 @!p1 $0x0  }
0x14: {  	s2 =	sld [smem:$0x3F7D];
	s0 =	simm.s32 @p1 $0x1  }
0x15: {  	[smem:$0x3F9A] =	sst s0;
	s0 =	simm.s32 @!p2 $0x0  }
0x16: {  	s3 =	sld [smem:$0x3FDB];
	s0 =	simm.s32 @p2 $0x1  }
0x17: {  	s4 =	simm.s32 $0x1BF5;
	[smem:$0x3F9C] =	sst s0  }
0x18: {  	s0 =	sld [smem:$0x3F7F];
	_ =	swait.ge [sflag:s4], $0x0  }
0x19: {  	s7 =	sld [smem:$0x3F80]  }
0x1a: {  	s8 =	sadd.s32 $0xFFFFE003, lr  }
0x1b: {  	s9 =	sadd.s32 $0xFFFFFEF7, lr;
	s5 =	simm.s32 $0xFFFFFFFF;
	p2 =	slt.u32 s8, $0xFFFFF086  }
0x1c: {  	p1 =	slt.u32 s9, $0xF7A;
	s5 =	simm.s32 @!p2 $0x0  }
0x1d: {  	s5 =	simm.s32 @p1 $0x1;
	p0 =	seq.s32 s7, s2  }
0x1e: {  	s7 =	smul.u32 @!p0 $0xF7A, s2;
	p2 =	seq.s32 @!p0 s5, $0x0  }
0x1f: {  	s9 =	smul.u32 $0xF7A, s1;
	s8 =	simm.s32 @!p0 $0x1BF5;
	p2 =	por !p2, p0  }
0x20: {  	[sflag:s8] =	ssyncset.s32 @!p0 $0xFFFFF086;
	s6 =	sadd.s32 @!p0 s3, s7;
	s7 =	simm.s32 @!p0 $0x108  }
0x21: {  	s3 =	sadd.s32 s3, s9;
	s6 =	sadd.s32 @!p0 $0x88, s6;
	s7 =	simm.s32 @p2 $0x1082  }
0x22: {  	[simem:s7], [sflag:s8] =	dma.local @!p0 [hbm:s6], $0xF7A  }
0x23: {  	s9 =	sor.u32 $0xD0000000, s2;
	s6 =	simm.s32 $0x108;
	_ =	swait.ge @!p0 [sflag:s8], $0x0  }
0x24: {  	s3 =	sadd.s32 $0x88, s3;
	s6 =	simm.s32 @!p1 $0x1082;
	[sflag:s4] =	ssyncset.s32 $0xFFFFF086  }
0x25: {  	[simem:s6], [sflag:s4] =	dma.local [hbm:s3], $0xF7A  }
0x26: {  	[smem:$0x3F80] =	sst s1;
	(tag) =	ssettag s2;
	_ =	strace s9  }
0x27: {  	s1 =	sld [smem:$0x3F90]  }
0x28: {  	s2 =	sld [smem:$0x3F91]  }
0x29: {  	s4 =	sld [smem:$0x3F93]  }
0x2a: {  	p0 =	seq.s32 s5, $0x0;
	s5 =	sld [smem:$0x3F94]  }
0x2b: {  	s6 =	sld [smem:$0x3F95]  }
0x2c: {  	s7 =	sld [smem:$0x3F96]  }
0x2d: {  	s3 =	simm.s32 $0x108;
	s8 =	sld [smem:$0x3F97]  }
0x2e: {  	s3 =	simm.s32 @!p0 $0x1082;
	s9 =	sld [smem:$0x3F98]  }
0x2f: {  	lr =	sadd.s32 s0, s3;
	s0 =	sld [smem:$0x3F8F]  }
0x30: {  	s3 =	sld [smem:$0x3F92]  }
0x31: {  	[smem:$0x3F9B] =	sst s10  }
0x32: {  	s10 =	sld [smem:$0x3F99];
	_ =	sdelay $0x3  }
0x33: {  	p0 =	seq.s32 s10, $0x1;
	s10 =	sld [smem:$0x3F9B];
	_ =	sdelay $0x3  }
0x34: {  	[smem:$0x3F9B] =	sst s10  }
0x35: {  	s10 =	sld [smem:$0x3F9A];
	_ =	sdelay $0x3  }
0x36: {  	p1 =	seq.s32 s10, $0x1;
	s10 =	sld [smem:$0x3F9B];
	_ =	sdelay $0x3  }
0x37: {  	[smem:$0x3F9B] =	sst s10  }
0x38: {  	s10 =	sld [smem:$0x3F9C]  }
0x39: {  	_ = 	snop;
	(pc) =	sbr.ind lr, $3  }
0x3a: {  	_ = 	snop  }
0x3b: {  	_ = 	snop  }
0x3c: {  	p2 =	seq.s32 s10, $0x1;
	s10 =	sld [smem:$0x3F9B]  }
0x3d: {  	_ =	shalt  }
0x3e: {  	_ =	shalt  }
0x3f: {  	_ =	shalt  }
0x40: {  	_ =	shalt  }
0x41: {  	_ =	shalt  }
0x42: {  	_ =	shalt  }
0x43: {  	_ =	shalt  }
0x44: {  	_ =	shalt  }
0x45: {  	_ =	shalt  }
0x46: {  	_ =	shalt  }
0x47: {  	_ =	shalt  }
0x48: {  	_ =	shalt  }
0x49: {  	_ =	shalt  }
0x4a: {  	_ =	shalt  }
0x4b: {  	_ =	shalt  }
0x4c: {  	_ =	shalt  }
0x4d: {  	_ =	shalt  }
0x4e: {  	_ =	shalt  }
0x4f: {  	_ =	shalt  }
0x50: {  	_ =	shalt  }
0x51: {  	_ =	shalt  }
0x52: {  	_ =	shalt  }
0x53: {  	_ =	shalt  }
0x54: {  	_ =	shalt  }
0x55: {  	_ =	shalt  }
0x56: {  	_ =	shalt  }
0x57: {  	_ =	shalt  }
0x58: {  	_ =	shalt  }
0x59: {  	_ =	shalt  }
0x5a: {  	_ =	shalt  }
0x5b: {  	_ =	shalt  }
0x5c: {  	_ =	shalt  }
0x5d: {  	_ =	shalt  }
0x5e: {  	_ =	shalt  }
0x5f: {  	_ =	shalt  }
0x60: {  	_ =	shalt  }
0x61: {  	_ =	shalt  }
0x62: {  	_ =	shalt  }
0x63: {  	_ =	shalt  }
0x64: {  	_ =	shalt  }
0x65: {  	_ =	shalt  }
0x66: {  	_ =	shalt  }
0x67: {  	_ =	shalt  }
0x68: {  	_ =	shalt  }
0x69: {  	_ =	shalt  }
0x6a: {  	_ =	shalt  }
0x6b: {  	_ =	shalt  }
0x6c: {  	_ =	shalt  }
0x6d: {  	_ =	shalt  }
0x6e: {  	_ =	shalt  }
0x6f: {  	_ =	shalt  }
0x70: {  	_ =	shalt  }
0x71: {  	_ =	shalt  }
0x72: {  	_ =	shalt  }
0x73: {  	_ =	shalt  }
0x74: {  	_ =	shalt  }
0x75: {  	_ =	shalt  }
0x76: {  	_ =	shalt  }
0x77: {  	_ =	shalt  }
0x78: {  	_ =	shalt  }
0x79: {  	_ =	shalt  }
0x7a: {  	_ =	shalt  }
0x7b: {  	_ =	shalt  }
0x7c: {  	_ =	shalt  }
0x7d: {  	_ =	shalt  }
0x7e: {  	_ =	shalt  }
0x7f: {  	_ =	shalt  }
0x80: {  	_ =	shalt  }
0x81: {  	_ =	shalt  }
0x82: {  	_ =	shalt  }
0x83: {  	_ =	shalt  }
0x84: {  	_ =	shalt  }
0x85: {  	_ =	shalt  }
0x86: {  	_ =	shalt  }
0x87: {  	_ =	shalt  }
.Lfunc_end0:
.L_simem_size_0:
called_computation_lowered:
.L_overlay_start_0:
0x88: {  	s2 =	sld [smem:$0x3FD9]  }
0x89: {  	s3 =	sld [smem:$0x3FFE];
	_ =	sdelay $0x1  }
0x8a: {  	s1 =	srdreg.scid  }
0x8b: {  	s0 =	sand.u32 $0x1, s1  }
0x8c: {  	s14 =	sshll.u32 s0, $0xA;
	s2 =	sadd.s32 s3, s2  }
0x8d: {  	s2 =	sadd.s32 s2, s14  }
0x8e: {  	[smem:$0x3FA7] =	sst s2  }
0x8f: {  	_ = 	snop  }
0x90: {  	s2 =	sld [smem:$0x3FD0];
	_ =	sdelay $0x2  }
0x91: {  	s15 =	simm.s32 $0xA;
	s4 =	simm.s32 $0x10  }
0x92: {  	[smem:s4], [sflag:s15] =	dma.local [hbm:s2], $0x1  }
0x93: {  	_ =	swait.eq [sflag:s15], $0x1  }
0x94: {  	[sflag:s15] =	ssyncset.done $0x0  }
0x95: {  	[sflag:s15] =	ssyncadd.s32 $0xFFFFFFFF  }
0x96: {  	s2 =	sadd.s32 $0x1, s2;
	s5 =	sld [smem:$0x17]  }
0x97: {  	[smem:s4], [sflag:s15] =	dma.local [hbm:s2], $0x1  }
0x98: {  	_ =	swait.eq [sflag:s15], $0x1  }
0x99: {  	[sflag:s15] =	ssyncset.done $0x0  }
0x9a: {  	[sflag:s15] =	ssyncadd.s32 $0xFFFFFFFF  }
0x9b: {  	s16 =	sld [smem:$0x11];
	(tm) =	ssettm $0x1  }
0x9c: {  	s17 =	sld [smem:$0x3FFB];
	_ =	sdelay $0x3  }
0x9d: {  	_ =	strace s17  }
0x9e: {  	s3 =	sld [smem:$0x3FFC];
	_ =	sdelay $0x3  }
0x9f: {  	_ =	strace s3  }
0xa0: {  	s3 =	sld [smem:$0x3FFD];
	_ =	sdelay $0x3  }
0xa1: {  	_ =	strace s3  }
0xa2: {  	_ =	strace $0x8FFFFFFF  }
0xa3: {  	s18 =	sld [smem:$0x3FDB];
	_ =	sdelay $0x1  }
0xa4: {  	s19 =	simm.s32 $_scs_section_size  }
0xa5: {  	s6 =	simm.s32 $_size__tile_overlayer_lowered;
	s7 =	simm.s32 $_tile_overlayer_lowered  }
0xa6: {  	s22 =	simm.s32 $0x1BFF;
	s21 =	sshll.u32 s7, $0x1;
	s3 =	sadd.s32 s19, s18  }
0xa7: {  	s8 =	simm.s32 $0x0;
	s20 =	sshll.u32 s6, $0x1;
	s6 =	sadd.s32 s21, s3  }
0xa8: {  	[timem:s8], [sflag:s22] =	dma.local [hbm:s6], s20  }
0xa9: {  	_ =	swait.ge [sflag:s22], s20  }
0xaa: {  	s4 =	ssub.s32 $0x0, s20;
	[sflag:s22] =	ssyncset.done $0x0  }
0xab: {  	[sflag:s22] =	ssyncadd.s32 s4;
	_ =	sdelay $0x1  }
0xac: {  	s23 =	simm.s32 $0x1B8B  }
0xad: {  	_ =	swait.ge [sflag:s23], $0x1  }
0xae: {  	[sflag:s23] =	ssyncset.done $0x0  }
0xaf: {  	s25 =	simm.s32 $0x1B8E;
	s24 =	sld [smem:$0x3FFE];
	[sflag:s23] =	ssyncadd.s32 $0xFFFFFFFF  }
0xb0: {  	s26 =	simm.s32 $execute0_lowered;
	[smem:$0x3FD2] =	sst s25  }
0xb1: {  	s6 =	sshll.u32 s26, $0x1;
	_ =	strace $0x80000046;
	[dreg:$0x1] =	wrdreg $0xFFFFFFFF  }
0xb2: {  	s28 =	simm.s32 $_size_execute0_lowered;
	s3 =	sadd.s32 s3, s6;
	[dreg:$0x0] =	wrdreg $0x0  }
0xb3: {  	s6 =	sshll.u32 s28, $0x1;
	[dreg:$0x2] =	wrdreg s3  }
0xb4: {  	[dreg:$0x3] =	wrdreg s6  }
0xb5: {  	[dreg:$0x4] =	wrdreg $0xC0  }
0xb6: {  	_ =	task [dreg:s8], $0x5FFFF  }
0xb7: {  	[dreg:$0x1] =	wrdreg $0xFFFFFFFF  }
0xb8: {  	[dreg:$0x0] =	wrdreg $0x60  }
0xb9: {  	[dreg:$0x2] =	wrdreg s16  }
0xba: {  	[dreg:$0x3] =	wrdreg s5  }
0xbb: {  	[dreg:$0x4] =	wrdreg s24  }
0xbc: {  	[dreg:$0x5] =	wrdreg $0x9  }
0xbd: {  	_ =	task.clear_ibuf [dreg:s8], $0x6FFFF;
	_ =	strace $0x90000046  }
0xbe: {  	s29 =	simm.s32 $0x9;
	_ =	strace $0x80000048  }
0xbf: {  	_ =	swait.ge [sflag:s29], $0x1  }
0xc0: {  	[sflag:s29] =	ssyncadd.s32 $0xFFFFFFFF  }
0xc1: {  	_ =	strace $0x90000048  }
0xc2: {  	_ =	sfence  }
0xc3: {  	s30 =	sld [smem:$0x0];
	_ =	sdelay $0x2  }
0xc4: {  	s31 =	sshll.u32 s1, $0xD;
	s1 =	sshrl.u32 s1, $0x2  }
0xc5: {  	s3 =	sand.u32 $0x4000, s31;
	s1 =	sadd.s32 s1, s30  }
0xc6: {  	s0 =	sor.u32 s3, s0;
	s1 =	sshll.u32 s1, $0x11  }
0xc7: {  	s0 =	sor.u32 s1, s0  }
0xc8: {  	s0 =	sadd.s32 $0x8F2B, s0  }
0xc9: {  	[sflag:s0] =	ssyncadd.remote.s32 $0x1  }
0xca: {  	_ =	sfence.sel $0xFFFF  }
0xcb: {  	[dreg:$0x0] =	wrdreg $0xFFFFFFFF;
	(pc) =	sbr.abs _section_cstart, $3  }
0xcc: {  	[dreg:$0x1] =	wrdreg $0xFFFFFFFF  }
0xcd: {  	_ =	task.clear_ibuf [dreg:s8], $0x2FFFF;
	_ =	strace $0x9FFFFFFF  }
0xce: {  	(tm) =	ssettm $0x7FFFFFFF  }
0xcf: {  	_ =	shalt  }
tec
execute0_lowered:
.L_overlay_start_1:
0x0: {  	(tag) =	ssettag $0x1  }
0x1: {  	s1 =	rddreg [dreg:$0x0]  }
0x2: {  	s5 =	rddreg [dreg:$0x1]  }
0x3: {  	s4 =	rddreg [dreg:$0x2];
	s2 =	srdreg.scid  }
0x4: {  	s0 =	rddreg [dreg:$0x3];
	s3 =	simm.s32 $0x0;
	s10 =	simm.s32 $0x0  }
0x5: {  	s6 =	sand.u32 $0x1, s2;
	[smem:$0x7FF] =	sst s3;
	s2 =	stileid.u32  }
0x6: {  	s7 =	ssub.s32 $0x2, s6;
	s8 =	sshll.u32 s2, $0xE;
	s6 =	sshll.u32 s6, $0xD  }
0x7: {  	_ =	strace $0x80000047;
	s9 =	sshrl.u32 s7, $0x1;
	s6 =	sor.u32 s6, s8  }
0x8: {  	s7 =	ssub.s32 s7, s9;
	s8 =	sadd.s32 s6, s4;
	s6 =	sshrl.u32 s6, $0x3  }
0x9: {  	s9 =	simm.s32 $0x1;
	s4 =	smax.u32 s7, $0x1;
	s5 =	sadd.s32 s6, s5  }
0xa: {  	s6 =	sadd.s32 $0x27200, s8;
	s7 =	simm.s32 $0x2;
	s8 =	simm.s32 $0x200  }
.LBB2_1:
0xb: {  	s11 =	sadd.s32 $0x0, s5  }
0xc: {  	[tilespmem:s3], [sflag:$0x2] =	stream.linear.gather [hbm4b:s11+s3], $0x200, $0x38;
	[tilespmem:$0x1200] =	vst v63  }
0xd: {  	_ =	swait.ge [sflag:s7], $0x200  }
0xe: {  	[sflag:s7] =	ssyncset.done $0x0  }
0xf: {  	[sflag:s7] =	ssyncadd.s32 $0xFFFFFE00  }
0x10: {  	[tilespmem:s8], [sflag:$0x1] =	stream.indirect.gather [hbm4b:s1+s8], $0x8, s3, s8, $0xb8;
	[tilespmem:$0x1200] =	vst v63  }
0x11: {  	_ =	swait.ge [sflag:s9], $0x1000  }
0x12: {  	[sflag:s9] =	ssyncset.done $0x0  }
0x13: {  	[sflag:s9] =	ssyncadd.s32 $0xFFFFF000  }
0x14: {  	[hbm4b:s6+s3] =	stream.linear.scatter [tilespmem:s8], [sflag:$0x2], $0x1000, $0x38;
	[tilespmem:$0x1200] =	vst v63  }
0x15: {  	s12 =	simm.s32 $0x40;
	_ =	swait.ge [sflag:s7], $0x1000  }
0x16: {  	s13 =	simm.s32 $0x80;
	s11 =	sadd.s32 $0x200, s6;
	[sflag:s7] =	ssyncset.done $0x0  }
.LBB2_2:
0x17: {  	s14 =	sadd.s32 s12, s5  }
0x18: {  	[sflag:s7] =	ssyncadd.s32 $0xFFFFF000;
	s12 =	smov.u32 s13;
	s15 =	sadd.s32 $0x40, s13  }
0x19: {  	[tilespmem:s3], [sflag:$0x2] =	stream.linear.gather [hbm4b:s14+s3], $0x200, $0x38;
	[tilespmem:$0x1200] =	vst v63  }
0x1a: {  	p0 =	sne.s32 s13, $0x3C0;
	_ =	swait.ge [sflag:s7], $0x200  }
0x1b: {  	[sflag:s7] =	ssyncset.done $0x0  }
0x1c: {  	[sflag:s7] =	ssyncadd.s32 $0xFFFFFE00  }
0x1d: {  	[tilespmem:s8], [sflag:$0x1] =	stream.indirect.gather [hbm4b:s1+s8], $0x8, s3, s8, $0xb8;
	[tilespmem:$0x1200] =	vst v63  }
0x1e: {  	_ =	swait.ge [sflag:s9], $0x1000  }
.Ltmp0:
0x1f: {  	[sflag:s9] =	ssyncset.done $0x0;
	(pc) =	sbr.rel @p0 .LBB2_2-.Ltmp0, $4  }
0x20: {  	[sflag:s9] =	ssyncadd.s32 $0xFFFFF000  }
0x21: {  	[hbm4b:s11+s3] =	stream.linear.scatter [tilespmem:s8], [sflag:$0x2], $0x1000, $0x38;
	[tilespmem:$0x1200] =	vst v63  }
0x22: {  	_ =	swait.ge [sflag:s7], $0x1000  }
0x23: {  	s13 =	smov.u32 s15;
	s11 =	sadd.s32 $0x200, s11;
	[sflag:s7] =	ssyncset.done $0x0  }
0x24: {  	s12 =	sadd.s32 s12, s5;
	[sflag:s7] =	ssyncadd.s32 $0xFFFFF000  }
0x25: {  	[tilespmem:s3], [sflag:$0x2] =	stream.linear.gather [hbm4b:s12+s3], $0x200, $0x38;
	[tilespmem:$0x1200] =	vst v63  }
0x26: {  	_ =	swait.ge [sflag:s7], $0x200  }
0x27: {  	[sflag:s7] =	ssyncset.done $0x0  }
0x28: {  	[sflag:s7] =	ssyncadd.s32 $0xFFFFFE00  }
0x29: {  	[tilespmem:s8], [sflag:$0x1] =	stream.indirect.gather [hbm4b:s1+s8], $0x8, s3, s8, $0xb8;
	[tilespmem:$0x1200] =	vst v63  }
0x2a: {  	s10 =	sadd.s32 $0x1, s10;
	_ =	swait.ge [sflag:s9], $0x1000  }
0x2b: {  	p0 =	sne.s32 s10, s4;
	[sflag:s9] =	ssyncset.done $0x0  }
.Ltmp1:
0x2c: {  	[sflag:s9] =	ssyncadd.s32 $0xFFFFF000;
	(pc) =	sbr.rel @p0 .LBB2_1-.Ltmp1, $4  }
0x2d: {  	[hbm4b:s11+s3] =	stream.linear.scatter [tilespmem:s8], [sflag:$0x2], $0x1000, $0x38;
	[tilespmem:$0x1200] =	vst v63  }
0x2e: {  	_ =	swait.ge [sflag:s7], $0x1000  }
0x2f: {  	[sflag:s7] =	ssyncset.done $0x0  }
0x30: {  	[sflag:s7] =	ssyncadd.s32 $0xFFFFF000  }
0x31: {  	_ =	sfence.sel $0x180000  }
0x32: {  	[bflag:$0x0] =	sbarrier.arrive $0xFFFF  }
0x33: {  	p0 =	sne.s32 s2, $0x0;
	_ =	strace $0x90000047  }
0x34: {  	s0 =	sadd.s32 @!p0 $0x100000, s0;
	[bflag:$0x2] =	sbarrier.arrive $0xFFFF  }
0x35: {  	[sflag:s0] =	ssyncadd.tile.s32 @!p0 $0x1;
	_ =	shalt  }
.Lfunc_end2:
_tile_overlayer_lowered:
.L_overlay_start_2:
0x36: {  	(tag) =	ssettag $0x2  }
0x37: {  	s0 =	rddreg [dreg:$0x0];
	s2 =	stileid.u32  }
0x38: {  	s1 =	rddreg [dreg:$0x1];
	p0 =	sne.s32 s2, $0x0  }
0x39: {  	s3 =	rddreg [dreg:$0x2];
	[bflag:$0x3] =	sbarrier.arrive $0xFFFF;
	s2 =	simm.s32 @!p0 $0x1C02  }
0x3a: {  	[timem:s3], [sflag:s2] =	dma.local @!p0 [hbm:s0], s1  }
0x3b: {  	s0 =	simm.s32 @!p0 $0x2  }
0x3c: {  	_ =	swait.ge @!p0 [sflag:s0], s1  }
0x3d: {  	s1 =	ssub.s32 @!p0 $0x0, s1;
	[sflag:s0] =	ssyncset.done @!p0 $0x0  }
0x3e: {  	[sflag:s0] =	ssyncadd.s32 @!p0 s1  }
0x3f: {  	[bflag:$0x3] =	sbarrier.arrive $0xFFFF  }
0x40: {  	_ =	shalt  }

// kernel: kernel.23.cloned.1.call-start
scs
__scs_entry_jumppad:
0x0: {  	(pc) =	sbr.rel $0x88, $3  }
0x1: {  	(tag) =	ssettag $0x0;
	lr =	simm.s32 $0x1  }
0x2: {  	[smem:$0x3F80] =	sst lr;
	_ =	strace $0xD0000000  }
0x3: {  	_ = 	snop  }
0x4: {  	_ = 	snop  }
0x5: {  	_ = 	snop  }
0x6: {  	_ = 	snop  }
0x7: {  	_ = 	snop  }
__scs_overlays_trampoline_lowered:
0x8: {  	[smem:$0x3F8F] =	sst s0  }
0x9: {  	[smem:$0x3F90] =	sst s1  }
0xa: {  	[smem:$0x3F91] =	sst s2  }
0xb: {  	[smem:$0x3F92] =	sst s3  }
0xc: {  	[smem:$0x3F93] =	sst s4  }
0xd: {  	[smem:$0x3F94] =	sst s5  }
0xe: {  	[smem:$0x3F95] =	sst s6  }
0xf: {  	[smem:$0x3F96] =	sst s7  }
0x10: {  	[smem:$0x3F97] =	sst s8  }
0x11: {  	[smem:$0x3F98] =	sst s9;
	s0 =	simm.s32 @!p0 $0x0  }
0x12: {  	s1 =	sld [smem:$0x3F7E];
	s0 =	simm.s32 @p0 $0x1  }
0x13: {  	[smem:$0x3F99] =	sst s0;
	s0 =	simm.s32 @!p1 $0x0  }
0x14: {  	s2 =	sld [smem:$0x3F7D];
	s0 =	simm.s32 @p1 $0x1  }
0x15: {  	[smem:$0x3F9A] =	sst s0;
	s0 =	simm.s32 @!p2 $0x0  }
0x16: {  	s3 =	sld [smem:$0x3FDB];
	s0 =	simm.s32 @p2 $0x1  }
0x17: {  	s4 =	simm.s32 $0x1BF5;
	[smem:$0x3F9C] =	sst s0  }
0x18: {  	s0 =	sld [smem:$0x3F7F];
	_ =	swait.ge [sflag:s4], $0x0  }
0x19: {  	s7 =	sld [smem:$0x3F80]  }
0x1a: {  	s8 =	sadd.s32 $0xFFFFE003, lr  }
0x1b: {  	s9 =	sadd.s32 $0xFFFFFEF7, lr;
	s5 =	simm.s32 $0xFFFFFFFF;
	p2 =	slt.u32 s8, $0xFFFFF086  }
0x1c: {  	p1 =	slt.u32 s9, $0xF7A;
	s5 =	simm.s32 @!p2 $0x0  }
0x1d: {  	s5 =	simm.s32 @p1 $0x1;
	p0 =	seq.s32 s7, s2  }
0x1e: {  	s7 =	smul.u32 @!p0 $0xF7A, s2;
	p2 =	seq.s32 @!p0 s5, $0x0  }
0x1f: {  	s9 =	smul.u32 $0xF7A, s1;
	s8 =	simm.s32 @!p0 $0x1BF5;
	p2 =	por !p2, p0  }
0x20: {  	[sflag:s8] =	ssyncset.s32 @!p0 $0xFFFFF086;
	s6 =	sadd.s32 @!p0 s3, s7;
	s7 =	simm.s32 @!p0 $0x108  }
0x21: {  	s3 =	sadd.s32 s3, s9;
	s6 =	sadd.s32 @!p0 $0x88, s6;
	s7 =	simm.s32 @p2 $0x1082  }
0x22: {  	[simem:s7], [sflag:s8] =	dma.local @!p0 [hbm:s6], $0xF7A  }
0x23: {  	s9 =	sor.u32 $0xD0000000, s2;
	s6 =	simm.s32 $0x108;
	_ =	swait.ge @!p0 [sflag:s8], $0x0  }
0x24: {  	s3 =	sadd.s32 $0x88, s3;
	s6 =	simm.s32 @!p1 $0x1082;
	[sflag:s4] =	ssyncset.s32 $0xFFFFF086  }
0x25: {  	[simem:s6], [sflag:s4] =	dma.local [hbm:s3], $0xF7A  }
0x26: {  	[smem:$0x3F80] =	sst s1;
	(tag) =	ssettag s2;
	_ =	strace s9  }
0x27: {  	s1 =	sld [smem:$0x3F90]  }
0x28: {  	s2 =	sld [smem:$0x3F91]  }
0x29: {  	s4 =	sld [smem:$0x3F93]  }
0x2a: {  	p0 =	seq.s32 s5, $0x0;
	s5 =	sld [smem:$0x3F94]  }
0x2b: {  	s6 =	sld [smem:$0x3F95]  }
0x2c: {  	s7 =	sld [smem:$0x3F96]  }
0x2d: {  	s3 =	simm.s32 $0x108;
	s8 =	sld [smem:$0x3F97]  }
0x2e: {  	s3 =	simm.s32 @!p0 $0x1082;
	s9 =	sld [smem:$0x3F98]  }
0x2f: {  	lr =	sadd.s32 s0, s3;
	s0 =	sld [smem:$0x3F8F]  }
0x30: {  	s3 =	sld [smem:$0x3F92]  }
0x31: {  	[smem:$0x3F9B] =	sst s10  }
0x32: {  	s10 =	sld [smem:$0x3F99];
	_ =	sdelay $0x3  }
0x33: {  	p0 =	seq.s32 s10, $0x1;
	s10 =	sld [smem:$0x3F9B];
	_ =	sdelay $0x3  }
0x34: {  	[smem:$0x3F9B] =	sst s10  }
0x35: {  	s10 =	sld [smem:$0x3F9A];
	_ =	sdelay $0x3  }
0x36: {  	p1 =	seq.s32 s10, $0x1;
	s10 =	sld [smem:$0x3F9B];
	_ =	sdelay $0x3  }
0x37: {  	[smem:$0x3F9B] =	sst s10  }
0x38: {  	s10 =	sld [smem:$0x3F9C]  }
0x39: {  	_ = 	snop;
	(pc) =	sbr.ind lr, $3  }
0x3a: {  	_ = 	snop  }
0x3b: {  	_ = 	snop  }
0x3c: {  	p2 =	seq.s32 s10, $0x1;
	s10 =	sld [smem:$0x3F9B]  }
0x3d: {  	_ =	shalt  }
0x3e: {  	_ =	shalt  }
0x3f: {  	_ =	shalt  }
0x40: {  	_ =	shalt  }
0x41: {  	_ =	shalt  }
0x42: {  	_ =	shalt  }
0x43: {  	_ =	shalt  }
0x44: {  	_ =	shalt  }
0x45: {  	_ =	shalt  }
0x46: {  	_ =	shalt  }
0x47: {  	_ =	shalt  }
0x48: {  	_ =	shalt  }
0x49: {  	_ =	shalt  }
0x4a: {  	_ =	shalt  }
0x4b: {  	_ =	shalt  }
0x4c: {  	_ =	shalt  }
0x4d: {  	_ =	shalt  }
0x4e: {  	_ =	shalt  }
0x4f: {  	_ =	shalt  }
0x50: {  	_ =	shalt  }
0x51: {  	_ =	shalt  }
0x52: {  	_ =	shalt  }
0x53: {  	_ =	shalt  }
0x54: {  	_ =	shalt  }
0x55: {  	_ =	shalt  }
0x56: {  	_ =	shalt  }
0x57: {  	_ =	shalt  }
0x58: {  	_ =	shalt  }
0x59: {  	_ =	shalt  }
0x5a: {  	_ =	shalt  }
0x5b: {  	_ =	shalt  }
0x5c: {  	_ =	shalt  }
0x5d: {  	_ =	shalt  }
0x5e: {  	_ =	shalt  }
0x5f: {  	_ =	shalt  }
0x60: {  	_ =	shalt  }
0x61: {  	_ =	shalt  }
0x62: {  	_ =	shalt  }
0x63: {  	_ =	shalt  }
0x64: {  	_ =	shalt  }
0x65: {  	_ =	shalt  }
0x66: {  	_ =	shalt  }
0x67: {  	_ =	shalt  }
0x68: {  	_ =	shalt  }
0x69: {  	_ =	shalt  }
0x6a: {  	_ =	shalt  }
0x6b: {  	_ =	shalt  }
0x6c: {  	_ =	shalt  }
0x6d: {  	_ =	shalt  }
0x6e: {  	_ =	shalt  }
0x6f: {  	_ =	shalt  }
0x70: {  	_ =	shalt  }
0x71: {  	_ =	shalt  }
0x72: {  	_ =	shalt  }
0x73: {  	_ =	shalt  }
0x74: {  	_ =	shalt  }
0x75: {  	_ =	shalt  }
0x76: {  	_ =	shalt  }
0x77: {  	_ =	shalt  }
0x78: {  	_ =	shalt  }
0x79: {  	_ =	shalt  }
0x7a: {  	_ =	shalt  }
0x7b: {  	_ =	shalt  }
0x7c: {  	_ =	shalt  }
0x7d: {  	_ =	shalt  }
0x7e: {  	_ =	shalt  }
0x7f: {  	_ =	shalt  }
0x80: {  	_ =	shalt  }
0x81: {  	_ =	shalt  }
0x82: {  	_ =	shalt  }
0x83: {  	_ =	shalt  }
0x84: {  	_ =	shalt  }
0x85: {  	_ =	shalt  }
0x86: {  	_ =	shalt  }
0x87: {  	_ =	shalt  }
.Lfunc_end0:
.L_simem_size_0:
called_computation.1_lowered:
.L_overlay_start_0:
0x88: {  	s2 =	sld [smem:$0x3FD9]  }
0x89: {  	s3 =	sld [smem:$0x3FFE];
	_ =	sdelay $0x1  }
0x8a: {  	s1 =	srdreg.scid  }
0x8b: {  	s0 =	sand.u32 $0x1, s1  }
0x8c: {  	s14 =	sshll.u32 s0, $0xA;
	s2 =	sadd.s32 s3, s2  }
0x8d: {  	s2 =	sadd.s32 s2, s14  }
0x8e: {  	[smem:$0x3FA7] =	sst s2  }
0x8f: {  	_ = 	snop  }
0x90: {  	s2 =	sld [smem:$0x3FD0];
	_ =	sdelay $0x3  }
0x91: {  	s15 =	simm.s32 $0xA;
	s4 =	simm.s32 $0x10;
	s2 =	sadd.s32 $0x1, s2  }
0x92: {  	[smem:s4], [sflag:s15] =	dma.local [hbm:s2], $0x1  }
0x93: {  	_ =	swait.eq [sflag:s15], $0x1  }
0x94: {  	[sflag:s15] =	ssyncset.done $0x0  }
0x95: {  	[sflag:s15] =	ssyncadd.s32 $0xFFFFFFFF  }
0x96: {  	s16 =	sld [smem:$0x12];
	(tm) =	ssettm $0x1  }
0x97: {  	s17 =	sld [smem:$0x3FFB];
	_ =	sdelay $0x3  }
0x98: {  	_ =	strace s17  }
0x99: {  	s3 =	sld [smem:$0x3FFC];
	_ =	sdelay $0x3  }
0x9a: {  	_ =	strace s3  }
0x9b: {  	s3 =	sld [smem:$0x3FFD];
	_ =	sdelay $0x3  }
0x9c: {  	_ =	strace s3  }
0x9d: {  	_ =	strace $0x8FFFFFFF  }
0x9e: {  	s18 =	sld [smem:$0x3FDB];
	_ =	sdelay $0x1  }
0x9f: {  	s19 =	simm.s32 $_scs_section_size  }
0xa0: {  	s5 =	simm.s32 $_size__tile_overlayer_lowered;
	s6 =	simm.s32 $_tile_overlayer_lowered  }
0xa1: {  	s22 =	simm.s32 $0x1BFF;
	s21 =	sshll.u32 s6, $0x1;
	s3 =	sadd.s32 s19, s18  }
0xa2: {  	s7 =	simm.s32 $0x0;
	s20 =	sshll.u32 s5, $0x1;
	s5 =	sadd.s32 s21, s3  }
0xa3: {  	[timem:s7], [sflag:s22] =	dma.local [hbm:s5], s20  }
0xa4: {  	_ =	swait.ge [sflag:s22], s20  }
0xa5: {  	s4 =	ssub.s32 $0x0, s20;
	[sflag:s22] =	ssyncset.done $0x0  }
0xa6: {  	[sflag:s22] =	ssyncadd.s32 s4;
	_ =	sdelay $0x1  }
0xa7: {  	s23 =	simm.s32 $0x1B8B  }
0xa8: {  	_ =	swait.ge [sflag:s23], $0x1  }
0xa9: {  	[sflag:s23] =	ssyncset.done $0x0  }
0xaa: {  	s25 =	simm.s32 $0x1B8E;
	s24 =	sld [smem:$0x3FFE];
	[sflag:s23] =	ssyncadd.s32 $0xFFFFFFFF  }
0xab: {  	s26 =	simm.s32 $execute0_lowered;
	[smem:$0x3FD2] =	sst s25  }
0xac: {  	s5 =	sshll.u32 s26, $0x1;
	_ =	strace $0x80000049;
	[dreg:$0x1] =	wrdreg $0xFFFFFFFF  }
0xad: {  	s28 =	simm.s32 $_size_execute0_lowered;
	s3 =	sadd.s32 s3, s5;
	[dreg:$0x0] =	wrdreg $0x0  }
0xae: {  	s5 =	sshll.u32 s28, $0x1;
	[dreg:$0x2] =	wrdreg s3  }
0xaf: {  	[dreg:$0x3] =	wrdreg s5  }
0xb0: {  	[dreg:$0x4] =	wrdreg $0xC0  }
0xb1: {  	_ =	task [dreg:s7], $0x5FFFF  }
0xb2: {  	[dreg:$0x1] =	wrdreg $0xFFFFFFFF  }
0xb3: {  	[dreg:$0x0] =	wrdreg $0x60  }
0xb4: {  	[dreg:$0x2] =	wrdreg s16  }
0xb5: {  	[dreg:$0x3] =	wrdreg s24  }
0xb6: {  	[dreg:$0x4] =	wrdreg $0x9  }
0xb7: {  	_ =	task.clear_ibuf [dreg:s7], $0x5FFFF;
	_ =	strace $0x90000049  }
0xb8: {  	s29 =	simm.s32 $0x9;
	_ =	strace $0x8000004B  }
0xb9: {  	_ =	swait.ge [sflag:s29], $0x1  }
0xba: {  	[sflag:s29] =	ssyncadd.s32 $0xFFFFFFFF  }
0xbb: {  	_ =	strace $0x9000004B  }
0xbc: {  	_ =	sfence  }
0xbd: {  	s30 =	sld [smem:$0x0];
	_ =	sdelay $0x2  }
0xbe: {  	s31 =	sshll.u32 s1, $0xD;
	s1 =	sshrl.u32 s1, $0x2  }
0xbf: {  	s3 =	sand.u32 $0x4000, s31;
	s1 =	sadd.s32 s1, s30  }
0xc0: {  	s0 =	sor.u32 s3, s0;
	s1 =	sshll.u32 s1, $0x11  }
0xc1: {  	s0 =	sor.u32 s1, s0  }
0xc2: {  	s0 =	sadd.s32 $0x8F2B, s0  }
0xc3: {  	[sflag:s0] =	ssyncadd.remote.s32 $0x1  }
0xc4: {  	_ =	sfence.sel $0xFFFF  }
0xc5: {  	[dreg:$0x0] =	wrdreg $0xFFFFFFFF;
	(pc) =	sbr.abs _section_cstart, $3  }
0xc6: {  	[dreg:$0x1] =	wrdreg $0xFFFFFFFF  }
0xc7: {  	_ =	task.clear_ibuf [dreg:s7], $0x2FFFF;
	_ =	strace $0x9FFFFFFF  }
0xc8: {  	(tm) =	ssettm $0x7FFFFFFF  }
0xc9: {  	_ =	shalt  }
tec
execute0_lowered:
.L_overlay_start_1:
0x0: {  	(tag) =	ssettag $0x1  }
0x1: {  	s1 =	rddreg [dreg:$0x0]  }
0x2: {  	s4 =	rddreg [dreg:$0x1]  }
0x3: {  	s0 =	rddreg [dreg:$0x2];
	s3 =	simm.s32 $0x0  }
0x4: {  	s5 =	srdreg.scid;
	s2 =	stileid.u32;
	s10 =	simm.s32 $0x0  }
0x5: {  	[smem:$0x7FF] =	sst s3;
	s5 =	sand.u32 $0x1, s5;
	s6 =	sshll.u32 s2, $0xC  }
0x6: {  	s8 =	smul.u32 $0x11000, s2;
	_ =	strace $0x8000004A;
	s7 =	sshll.u32 s5, $0xB  }
0x7: {  	s9 =	ssub.s32 $0x2, s5;
	s5 =	smul.u32 $0x8800, s5;
	s6 =	sor.u32 s7, s6  }
0x8: {  	s30 =	sshrl.u32 s9, $0x1;
	s8 =	sadd.s32 s8, s4;
	s6 =	sshrl.u32 s6, $0x3  }
0x9: {  	s7 =	ssub.s32 s9, s30;
	s31 =	sadd.s32 s5, s8;
	s8 =	simm.s32 $0x80  }
0xa: {  	s9 =	simm.s32 $0x1;
	s6 =	sadd.s32 s6, s4;
	s4 =	smax.u32 s7, $0x1  }
0xb: {  	s7 =	simm.s32 $0x2;
	s5 =	sadd.s32 $0x6F200, s6;
	s6 =	sadd.s32 $0x71200, s31  }
.LBB2_1:
0xc: {  	s11 =	sadd.s32 $0x0, s5  }
0xd: {  	[tilespmem:s3], [sflag:$0x2] =	stream.linear.gather [hbm4b:s11+s3], $0x80, $0x38;
	[tilespmem:$0x4480] =	vst v63  }
0xe: {  	_ =	swait.ge [sflag:s7], $0x80  }
0xf: {  	[sflag:s7] =	ssyncset.done $0x0  }
0x10: {  	[sflag:s7] =	ssyncadd.s32 $0xFFFFFF80  }
0x11: {  	[tilespmem:s8], [sflag:$0x1] =	stream.indirect.gather [hbm4b:s1+s8], $0x88, s3, s8, $0xb8;
	[tilespmem:$0x4480] =	vst v63  }
0x12: {  	_ =	swait.ge [sflag:s9], $0x4400  }
0x13: {  	[sflag:s9] =	ssyncset.done $0x0  }
0x14: {  	[sflag:s9] =	ssyncadd.s32 $0xFFFFBC00  }
0x15: {  	[hbm4b:s6+s3] =	stream.linear.scatter [tilespmem:s8], [sflag:$0x2], $0x4400, $0x38;
	[tilespmem:$0x4480] =	vst v63  }
0x16: {  	s12 =	simm.s32 $0x10;
	_ =	swait.ge [sflag:s7], $0x4400  }
0x17: {  	s13 =	simm.s32 $0x20;
	s11 =	sadd.s32 $0x880, s6;
	[sflag:s7] =	ssyncset.done $0x0  }
.LBB2_2:
0x18: {  	s14 =	sadd.s32 s12, s5  }
0x19: {  	[sflag:s7] =	ssyncadd.s32 $0xFFFFBC00;
	s12 =	smov.u32 s13;
	s15 =	sadd.s32 $0x10, s13  }
0x1a: {  	[tilespmem:s3], [sflag:$0x2] =	stream.linear.gather [hbm4b:s14+s3], $0x80, $0x38;
	[tilespmem:$0x4480] =	vst v63  }
0x1b: {  	p0 =	sne.s32 s13, $0xF0;
	_ =	swait.ge [sflag:s7], $0x80  }
0x1c: {  	[sflag:s7] =	ssyncset.done $0x0  }
0x1d: {  	[sflag:s7] =	ssyncadd.s32 $0xFFFFFF80  }
0x1e: {  	[tilespmem:s8], [sflag:$0x1] =	stream.indirect.gather [hbm4b:s1+s8], $0x88, s3, s8, $0xb8;
	[tilespmem:$0x4480] =	vst v63  }
0x1f: {  	_ =	swait.ge [sflag:s9], $0x4400  }
.Ltmp0:
0x20: {  	[sflag:s9] =	ssyncset.done $0x0;
	(pc) =	sbr.rel @p0 .LBB2_2-.Ltmp0, $4  }
0x21: {  	[sflag:s9] =	ssyncadd.s32 $0xFFFFBC00  }
0x22: {  	[hbm4b:s11+s3] =	stream.linear.scatter [tilespmem:s8], [sflag:$0x2], $0x4400, $0x38;
	[tilespmem:$0x4480] =	vst v63  }
0x23: {  	_ =	swait.ge [sflag:s7], $0x4400  }
0x24: {  	s13 =	smov.u32 s15;
	s11 =	sadd.s32 $0x880, s11;
	[sflag:s7] =	ssyncset.done $0x0  }
0x25: {  	s12 =	sadd.s32 s12, s5;
	[sflag:s7] =	ssyncadd.s32 $0xFFFFBC00  }
0x26: {  	[tilespmem:s3], [sflag:$0x2] =	stream.linear.gather [hbm4b:s12+s3], $0x80, $0x38;
	[tilespmem:$0x4480] =	vst v63  }
0x27: {  	_ =	swait.ge [sflag:s7], $0x80  }
0x28: {  	[sflag:s7] =	ssyncset.done $0x0  }
0x29: {  	[sflag:s7] =	ssyncadd.s32 $0xFFFFFF80  }
0x2a: {  	[tilespmem:s8], [sflag:$0x1] =	stream.indirect.gather [hbm4b:s1+s8], $0x88, s3, s8, $0xb8;
	[tilespmem:$0x4480] =	vst v63  }
0x2b: {  	s10 =	sadd.s32 $0x1, s10;
	_ =	swait.ge [sflag:s9], $0x4400  }
0x2c: {  	p0 =	sne.s32 s10, s4;
	[sflag:s9] =	ssyncset.done $0x0  }
.Ltmp1:
0x2d: {  	[sflag:s9] =	ssyncadd.s32 $0xFFFFBC00;
	(pc) =	sbr.rel @p0 .LBB2_1-.Ltmp1, $4  }
0x2e: {  	[hbm4b:s11+s3] =	stream.linear.scatter [tilespmem:s8], [sflag:$0x2], $0x4400, $0x38;
	[tilespmem:$0x4480] =	vst v63  }
0x2f: {  	_ =	swait.ge [sflag:s7], $0x4400  }
0x30: {  	[sflag:s7] =	ssyncset.done $0x0  }
0x31: {  	[sflag:s7] =	ssyncadd.s32 $0xFFFFBC00  }
0x32: {  	_ =	sfence.sel $0x180000  }
0x33: {  	[bflag:$0x0] =	sbarrier.arrive $0xFFFF  }
0x34: {  	p0 =	sne.s32 s2, $0x0;
	_ =	strace $0x9000004A  }
0x35: {  	s0 =	sadd.s32 @!p0 $0x100000, s0;
	[bflag:$0x2] =	sbarrier.arrive $0xFFFF  }
0x36: {  	[sflag:s0] =	ssyncadd.tile.s32 @!p0 $0x1;
	_ =	shalt  }
.Lfunc_end2:
_tile_overlayer_lowered:
.L_overlay_start_2:
0x37: {  	(tag) =	ssettag $0x2  }
0x38: {  	s0 =	rddreg [dreg:$0x0];
	s2 =	stileid.u32  }
0x39: {  	s1 =	rddreg [dreg:$0x1];
	p0 =	sne.s32 s2, $0x0  }
0x3a: {  	s3 =	rddreg [dreg:$0x2];
	[bflag:$0x3] =	sbarrier.arrive $0xFFFF;
	s2 =	simm.s32 @!p0 $0x1C02  }
0x3b: {  	[timem:s3], [sflag:s2] =	dma.local @!p0 [hbm:s0], s1  }
0x3c: {  	s0 =	simm.s32 @!p0 $0x2  }
0x3d: {  	_ =	swait.ge @!p0 [sflag:s0], s1  }
0x3e: {  	s1 =	ssub.s32 @!p0 $0x0, s1;
	[sflag:s0] =	ssyncset.done @!p0 $0x0  }
0x3f: {  	[sflag:s0] =	ssyncadd.s32 @!p0 s1  }
0x40: {  	[bflag:$0x3] =	sbarrier.arrive $0xFFFF  }
0x41: {  	_ =	shalt  }

// kernel: kernel.26.cloned.1.call-start
scs
__scs_entry_jumppad:
0x0: {  	(pc) =	sbr.rel $0x88, $3  }
0x1: {  	(tag) =	ssettag $0x0;
	lr =	simm.s32 $0x1  }
0x2: {  	[smem:$0x3F80] =	sst lr;
	_ =	strace $0xD0000000  }
0x3: {  	_ = 	snop  }
0x4: {  	_ = 	snop  }
0x5: {  	_ = 	snop  }
0x6: {  	_ = 	snop  }
0x7: {  	_ = 	snop  }
__scs_overlays_trampoline_lowered:
0x8: {  	[smem:$0x3F8F] =	sst s0  }
0x9: {  	[smem:$0x3F90] =	sst s1  }
0xa: {  	[smem:$0x3F91] =	sst s2  }
0xb: {  	[smem:$0x3F92] =	sst s3  }
0xc: {  	[smem:$0x3F93] =	sst s4  }
0xd: {  	[smem:$0x3F94] =	sst s5  }
0xe: {  	[smem:$0x3F95] =	sst s6  }
0xf: {  	[smem:$0x3F96] =	sst s7  }
0x10: {  	[smem:$0x3F97] =	sst s8  }
0x11: {  	[smem:$0x3F98] =	sst s9;
	s0 =	simm.s32 @!p0 $0x0  }
0x12: {  	s1 =	sld [smem:$0x3F7E];
	s0 =	simm.s32 @p0 $0x1  }
0x13: {  	[smem:$0x3F99] =	sst s0;
	s0 =	simm.s32 @!p1 $0x0  }
0x14: {  	s2 =	sld [smem:$0x3F7D];
	s0 =	simm.s32 @p1 $0x1  }
0x15: {  	[smem:$0x3F9A] =	sst s0;
	s0 =	simm.s32 @!p2 $0x0  }
0x16: {  	s3 =	sld [smem:$0x3FDB];
	s0 =	simm.s32 @p2 $0x1  }
0x17: {  	s4 =	simm.s32 $0x1BF5;
	[smem:$0x3F9C] =	sst s0  }
0x18: {  	s0 =	sld [smem:$0x3F7F];
	_ =	swait.ge [sflag:s4], $0x0  }
0x19: {  	s7 =	sld [smem:$0x3F80]  }
0x1a: {  	s8 =	sadd.s32 $0xFFFFE003, lr  }
0x1b: {  	s9 =	sadd.s32 $0xFFFFFEF7, lr;
	s5 =	simm.s32 $0xFFFFFFFF;
	p2 =	slt.u32 s8, $0xFFFFF086  }
0x1c: {  	p1 =	slt.u32 s9, $0xF7A;
	s5 =	simm.s32 @!p2 $0x0  }
0x1d: {  	s5 =	simm.s32 @p1 $0x1;
	p0 =	seq.s32 s7, s2  }
0x1e: {  	s7 =	smul.u32 @!p0 $0xF7A, s2;
	p2 =	seq.s32 @!p0 s5, $0x0  }
0x1f: {  	s9 =	smul.u32 $0xF7A, s1;
	s8 =	simm.s32 @!p0 $0x1BF5;
	p2 =	por !p2, p0  }
0x20: {  	[sflag:s8] =	ssyncset.s32 @!p0 $0xFFFFF086;
	s6 =	sadd.s32 @!p0 s3, s7;
	s7 =	simm.s32 @!p0 $0x108  }
0x21: {  	s3 =	sadd.s32 s3, s9;
	s6 =	sadd.s32 @!p0 $0x88, s6;
	s7 =	simm.s32 @p2 $0x1082  }
0x22: {  	[simem:s7], [sflag:s8] =	dma.local @!p0 [hbm:s6], $0xF7A  }
0x23: {  	s9 =	sor.u32 $0xD0000000, s2;
	s6 =	simm.s32 $0x108;
	_ =	swait.ge @!p0 [sflag:s8], $0x0  }
0x24: {  	s3 =	sadd.s32 $0x88, s3;
	s6 =	simm.s32 @!p1 $0x1082;
	[sflag:s4] =	ssyncset.s32 $0xFFFFF086  }
0x25: {  	[simem:s6], [sflag:s4] =	dma.local [hbm:s3], $0xF7A  }
0x26: {  	[smem:$0x3F80] =	sst s1;
	(tag) =	ssettag s2;
	_ =	strace s9  }
0x27: {  	s1 =	sld [smem:$0x3F90]  }
0x28: {  	s2 =	sld [smem:$0x3F91]  }
0x29: {  	s4 =	sld [smem:$0x3F93]  }
0x2a: {  	p0 =	seq.s32 s5, $0x0;
	s5 =	sld [smem:$0x3F94]  }
0x2b: {  	s6 =	sld [smem:$0x3F95]  }
0x2c: {  	s7 =	sld [smem:$0x3F96]  }
0x2d: {  	s3 =	simm.s32 $0x108;
	s8 =	sld [smem:$0x3F97]  }
0x2e: {  	s3 =	simm.s32 @!p0 $0x1082;
	s9 =	sld [smem:$0x3F98]  }
0x2f: {  	lr =	sadd.s32 s0, s3;
	s0 =	sld [smem:$0x3F8F]  }
0x30: {  	s3 =	sld [smem:$0x3F92]  }
0x31: {  	[smem:$0x3F9B] =	sst s10  }
0x32: {  	s10 =	sld [smem:$0x3F99];
	_ =	sdelay $0x3  }
0x33: {  	p0 =	seq.s32 s10, $0x1;
	s10 =	sld [smem:$0x3F9B];
	_ =	sdelay $0x3  }
0x34: {  	[smem:$0x3F9B] =	sst s10  }
0x35: {  	s10 =	sld [smem:$0x3F9A];
	_ =	sdelay $0x3  }
0x36: {  	p1 =	seq.s32 s10, $0x1;
	s10 =	sld [smem:$0x3F9B];
	_ =	sdelay $0x3  }
0x37: {  	[smem:$0x3F9B] =	sst s10  }
0x38: {  	s10 =	sld [smem:$0x3F9C]  }
0x39: {  	_ = 	snop;
	(pc) =	sbr.ind lr, $3  }
0x3a: {  	_ = 	snop  }
0x3b: {  	_ = 	snop  }
0x3c: {  	p2 =	seq.s32 s10, $0x1;
	s10 =	sld [smem:$0x3F9B]  }
0x3d: {  	_ =	shalt  }
0x3e: {  	_ =	shalt  }
0x3f: {  	_ =	shalt  }
0x40: {  	_ =	shalt  }
0x41: {  	_ =	shalt  }
0x42: {  	_ =	shalt  }
0x43: {  	_ =	shalt  }
0x44: {  	_ =	shalt  }
0x45: {  	_ =	shalt  }
0x46: {  	_ =	shalt  }
0x47: {  	_ =	shalt  }
0x48: {  	_ =	shalt  }
0x49: {  	_ =	shalt  }
0x4a: {  	_ =	shalt  }
0x4b: {  	_ =	shalt  }
0x4c: {  	_ =	shalt  }
0x4d: {  	_ =	shalt  }
0x4e: {  	_ =	shalt  }
0x4f: {  	_ =	shalt  }
0x50: {  	_ =	shalt  }
0x51: {  	_ =	shalt  }
0x52: {  	_ =	shalt  }
0x53: {  	_ =	shalt  }
0x54: {  	_ =	shalt  }
0x55: {  	_ =	shalt  }
0x56: {  	_ =	shalt  }
0x57: {  	_ =	shalt  }
0x58: {  	_ =	shalt  }
0x59: {  	_ =	shalt  }
0x5a: {  	_ =	shalt  }
0x5b: {  	_ =	shalt  }
0x5c: {  	_ =	shalt  }
0x5d: {  	_ =	shalt  }
0x5e: {  	_ =	shalt  }
0x5f: {  	_ =	shalt  }
0x60: {  	_ =	shalt  }
0x61: {  	_ =	shalt  }
0x62: {  	_ =	shalt  }
0x63: {  	_ =	shalt  }
0x64: {  	_ =	shalt  }
0x65: {  	_ =	shalt  }
0x66: {  	_ =	shalt  }
0x67: {  	_ =	shalt  }
0x68: {  	_ =	shalt  }
0x69: {  	_ =	shalt  }
0x6a: {  	_ =	shalt  }
0x6b: {  	_ =	shalt  }
0x6c: {  	_ =	shalt  }
0x6d: {  	_ =	shalt  }
0x6e: {  	_ =	shalt  }
0x6f: {  	_ =	shalt  }
0x70: {  	_ =	shalt  }
0x71: {  	_ =	shalt  }
0x72: {  	_ =	shalt  }
0x73: {  	_ =	shalt  }
0x74: {  	_ =	shalt  }
0x75: {  	_ =	shalt  }
0x76: {  	_ =	shalt  }
0x77: {  	_ =	shalt  }
0x78: {  	_ =	shalt  }
0x79: {  	_ =	shalt  }
0x7a: {  	_ =	shalt  }
0x7b: {  	_ =	shalt  }
0x7c: {  	_ =	shalt  }
0x7d: {  	_ =	shalt  }
0x7e: {  	_ =	shalt  }
0x7f: {  	_ =	shalt  }
0x80: {  	_ =	shalt  }
0x81: {  	_ =	shalt  }
0x82: {  	_ =	shalt  }
0x83: {  	_ =	shalt  }
0x84: {  	_ =	shalt  }
0x85: {  	_ =	shalt  }
0x86: {  	_ =	shalt  }
0x87: {  	_ =	shalt  }
.Lfunc_end0:
.L_simem_size_0:
called_computation.2_lowered:
.L_overlay_start_0:
0x88: {  	s2 =	sld [smem:$0x3FD9]  }
0x89: {  	s3 =	sld [smem:$0x3FFE];
	_ =	sdelay $0x1  }
0x8a: {  	s1 =	srdreg.scid  }
0x8b: {  	s0 =	sand.u32 $0x1, s1  }
0x8c: {  	s13 =	sshll.u32 s0, $0xA;
	s2 =	sadd.s32 s3, s2  }
0x8d: {  	s2 =	sadd.s32 s2, s13  }
0x8e: {  	[smem:$0x3FA7] =	sst s2  }
0x8f: {  	_ = 	snop  }
0x90: {  	s2 =	sld [smem:$0x3FD0];
	_ =	sdelay $0x3  }
0x91: {  	s4 =	simm.s32 $0xA;
	s5 =	simm.s32 $0x10;
	s14 =	sadd.s32 $0x1, s2  }
0x92: {  	[smem:s5], [sflag:s4] =	dma.local [hbm:s14], $0x1  }
0x93: {  	_ =	swait.eq [sflag:s4], $0x1  }
0x94: {  	[sflag:s4] =	ssyncset.done $0x0  }
0x95: {  	[sflag:s4] =	ssyncadd.s32 $0xFFFFFFFF  }
0x96: {  	s15 =	sld [smem:$0x12]  }
0x97: {  	[smem:s5], [sflag:s4] =	dma.local [hbm:s2], $0x1  }
0x98: {  	_ =	swait.eq [sflag:s4], $0x1  }
0x99: {  	[sflag:s4] =	ssyncset.done $0x0  }
0x9a: {  	[sflag:s4] =	ssyncadd.s32 $0xFFFFFFFF  }
0x9b: {  	s16 =	sld [smem:$0x17];
	(tm) =	ssettm $0x1  }
0x9c: {  	s17 =	sld [smem:$0x3FFB];
	_ =	sdelay $0x3  }
0x9d: {  	_ =	strace s17  }
0x9e: {  	s4 =	sld [smem:$0x3FFC];
	_ =	sdelay $0x3  }
0x9f: {  	_ =	strace s4  }
0xa0: {  	s4 =	sld [smem:$0x3FFD];
	_ =	sdelay $0x3  }
0xa1: {  	_ =	strace s4  }
0xa2: {  	_ =	strace $0x8FFFFFFF  }
0xa3: {  	s18 =	sld [smem:$0x3FDB];
	_ =	sdelay $0x1  }
0xa4: {  	s19 =	simm.s32 $_scs_section_size  }
0xa5: {  	s6 =	simm.s32 $_size__tile_overlayer_lowered;
	s7 =	simm.s32 $_tile_overlayer_lowered  }
0xa6: {  	s22 =	simm.s32 $0x1BFF;
	s21 =	sshll.u32 s7, $0x1;
	s4 =	sadd.s32 s19, s18  }
0xa7: {  	s8 =	simm.s32 $0x0;
	s20 =	sshll.u32 s6, $0x1;
	s6 =	sadd.s32 s21, s4  }
0xa8: {  	[timem:s8], [sflag:s22] =	dma.local [hbm:s6], s20  }
0xa9: {  	_ =	swait.ge [sflag:s22], s20  }
0xaa: {  	s5 =	ssub.s32 $0x0, s20;
	[sflag:s22] =	ssyncset.done $0x0  }
0xab: {  	[sflag:s22] =	ssyncadd.s32 s5;
	_ =	sdelay $0x1  }
0xac: {  	s23 =	simm.s32 $0x1B8B  }
0xad: {  	_ =	swait.ge [sflag:s23], $0x1  }
0xae: {  	[sflag:s23] =	ssyncset.done $0x0  }
0xaf: {  	s25 =	simm.s32 $0x1B8E;
	s24 =	sld [smem:$0x3FFE];
	[sflag:s23] =	ssyncadd.s32 $0xFFFFFFFF  }
0xb0: {  	s26 =	simm.s32 $execute0_lowered;
	[smem:$0x3FD2] =	sst s25  }
0xb1: {  	s6 =	sshll.u32 s26, $0x1;
	_ =	strace $0x8000004C;
	[dreg:$0x1] =	wrdreg $0xFFFFFFFF  }
0xb2: {  	s28 =	simm.s32 $_size_execute0_lowered;
	s4 =	sadd.s32 s4, s6;
	[dreg:$0x0] =	wrdreg $0x0  }
0xb3: {  	s6 =	sshll.u32 s28, $0x1;
	[dreg:$0x2] =	wrdreg s4  }
0xb4: {  	[dreg:$0x3] =	wrdreg s6  }
0xb5: {  	[dreg:$0x4] =	wrdreg $0xC0  }
0xb6: {  	_ =	task [dreg:s8], $0x5FFFF  }
0xb7: {  	[dreg:$0x1] =	wrdreg $0xFFFFFFFF  }
0xb8: {  	[dreg:$0x0] =	wrdreg $0x60  }
0xb9: {  	[dreg:$0x2] =	wrdreg s15  }
0xba: {  	[dreg:$0x3] =	wrdreg s16  }
0xbb: {  	[dreg:$0x4] =	wrdreg s24  }
0xbc: {  	[dreg:$0x5] =	wrdreg $0x9  }
0xbd: {  	_ =	task.clear_ibuf [dreg:s8], $0x6FFFF;
	_ =	strace $0x9000004C  }
0xbe: {  	s29 =	simm.s32 $0x9;
	_ =	strace $0x8000004E  }
0xbf: {  	_ =	swait.ge [sflag:s29], $0x1  }
0xc0: {  	[sflag:s29] =	ssyncadd.s32 $0xFFFFFFFF  }
0xc1: {  	_ =	strace $0x9000004E  }
0xc2: {  	_ =	sfence  }
0xc3: {  	s30 =	sld [smem:$0x0];
	_ =	sdelay $0x2  }
0xc4: {  	s31 =	sshll.u32 s1, $0xD;
	s1 =	sshrl.u32 s1, $0x2  }
0xc5: {  	s3 =	sand.u32 $0x4000, s31;
	s1 =	sadd.s32 s1, s30  }
0xc6: {  	s0 =	sor.u32 s3, s0;
	s1 =	sshll.u32 s1, $0x11  }
0xc7: {  	s0 =	sor.u32 s1, s0  }
0xc8: {  	s0 =	sadd.s32 $0x8F2B, s0  }
0xc9: {  	[sflag:s0] =	ssyncadd.remote.s32 $0x1  }
0xca: {  	_ =	sfence.sel $0xFFFF  }
0xcb: {  	[dreg:$0x0] =	wrdreg $0xFFFFFFFF;
	(pc) =	sbr.abs _section_cstart, $3  }
0xcc: {  	[dreg:$0x1] =	wrdreg $0xFFFFFFFF  }
0xcd: {  	_ =	task.clear_ibuf [dreg:s8], $0x2FFFF;
	_ =	strace $0x9FFFFFFF  }
0xce: {  	(tm) =	ssettm $0x7FFFFFFF  }
0xcf: {  	_ =	shalt  }
tec
execute0_lowered:
.L_overlay_start_1:
0x0: {  	(tag) =	ssettag $0x1  }
0x1: {  	s1 =	rddreg [dreg:$0x0]  }
0x2: {  	s5 =	rddreg [dreg:$0x1];
	s0 =	stileid.u32  }
0x3: {  	s2 =	srdreg.scid;
	s4 =	rddreg [dreg:$0x2]  }
0x4: {  	s3 =	simm.s32 $0x0;
	s7 =	sand.u32 $0x1, s2;
	s2 =	rddreg [dreg:$0x3]  }
0x5: {  	s6 =	smul.u32 $0x8400, s0;
	[smem:$0x7FF] =	sst s3  }
0x6: {  	s9 =	sshll.u32 s0, $0xA;
	s8 =	ssub.s32 $0x2, s7;
	s10 =	sshll.u32 s7, $0x9  }
0x7: {  	s7 =	smul.u32 $0x4200, s7;
	_ =	strace $0x8000004D;
	s6 =	sadd.s32 s6, s4  }
0x8: {  	s30 =	sshrl.u32 s8, $0x1;
	s31 =	sor.u32 s10, s9;
	s9 =	simm.s32 $0x1  }
0x9: {  	s10 =	simm.s32 $0x0;
	s4 =	ssub.s32 s8, s30;
	s8 =	sshrl.u32 s31, $0x3  }
0xa: {  	s6 =	sadd.s32 s7, s6;
	s7 =	simm.s32 $0x2;
	s4 =	smax.u32 s4, $0x1  }
0xb: {  	s5 =	sadd.s32 s8, s5;
	s6 =	sadd.s32 $0x6F200, s6;
	s8 =	simm.s32 $0x40  }
.LBB2_1:
0xc: {  	s11 =	sadd.s32 $0x0, s5  }
0xd: {  	[tilespmem:s3], [sflag:$0x2] =	stream.linear.gather [hbm4b:s11+s3], $0x40, $0x38;
	[tilespmem:$0x4240] =	vst v63  }
0xe: {  	_ =	swait.ge [sflag:s7], $0x40  }
0xf: {  	[sflag:s7] =	ssyncset.done $0x0  }
0x10: {  	[sflag:s7] =	ssyncadd.s32 $0xFFFFFFC0  }
0x11: {  	[tilespmem:s8], [sflag:$0x1] =	stream.indirect.gather [hbm4b:s1+s8], $0x108, s3, s8, $0xb8;
	[tilespmem:$0x4240] =	vst v63  }
0x12: {  	_ =	swait.ge [sflag:s9], $0x4200  }
0x13: {  	[sflag:s9] =	ssyncset.done $0x0  }
0x14: {  	[sflag:s9] =	ssyncadd.s32 $0xFFFFBE00  }
0x15: {  	[hbm4b:s6+s3] =	stream.linear.scatter [tilespmem:s8], [sflag:$0x2], $0x4200, $0x38;
	[tilespmem:$0x4240] =	vst v63  }
0x16: {  	s12 =	simm.s32 $0x8;
	_ =	swait.ge [sflag:s7], $0x4200  }
0x17: {  	s13 =	simm.s32 $0x10;
	s11 =	sadd.s32 $0x840, s6;
	[sflag:s7] =	ssyncset.done $0x0  }
.LBB2_2:
0x18: {  	s14 =	sadd.s32 s12, s5  }
0x19: {  	[sflag:s7] =	ssyncadd.s32 $0xFFFFBE00;
	s12 =	smov.u32 s13;
	s15 =	sadd.s32 $0x8, s13  }
0x1a: {  	[tilespmem:s3], [sflag:$0x2] =	stream.linear.gather [hbm4b:s14+s3], $0x40, $0x38;
	[tilespmem:$0x4240] =	vst v63  }
0x1b: {  	p0 =	sne.s32 s13, $0x38;
	_ =	swait.ge [sflag:s7], $0x40  }
0x1c: {  	[sflag:s7] =	ssyncset.done $0x0  }
0x1d: {  	[sflag:s7] =	ssyncadd.s32 $0xFFFFFFC0  }
0x1e: {  	[tilespmem:s8], [sflag:$0x1] =	stream.indirect.gather [hbm4b:s1+s8], $0x108, s3, s8, $0xb8;
	[tilespmem:$0x4240] =	vst v63  }
0x1f: {  	_ =	swait.ge [sflag:s9], $0x4200  }
.Ltmp0:
0x20: {  	[sflag:s9] =	ssyncset.done $0x0;
	(pc) =	sbr.rel @p0 .LBB2_2-.Ltmp0, $4  }
0x21: {  	[sflag:s9] =	ssyncadd.s32 $0xFFFFBE00  }
0x22: {  	[hbm4b:s11+s3] =	stream.linear.scatter [tilespmem:s8], [sflag:$0x2], $0x4200, $0x38;
	[tilespmem:$0x4240] =	vst v63  }
0x23: {  	_ =	swait.ge [sflag:s7], $0x4200  }
0x24: {  	s13 =	smov.u32 s15;
	s11 =	sadd.s32 $0x840, s11;
	[sflag:s7] =	ssyncset.done $0x0  }
0x25: {  	s12 =	sadd.s32 s12, s5;
	[sflag:s7] =	ssyncadd.s32 $0xFFFFBE00  }
0x26: {  	[tilespmem:s3], [sflag:$0x2] =	stream.linear.gather [hbm4b:s12+s3], $0x40, $0x38;
	[tilespmem:$0x4240] =	vst v63  }
0x27: {  	_ =	swait.ge [sflag:s7], $0x40  }
0x28: {  	[sflag:s7] =	ssyncset.done $0x0  }
0x29: {  	[sflag:s7] =	ssyncadd.s32 $0xFFFFFFC0  }
0x2a: {  	[tilespmem:s8], [sflag:$0x1] =	stream.indirect.gather [hbm4b:s1+s8], $0x108, s3, s8, $0xb8;
	[tilespmem:$0x4240] =	vst v63  }
0x2b: {  	s10 =	sadd.s32 $0x1, s10;
	_ =	swait.ge [sflag:s9], $0x4200  }
0x2c: {  	p0 =	sne.s32 s10, s4;
	[sflag:s9] =	ssyncset.done $0x0  }
.Ltmp1:
0x2d: {  	[sflag:s9] =	ssyncadd.s32 $0xFFFFBE00;
	(pc) =	sbr.rel @p0 .LBB2_1-.Ltmp1, $4  }
0x2e: {  	[hbm4b:s11+s3] =	stream.linear.scatter [tilespmem:s8], [sflag:$0x2], $0x4200, $0x38;
	[tilespmem:$0x4240] =	vst v63  }
0x2f: {  	_ =	swait.ge [sflag:s7], $0x4200  }
0x30: {  	[sflag:s7] =	ssyncset.done $0x0  }
0x31: {  	[sflag:s7] =	ssyncadd.s32 $0xFFFFBE00  }
0x32: {  	_ =	sfence.sel $0x180000  }
0x33: {  	[bflag:$0x0] =	sbarrier.arrive $0xFFFF  }
0x34: {  	p0 =	sne.s32 s0, $0x0;
	_ =	strace $0x9000004D  }
0x35: {  	s0 =	sadd.s32 @!p0 $0x100000, s2;
	[bflag:$0x2] =	sbarrier.arrive $0xFFFF  }
0x36: {  	[sflag:s0] =	ssyncadd.tile.s32 @!p0 $0x1;
	_ =	shalt  }
.Lfunc_end2:
_tile_overlayer_lowered:
.L_overlay_start_2:
0x37: {  	(tag) =	ssettag $0x2  }
0x38: {  	s0 =	rddreg [dreg:$0x0];
	s2 =	stileid.u32  }
0x39: {  	s1 =	rddreg [dreg:$0x1];
	p0 =	sne.s32 s2, $0x0  }
0x3a: {  	s3 =	rddreg [dreg:$0x2];
	[bflag:$0x3] =	sbarrier.arrive $0xFFFF;
	s2 =	simm.s32 @!p0 $0x1C02  }
0x3b: {  	[timem:s3], [sflag:s2] =	dma.local @!p0 [hbm:s0], s1  }
0x3c: {  	s0 =	simm.s32 @!p0 $0x2  }
0x3d: {  	_ =	swait.ge @!p0 [sflag:s0], s1  }
0x3e: {  	s1 =	ssub.s32 @!p0 $0x0, s1;
	[sflag:s0] =	ssyncset.done @!p0 $0x0  }
0x3f: {  	[sflag:s0] =	ssyncadd.s32 @!p0 s1  }
0x40: {  	[bflag:$0x3] =	sbarrier.arrive $0xFFFF  }
0x41: {  	_ =	shalt  }

// kernel: kernel.29.cloned.1.call-start
scs
__scs_entry_jumppad:
0x0: {  	(pc) =	sbr.rel $0x88, $3  }
0x1: {  	(tag) =	ssettag $0x0;
	lr =	simm.s32 $0x1  }
0x2: {  	[smem:$0x3F80] =	sst lr;
	_ =	strace $0xD0000000  }
0x3: {  	_ = 	snop  }
0x4: {  	_ = 	snop  }
0x5: {  	_ = 	snop  }
0x6: {  	_ = 	snop  }
0x7: {  	_ = 	snop  }
__scs_overlays_trampoline_lowered:
0x8: {  	[smem:$0x3F8F] =	sst s0  }
0x9: {  	[smem:$0x3F90] =	sst s1  }
0xa: {  	[smem:$0x3F91] =	sst s2  }
0xb: {  	[smem:$0x3F92] =	sst s3  }
0xc: {  	[smem:$0x3F93] =	sst s4  }
0xd: {  	[smem:$0x3F94] =	sst s5  }
0xe: {  	[smem:$0x3F95] =	sst s6  }
0xf: {  	[smem:$0x3F96] =	sst s7  }
0x10: {  	[smem:$0x3F97] =	sst s8  }
0x11: {  	[smem:$0x3F98] =	sst s9;
	s0 =	simm.s32 @!p0 $0x0  }
0x12: {  	s1 =	sld [smem:$0x3F7E];
	s0 =	simm.s32 @p0 $0x1  }
0x13: {  	[smem:$0x3F99] =	sst s0;
	s0 =	simm.s32 @!p1 $0x0  }
0x14: {  	s2 =	sld [smem:$0x3F7D];
	s0 =	simm.s32 @p1 $0x1  }
0x15: {  	[smem:$0x3F9A] =	sst s0;
	s0 =	simm.s32 @!p2 $0x0  }
0x16: {  	s3 =	sld [smem:$0x3FDB];
	s0 =	simm.s32 @p2 $0x1  }
0x17: {  	s4 =	simm.s32 $0x1BF5;
	[smem:$0x3F9C] =	sst s0  }
0x18: {  	s0 =	sld [smem:$0x3F7F];
	_ =	swait.ge [sflag:s4], $0x0  }
0x19: {  	s7 =	sld [smem:$0x3F80]  }
0x1a: {  	s8 =	sadd.s32 $0xFFFFE003, lr  }
0x1b: {  	s9 =	sadd.s32 $0xFFFFFEF7, lr;
	s5 =	simm.s32 $0xFFFFFFFF;
	p2 =	slt.u32 s8, $0xFFFFF086  }
0x1c: {  	p1 =	slt.u32 s9, $0xF7A;
	s5 =	simm.s32 @!p2 $0x0  }
0x1d: {  	s5 =	simm.s32 @p1 $0x1;
	p0 =	seq.s32 s7, s2  }
0x1e: {  	s7 =	smul.u32 @!p0 $0xF7A, s2;
	p2 =	seq.s32 @!p0 s5, $0x0  }
0x1f: {  	s9 =	smul.u32 $0xF7A, s1;
	s8 =	simm.s32 @!p0 $0x1BF5;
	p2 =	por !p2, p0  }
0x20: {  	[sflag:s8] =	ssyncset.s32 @!p0 $0xFFFFF086;
	s6 =	sadd.s32 @!p0 s3, s7;
	s7 =	simm.s32 @!p0 $0x108  }
0x21: {  	s3 =	sadd.s32 s3, s9;
	s6 =	sadd.s32 @!p0 $0x88, s6;
	s7 =	simm.s32 @p2 $0x1082  }
0x22: {  	[simem:s7], [sflag:s8] =	dma.local @!p0 [hbm:s6], $0xF7A  }
0x23: {  	s9 =	sor.u32 $0xD0000000, s2;
	s6 =	simm.s32 $0x108;
	_ =	swait.ge @!p0 [sflag:s8], $0x0  }
0x24: {  	s3 =	sadd.s32 $0x88, s3;
	s6 =	simm.s32 @!p1 $0x1082;
	[sflag:s4] =	ssyncset.s32 $0xFFFFF086  }
0x25: {  	[simem:s6], [sflag:s4] =	dma.local [hbm:s3], $0xF7A  }
0x26: {  	[smem:$0x3F80] =	sst s1;
	(tag) =	ssettag s2;
	_ =	strace s9  }
0x27: {  	s1 =	sld [smem:$0x3F90]  }
0x28: {  	s2 =	sld [smem:$0x3F91]  }
0x29: {  	s4 =	sld [smem:$0x3F93]  }
0x2a: {  	p0 =	seq.s32 s5, $0x0;
	s5 =	sld [smem:$0x3F94]  }
0x2b: {  	s6 =	sld [smem:$0x3F95]  }
0x2c: {  	s7 =	sld [smem:$0x3F96]  }
0x2d: {  	s3 =	simm.s32 $0x108;
	s8 =	sld [smem:$0x3F97]  }
0x2e: {  	s3 =	simm.s32 @!p0 $0x1082;
	s9 =	sld [smem:$0x3F98]  }
0x2f: {  	lr =	sadd.s32 s0, s3;
	s0 =	sld [smem:$0x3F8F]  }
0x30: {  	s3 =	sld [smem:$0x3F92]  }
0x31: {  	[smem:$0x3F9B] =	sst s10  }
0x32: {  	s10 =	sld [smem:$0x3F99];
	_ =	sdelay $0x3  }
0x33: {  	p0 =	seq.s32 s10, $0x1;
	s10 =	sld [smem:$0x3F9B];
	_ =	sdelay $0x3  }
0x34: {  	[smem:$0x3F9B] =	sst s10  }
0x35: {  	s10 =	sld [smem:$0x3F9A];
	_ =	sdelay $0x3  }
0x36: {  	p1 =	seq.s32 s10, $0x1;
	s10 =	sld [smem:$0x3F9B];
	_ =	sdelay $0x3  }
0x37: {  	[smem:$0x3F9B] =	sst s10  }
0x38: {  	s10 =	sld [smem:$0x3F9C]  }
0x39: {  	_ = 	snop;
	(pc) =	sbr.ind lr, $3  }
0x3a: {  	_ = 	snop  }
0x3b: {  	_ = 	snop  }
0x3c: {  	p2 =	seq.s32 s10, $0x1;
	s10 =	sld [smem:$0x3F9B]  }
0x3d: {  	_ =	shalt  }
0x3e: {  	_ =	shalt  }
0x3f: {  	_ =	shalt  }
0x40: {  	_ =	shalt  }
0x41: {  	_ =	shalt  }
0x42: {  	_ =	shalt  }
0x43: {  	_ =	shalt  }
0x44: {  	_ =	shalt  }
0x45: {  	_ =	shalt  }
0x46: {  	_ =	shalt  }
0x47: {  	_ =	shalt  }
0x48: {  	_ =	shalt  }
0x49: {  	_ =	shalt  }
0x4a: {  	_ =	shalt  }
0x4b: {  	_ =	shalt  }
0x4c: {  	_ =	shalt  }
0x4d: {  	_ =	shalt  }
0x4e: {  	_ =	shalt  }
0x4f: {  	_ =	shalt  }
0x50: {  	_ =	shalt  }
0x51: {  	_ =	shalt  }
0x52: {  	_ =	shalt  }
0x53: {  	_ =	shalt  }
0x54: {  	_ =	shalt  }
0x55: {  	_ =	shalt  }
0x56: {  	_ =	shalt  }
0x57: {  	_ =	shalt  }
0x58: {  	_ =	shalt  }
0x59: {  	_ =	shalt  }
0x5a: {  	_ =	shalt  }
0x5b: {  	_ =	shalt  }
0x5c: {  	_ =	shalt  }
0x5d: {  	_ =	shalt  }
0x5e: {  	_ =	shalt  }
0x5f: {  	_ =	shalt  }
0x60: {  	_ =	shalt  }
0x61: {  	_ =	shalt  }
0x62: {  	_ =	shalt  }
0x63: {  	_ =	shalt  }
0x64: {  	_ =	shalt  }
0x65: {  	_ =	shalt  }
0x66: {  	_ =	shalt  }
0x67: {  	_ =	shalt  }
0x68: {  	_ =	shalt  }
0x69: {  	_ =	shalt  }
0x6a: {  	_ =	shalt  }
0x6b: {  	_ =	shalt  }
0x6c: {  	_ =	shalt  }
0x6d: {  	_ =	shalt  }
0x6e: {  	_ =	shalt  }
0x6f: {  	_ =	shalt  }
0x70: {  	_ =	shalt  }
0x71: {  	_ =	shalt  }
0x72: {  	_ =	shalt  }
0x73: {  	_ =	shalt  }
0x74: {  	_ =	shalt  }
0x75: {  	_ =	shalt  }
0x76: {  	_ =	shalt  }
0x77: {  	_ =	shalt  }
0x78: {  	_ =	shalt  }
0x79: {  	_ =	shalt  }
0x7a: {  	_ =	shalt  }
0x7b: {  	_ =	shalt  }
0x7c: {  	_ =	shalt  }
0x7d: {  	_ =	shalt  }
0x7e: {  	_ =	shalt  }
0x7f: {  	_ =	shalt  }
0x80: {  	_ =	shalt  }
0x81: {  	_ =	shalt  }
0x82: {  	_ =	shalt  }
0x83: {  	_ =	shalt  }
0x84: {  	_ =	shalt  }
0x85: {  	_ =	shalt  }
0x86: {  	_ =	shalt  }
0x87: {  	_ =	shalt  }
.Lfunc_end0:
.L_simem_size_0:
called_computation.3_lowered:
.L_overlay_start_0:
0x88: {  	s2 =	sld [smem:$0x3FD9]  }
0x89: {  	s3 =	sld [smem:$0x3FFE];
	_ =	sdelay $0x1  }
0x8a: {  	s1 =	srdreg.scid  }
0x8b: {  	s0 =	sand.u32 $0x1, s1  }
0x8c: {  	s14 =	sshll.u32 s0, $0xA;
	s2 =	sadd.s32 s3, s2  }
0x8d: {  	s2 =	sadd.s32 s2, s14  }
0x8e: {  	[smem:$0x3FA7] =	sst s2  }
0x8f: {  	_ = 	snop  }
0x90: {  	s2 =	sld [smem:$0x3FD0];
	_ =	sdelay $0x3  }
0x91: {  	s15 =	simm.s32 $0xA;
	s4 =	simm.s32 $0x10;
	s2 =	sadd.s32 $0x1, s2  }
0x92: {  	[smem:s4], [sflag:s15] =	dma.local [hbm:s2], $0x1  }
0x93: {  	_ =	swait.eq [sflag:s15], $0x1  }
0x94: {  	[sflag:s15] =	ssyncset.done $0x0  }
0x95: {  	s16 =	sld [smem:$0x11];
	[sflag:s15] =	ssyncadd.s32 $0xFFFFFFFF  }
0x96: {  	s17 =	sld [smem:$0x12];
	(tm) =	ssettm $0x1  }
0x97: {  	s18 =	sld [smem:$0x3FFB];
	_ =	sdelay $0x3  }
0x98: {  	_ =	strace s18  }
0x99: {  	s4 =	sld [smem:$0x3FFC];
	_ =	sdelay $0x3  }
0x9a: {  	_ =	strace s4  }
0x9b: {  	s4 =	sld [smem:$0x3FFD];
	_ =	sdelay $0x3  }
0x9c: {  	_ =	strace s4  }
0x9d: {  	_ =	strace $0x8FFFFFFF  }
0x9e: {  	s19 =	sld [smem:$0x3FDB];
	_ =	sdelay $0x1  }
0x9f: {  	s5 =	simm.s32 $_scs_section_size  }
0xa0: {  	s6 =	simm.s32 $_size__tile_overlayer_lowered;
	s7 =	simm.s32 $_tile_overlayer_lowered  }
0xa1: {  	s22 =	simm.s32 $0x1BFF;
	s21 =	sshll.u32 s7, $0x1;
	s4 =	sadd.s32 s5, s19  }
0xa2: {  	s8 =	simm.s32 $0x0;
	s20 =	sshll.u32 s6, $0x1;
	s6 =	sadd.s32 s21, s4  }
0xa3: {  	[timem:s8], [sflag:s22] =	dma.local [hbm:s6], s20  }
0xa4: {  	_ =	swait.ge [sflag:s22], s20  }
0xa5: {  	s5 =	ssub.s32 $0x0, s20;
	[sflag:s22] =	ssyncset.done $0x0  }
0xa6: {  	[sflag:s22] =	ssyncadd.s32 s5;
	_ =	sdelay $0x1  }
0xa7: {  	s23 =	simm.s32 $0x1B8B  }
0xa8: {  	_ =	swait.ge [sflag:s23], $0x1  }
0xa9: {  	[sflag:s23] =	ssyncset.done $0x0  }
0xaa: {  	s25 =	simm.s32 $0x1B8E;
	s24 =	sld [smem:$0x3FFE];
	[sflag:s23] =	ssyncadd.s32 $0xFFFFFFFF  }
0xab: {  	s26 =	simm.s32 $execute0_lowered;
	[smem:$0x3FD2] =	sst s25  }
0xac: {  	s6 =	sshll.u32 s26, $0x1;
	_ =	strace $0x8000004F;
	[dreg:$0x1] =	wrdreg $0xFFFFFFFF  }
0xad: {  	s28 =	simm.s32 $_size_execute0_lowered;
	s4 =	sadd.s32 s4, s6;
	[dreg:$0x0] =	wrdreg $0x0  }
0xae: {  	s6 =	sshll.u32 s28, $0x1;
	[dreg:$0x2] =	wrdreg s4  }
0xaf: {  	[dreg:$0x3] =	wrdreg s6  }
0xb0: {  	[dreg:$0x4] =	wrdreg $0xC0  }
0xb1: {  	_ =	task [dreg:s8], $0x5FFFF  }
0xb2: {  	[dreg:$0x1] =	wrdreg $0xFFFFFFFF  }
0xb3: {  	[dreg:$0x0] =	wrdreg $0x60  }
0xb4: {  	[dreg:$0x2] =	wrdreg s17  }
0xb5: {  	[dreg:$0x3] =	wrdreg s16  }
0xb6: {  	[dreg:$0x4] =	wrdreg s24  }
0xb7: {  	[dreg:$0x5] =	wrdreg $0x9  }
0xb8: {  	_ =	task.clear_ibuf [dreg:s8], $0x6FFFF;
	_ =	strace $0x9000004F  }
0xb9: {  	s29 =	simm.s32 $0x9;
	_ =	strace $0x80000051  }
0xba: {  	_ =	swait.ge [sflag:s29], $0x1  }
0xbb: {  	[sflag:s29] =	ssyncadd.s32 $0xFFFFFFFF  }
0xbc: {  	_ =	strace $0x90000051  }
0xbd: {  	_ =	sfence  }
0xbe: {  	s30 =	sld [smem:$0x0];
	_ =	sdelay $0x2  }
0xbf: {  	s31 =	sshll.u32 s1, $0xD;
	s1 =	sshrl.u32 s1, $0x2  }
0xc0: {  	s3 =	sand.u32 $0x4000, s31;
	s1 =	sadd.s32 s1, s30  }
0xc1: {  	s0 =	sor.u32 s3, s0;
	s1 =	sshll.u32 s1, $0x11  }
0xc2: {  	s0 =	sor.u32 s1, s0  }
0xc3: {  	s0 =	sadd.s32 $0x8F2B, s0  }
0xc4: {  	[sflag:s0] =	ssyncadd.remote.s32 $0x1  }
0xc5: {  	_ =	sfence.sel $0xFFFF  }
0xc6: {  	[dreg:$0x0] =	wrdreg $0xFFFFFFFF;
	(pc) =	sbr.abs _section_cstart, $3  }
0xc7: {  	[dreg:$0x1] =	wrdreg $0xFFFFFFFF  }
0xc8: {  	_ =	task.clear_ibuf [dreg:s8], $0x2FFFF;
	_ =	strace $0x9FFFFFFF  }
0xc9: {  	(tm) =	ssettm $0x7FFFFFFF  }
tec
execute0_lowered:
.L_overlay_start_1:
0x0: {  	(tag) =	ssettag $0x1  }
0x1: {  	s1 =	rddreg [dreg:$0x0];
	s2 =	srdreg.scid  }
0x2: {  	s13 =	rddreg [dreg:$0x1];
	s0 =	stileid.u32;
	s14 =	sand.u32 $0x1, s2  }
0x3: {  	s8 =	rddreg [dreg:$0x2];
	s4 =	sshll.u32 s0, $0x9;
	s5 =	sshll.u32 s14, $0x8  }
0x4: {  	s3 =	simm.s32 $0x0;
	s2 =	rddreg [dreg:$0x3];
	s15 =	sor.u32 s5, s4  }
0x5: {  	[smem:$0x7FF] =	sst s3;
	s4 =	sshrl.u32 s15, $0x3  }
0x6: {  	_ =	strace $0x80000050;
	s5 =	sadd.s32 s13, s4;
	s4 =	simm.s32 $0x2  }
0x7: {  	[tilespmem:s3], [sflag:$0x2] =	stream.linear.gather [hbm4b:s5+s3], $0x40, $0x38;
	[tilespmem:$0x4240] =	vst v63  }
0x8: {  	_ =	swait.ge [sflag:s4], $0x40  }
0x9: {  	[sflag:s4] =	ssyncset.done $0x0  }
0xa: {  	s6 =	simm.s32 $0x40;
	s7 =	simm.s32 $0x1;
	[sflag:s4] =	ssyncadd.s32 $0xFFFFFFC0  }
0xb: {  	[tilespmem:s6], [sflag:$0x1] =	stream.indirect.gather [hbm4b:s1+s6], $0x108, s3, s6, $0xb8;
	[tilespmem:$0x4240] =	vst v63  }
0xc: {  	s9 =	smul.u32 $0x21, s15;
	_ =	swait.ge [sflag:s7], $0x4200  }
0xd: {  	s16 =	sadd.s32 $0x6F200, s8;
	[sflag:s7] =	ssyncset.done $0x0  }
0xe: {  	s8 =	sadd.s32 s16, s9;
	[sflag:s7] =	ssyncadd.s32 $0xFFFFBE00  }
0xf: {  	[hbm4b:s8+s3] =	stream.linear.scatter [tilespmem:s6], [sflag:$0x2], $0x4200, $0x38;
	[tilespmem:$0x4240] =	vst v63  }
0x10: {  	s10 =	sor.u32 $0x40, s15;
	_ =	swait.ge [sflag:s4], $0x4200  }
0x11: {  	s29 =	sshrl.u32 s10, $0x3;
	[sflag:s4] =	ssyncset.done $0x0  }
0x12: {  	s9 =	sadd.s32 s13, s29;
	[sflag:s4] =	ssyncadd.s32 $0xFFFFBE00  }
0x13: {  	[tilespmem:s3], [sflag:$0x2] =	stream.linear.gather [hbm4b:s9+s3], $0x40, $0x38;
	[tilespmem:$0x4240] =	vst v63  }
0x14: {  	_ =	swait.ge [sflag:s4], $0x40  }
0x15: {  	[sflag:s4] =	ssyncset.done $0x0  }
0x16: {  	[sflag:s4] =	ssyncadd.s32 $0xFFFFFFC0  }
0x17: {  	[tilespmem:s6], [sflag:$0x1] =	stream.indirect.gather [hbm4b:s1+s6], $0x108, s3, s6, $0xb8;
	[tilespmem:$0x4240] =	vst v63  }
0x18: {  	s10 =	smul.u32 $0x21, s10;
	_ =	swait.ge [sflag:s7], $0x4200  }
0x19: {  	[sflag:s7] =	ssyncset.done $0x0  }
0x1a: {  	s10 =	sadd.s32 s16, s10;
	[sflag:s7] =	ssyncadd.s32 $0xFFFFBE00  }
0x1b: {  	[hbm4b:s10+s3] =	stream.linear.scatter [tilespmem:s6], [sflag:$0x2], $0x4200, $0x38;
	[tilespmem:$0x4240] =	vst v63  }
0x1c: {  	s12 =	sor.u32 $0x80, s15;
	_ =	swait.ge [sflag:s4], $0x4200  }
0x1d: {  	s11 =	sshrl.u32 s12, $0x3;
	[sflag:s4] =	ssyncset.done $0x0  }
0x1e: {  	s11 =	sadd.s32 s13, s11;
	[sflag:s4] =	ssyncadd.s32 $0xFFFFBE00  }
0x1f: {  	[tilespmem:s3], [sflag:$0x2] =	stream.linear.gather [hbm4b:s11+s3], $0x40, $0x38;
	[tilespmem:$0x4240] =	vst v63  }
0x20: {  	_ =	swait.ge [sflag:s4], $0x40  }
0x21: {  	[sflag:s4] =	ssyncset.done $0x0  }
0x22: {  	[sflag:s4] =	ssyncadd.s32 $0xFFFFFFC0  }
0x23: {  	[tilespmem:s6], [sflag:$0x1] =	stream.indirect.gather [hbm4b:s1+s6], $0x108, s3, s6, $0xb8;
	[tilespmem:$0x4240] =	vst v63  }
0x24: {  	s12 =	smul.u32 $0x21, s12;
	_ =	swait.ge [sflag:s7], $0x4200  }
0x25: {  	[sflag:s7] =	ssyncset.done $0x0  }
0x26: {  	s12 =	sadd.s32 s16, s12;
	[sflag:s7] =	ssyncadd.s32 $0xFFFFBE00  }
0x27: {  	[hbm4b:s12+s3] =	stream.linear.scatter [tilespmem:s6], [sflag:$0x2], $0x4200, $0x38;
	[tilespmem:$0x4240] =	vst v63  }
0x28: {  	s15 =	sor.u32 $0xC0, s15;
	_ =	swait.ge [sflag:s4], $0x4200  }
0x29: {  	s17 =	sshrl.u32 s15, $0x3;
	[sflag:s4] =	ssyncset.done $0x0  }
0x2a: {  	s14 =	ssub.s32 $0x2, s14;
	s13 =	sadd.s32 s13, s17;
	[sflag:s4] =	ssyncadd.s32 $0xFFFFBE00  }
0x2b: {  	[tilespmem:s3], [sflag:$0x2] =	stream.linear.gather [hbm4b:s13+s3], $0x40, $0x38;
	[tilespmem:$0x4240] =	vst v63  }
0x2c: {  	s30 =	sshrl.u32 s14, $0x1;
	_ =	swait.ge [sflag:s4], $0x40  }
0x2d: {  	s17 =	ssub.s32 s14, s30;
	[sflag:s4] =	ssyncset.done $0x0  }
0x2e: {  	s31 =	smax.u32 s17, $0x1;
	[sflag:s4] =	ssyncadd.s32 $0xFFFFFFC0  }
0x2f: {  	[tilespmem:s6], [sflag:$0x1] =	stream.indirect.gather [hbm4b:s1+s6], $0x108, s3, s6, $0xb8;
	[tilespmem:$0x4240] =	vst v63  }
0x30: {  	s15 =	smul.u32 $0x21, s15;
	p0 =	sne.s32 s31, $0x1;
	_ =	swait.ge [sflag:s7], $0x4200  }
.Ltmp0:
0x31: {  	[sflag:s7] =	ssyncset.done $0x0;
	(pc) =	sbr.rel @!p0 .LBB2_2-.Ltmp0, $4  }
0x32: {  	s14 =	sadd.s32 s16, s15;
	[sflag:s7] =	ssyncadd.s32 $0xFFFFBE00  }
0x33: {  	[hbm4b:s14+s3] =	stream.linear.scatter [tilespmem:s6], [sflag:$0x2], $0x4200, $0x38;
	[tilespmem:$0x4240] =	vst v63  }
0x34: {  	_ =	swait.ge [sflag:s4], $0x4200  }
0x35: {  	s15 =	sadd.s32 $0xFFFFFFFF, s31;
	[sflag:s4] =	ssyncset.done $0x0  }
.LBB2_1:
0x36: {  	p0 =	sne.s32 s15, $0x1;
	s15 =	sadd.s32 $0xFFFFFFFF, s15;
	[sflag:s4] =	ssyncadd.s32 $0xFFFFBE00  }
0x37: {  	[tilespmem:s3], [sflag:$0x2] =	stream.linear.gather [hbm4b:s5+s3], $0x40, $0x38;
	[tilespmem:$0x4240] =	vst v63  }
0x38: {  	_ =	swait.ge [sflag:s4], $0x40  }
0x39: {  	[sflag:s4] =	ssyncset.done $0x0  }
0x3a: {  	[sflag:s4] =	ssyncadd.s32 $0xFFFFFFC0  }
0x3b: {  	[tilespmem:s6], [sflag:$0x1] =	stream.indirect.gather [hbm4b:s1+s6], $0x108, s3, s6, $0xb8;
	[tilespmem:$0x4240] =	vst v63  }
0x3c: {  	_ =	swait.ge [sflag:s7], $0x4200  }
0x3d: {  	[sflag:s7] =	ssyncset.done $0x0  }
0x3e: {  	[sflag:s7] =	ssyncadd.s32 $0xFFFFBE00  }
0x3f: {  	[hbm4b:s8+s3] =	stream.linear.scatter [tilespmem:s6], [sflag:$0x2], $0x4200, $0x38;
	[tilespmem:$0x4240] =	vst v63  }
0x40: {  	_ =	swait.ge [sflag:s4], $0x4200  }
0x41: {  	[sflag:s4] =	ssyncset.done $0x0  }
0x42: {  	[sflag:s4] =	ssyncadd.s32 $0xFFFFBE00  }
0x43: {  	[tilespmem:s3], [sflag:$0x2] =	stream.linear.gather [hbm4b:s9+s3], $0x40, $0x38;
	[tilespmem:$0x4240] =	vst v63  }
0x44: {  	_ =	swait.ge [sflag:s4], $0x40  }
0x45: {  	[sflag:s4] =	ssyncset.done $0x0  }
0x46: {  	[sflag:s4] =	ssyncadd.s32 $0xFFFFFFC0  }
0x47: {  	[tilespmem:s6], [sflag:$0x1] =	stream.indirect.gather [hbm4b:s1+s6], $0x108, s3, s6, $0xb8;
	[tilespmem:$0x4240] =	vst v63  }
0x48: {  	_ =	swait.ge [sflag:s7], $0x4200  }
0x49: {  	[sflag:s7] =	ssyncset.done $0x0  }
0x4a: {  	[sflag:s7] =	ssyncadd.s32 $0xFFFFBE00  }
0x4b: {  	[hbm4b:s10+s3] =	stream.linear.scatter [tilespmem:s6], [sflag:$0x2], $0x4200, $0x38;
	[tilespmem:$0x4240] =	vst v63  }
0x4c: {  	_ =	swait.ge [sflag:s4], $0x4200  }
0x4d: {  	[sflag:s4] =	ssyncset.done $0x0  }
0x4e: {  	[sflag:s4] =	ssyncadd.s32 $0xFFFFBE00  }
0x4f: {  	[tilespmem:s3], [sflag:$0x2] =	stream.linear.gather [hbm4b:s11+s3], $0x40, $0x38;
	[tilespmem:$0x4240] =	vst v63  }
0x50: {  	_ =	swait.ge [sflag:s4], $0x40  }
0x51: {  	[sflag:s4] =	ssyncset.done $0x0  }
0x52: {  	[sflag:s4] =	ssyncadd.s32 $0xFFFFFFC0  }
0x53: {  	[tilespmem:s6], [sflag:$0x1] =	stream.indirect.gather [hbm4b:s1+s6], $0x108, s3, s6, $0xb8;
	[tilespmem:$0x4240] =	vst v63  }
0x54: {  	_ =	swait.ge [sflag:s7], $0x4200  }
0x55: {  	[sflag:s7] =	ssyncset.done $0x0  }
0x56: {  	[sflag:s7] =	ssyncadd.s32 $0xFFFFBE00  }
0x57: {  	[hbm4b:s12+s3] =	stream.linear.scatter [tilespmem:s6], [sflag:$0x2], $0x4200, $0x38;
	[tilespmem:$0x4240] =	vst v63  }
0x58: {  	_ =	swait.ge [sflag:s4], $0x4200  }
0x59: {  	[sflag:s4] =	ssyncset.done $0x0  }
0x5a: {  	[sflag:s4] =	ssyncadd.s32 $0xFFFFBE00  }
0x5b: {  	[tilespmem:s3], [sflag:$0x2] =	stream.linear.gather [hbm4b:s13+s3], $0x40, $0x38;
	[tilespmem:$0x4240] =	vst v63  }
0x5c: {  	_ =	swait.ge [sflag:s4], $0x40  }
0x5d: {  	[sflag:s4] =	ssyncset.done $0x0  }
0x5e: {  	[sflag:s4] =	ssyncadd.s32 $0xFFFFFFC0  }
0x5f: {  	[tilespmem:s6], [sflag:$0x1] =	stream.indirect.gather [hbm4b:s1+s6], $0x108, s3, s6, $0xb8;
	[tilespmem:$0x4240] =	vst v63  }
0x60: {  	_ =	swait.ge [sflag:s7], $0x4200  }
.Ltmp1:
0x61: {  	[sflag:s7] =	ssyncset.done $0x0;
	(pc) =	sbr.rel @p0 .LBB2_1-.Ltmp1, $4  }
0x62: {  	[sflag:s7] =	ssyncadd.s32 $0xFFFFBE00  }
0x63: {  	[hbm4b:s14+s3] =	stream.linear.scatter [tilespmem:s6], [sflag:$0x2], $0x4200, $0x38;
	[tilespmem:$0x4240] =	vst v63  }
0x64: {  	_ =	swait.ge [sflag:s4], $0x4200  }
0x65: {  	[sflag:s4] =	ssyncset.done $0x0  }
.LBB2_2:
0x66: {  	[sflag:s4] =	ssyncadd.s32 $0xFFFFBE00  }
0x67: {  	_ =	sfence.sel $0x180000  }
0x68: {  	[bflag:$0x0] =	sbarrier.arrive $0xFFFF  }
0x69: {  	p0 =	sne.s32 s0, $0x0;
	_ =	strace $0x90000050  }
0x6a: {  	s0 =	sadd.s32 @!p0 $0x100000, s2;
	[bflag:$0x2] =	sbarrier.arrive $0xFFFF  }
0x6b: {  	[sflag:s0] =	ssyncadd.tile.s32 @!p0 $0x1;
	_ =	shalt  }
.Lfunc_end2:
_tile_overlayer_lowered:
.L_overlay_start_2:
0x6c: {  	(tag) =	ssettag $0x2  }
0x6d: {  	s0 =	rddreg [dreg:$0x0];
	s2 =	stileid.u32  }
0x6e: {  	s1 =	rddreg [dreg:$0x1];
	p0 =	sne.s32 s2, $0x0  }
0x6f: {  	s3 =	rddreg [dreg:$0x2];
	[bflag:$0x3] =	sbarrier.arrive $0xFFFF;
	s2 =	simm.s32 @!p0 $0x1C02  }
0x70: {  	[timem:s3], [sflag:s2] =	dma.local @!p0 [hbm:s0], s1  }
0x71: {  	s0 =	simm.s32 @!p0 $0x2  }
0x72: {  	_ =	swait.ge @!p0 [sflag:s0], s1  }
0x73: {  	s1 =	ssub.s32 @!p0 $0x0, s1;
	[sflag:s0] =	ssyncset.done @!p0 $0x0  }
0x74: {  	[sflag:s0] =	ssyncadd.s32 @!p0 s1  }
0x75: {  	[bflag:$0x3] =	sbarrier.arrive $0xFFFF  }
0x76: {  	_ =	shalt  }

</sc_bundles>
